<compile_context>
chip_gen: v7x
topology: tpu7x:2x2x1
jax: 0.10.2.dev20260603
libtpu: 0.0.44.dev20260713+nightly
codegen_flags: <defaults>
</compile_context>

<pallas_src>
import jax
import jax.numpy as jnp
from jax import lax
from jax.experimental import pallas as pl
from jax.experimental.pallas import tpu as pltpu
from jax.experimental.pallas import tpu_sc as plsc

N_NODES = 10000
N_PAD = 10112
PAD_IDX = N_NODES + 1
N_EDGES = 320000
HID = 64
HHALF = HID // 2
IN_DIM = 128
N_ACT = 4096
FOCAL = 5

NC = 2
NT = 16
ROWS_PER_TILE = N_PAD // NT
CHUNK = 128
DEGW = 16
K_REAL = 316
K_HALF = K_REAL // 2
K_ALLOC = 320
E_SLOTS = NT * K_REAL * CHUNK


_SC_PARAMS = pltpu.CompilerParams(use_tc_tiling_on_sc=False)


def _sc_mesh():
    return plsc.VectorSubcoreMesh(core_axis_name="c", subcore_axis_name="s")


def _sc_deg_body(d_hbm, ones_hbm, z_hbm, out_hbm, d_v, dbuf_a, dbuf_b,
                 ones_v, sem_a, sem_b, acc):
    cid = lax.axis_index("c")
    sid = lax.axis_index("s")
    row0 = sid * ROWS_PER_TILE
    pltpu.sync_copy(d_hbm.at[sid], d_v)
    pltpu.sync_copy(ones_hbm, ones_v)
    pltpu.sync_copy(z_hbm.at[pl.ds(row0, ROWS_PER_TILE)],
                    acc.at[pl.ds(row0, ROWS_PER_TILE)])
    plsc.subcore_barrier()

    def fill(ibuf, w):
        j0 = 2 * w + cid * K_HALF
        for b in range(2):
            for i in range(CHUNK // 16):
                ibuf[pl.ds(b * CHUNK + 16 * i, 16)] = \
                    d_v[j0 + b, pl.ds(16 * i, 16)]

    NWIN = K_HALF // 2
    fill(dbuf_a, 0)
    pltpu.async_copy(ones_v, acc.at[dbuf_a], sem_a, add=True)
    fill(dbuf_b, 1)
    pltpu.async_copy(ones_v, acc.at[dbuf_b], sem_b, add=True)

    def step(g, carry):
        w0 = 2 * g
        pltpu.make_async_copy(ones_v, acc.at[dbuf_a], sem_a).wait()
        fill(dbuf_a, w0)
        pltpu.async_copy(ones_v, acc.at[dbuf_a], sem_a, add=True)
        pltpu.make_async_copy(ones_v, acc.at[dbuf_b], sem_b).wait()
        fill(dbuf_b, w0 + 1)
        pltpu.async_copy(ones_v, acc.at[dbuf_b], sem_b, add=True)
        return carry

    lax.fori_loop(1, (NWIN - 1) // 2, step, 0)
    pltpu.make_async_copy(ones_v, acc.at[dbuf_a], sem_a).wait()
    fill(dbuf_a, NWIN - 1)
    pltpu.async_copy(ones_v, acc.at[dbuf_a], sem_a, add=True)
    pltpu.make_async_copy(ones_v, acc.at[dbuf_a], sem_a).wait()
    pltpu.make_async_copy(ones_v, acc.at[dbuf_b], sem_b).wait()
    plsc.subcore_barrier()
    pltpu.sync_copy(acc.at[pl.ds(row0, ROWS_PER_TILE)],
                    out_hbm.at[cid, pl.ds(row0, ROWS_PER_TILE)])


def _sc_deg(d_arr, ones4, z4):
    return pl.kernel(
        _sc_deg_body,
        out_type=jax.ShapeDtypeStruct((NC, N_PAD, DEGW), jnp.float32),
        mesh=_sc_mesh(),
        compiler_params=_SC_PARAMS,
        scratch_types=[
            pltpu.VMEM((K_ALLOC, CHUNK), jnp.int32),
            pltpu.VMEM((2 * CHUNK,), jnp.int32),
            pltpu.VMEM((2 * CHUNK,), jnp.int32),
            pltpu.VMEM((2 * CHUNK, DEGW), jnp.float32),
            pltpu.SemaphoreType.DMA,
            pltpu.SemaphoreType.DMA,
            pltpu.VMEM_SHARED((N_PAD, DEGW), jnp.float32),
        ],
    )(d_arr, ones4, z4)


def _sc_spmm_body(s_hbm, d_hbm, tbl_hbm, z_hbm, out_hbm, s_v, d_v, dbuf,
                  buf_a, buf_b, sem_a, sem_b, acc, tbl_s):
    cid = lax.axis_index("c")
    sid = lax.axis_index("s")
    row0 = sid * ROWS_PER_TILE
    pltpu.sync_copy(s_hbm.at[sid], s_v)
    pltpu.sync_copy(d_hbm.at[sid], d_v)
    pltpu.sync_copy(z_hbm.at[pl.ds(row0, ROWS_PER_TILE)],
                    acc.at[pl.ds(row0, ROWS_PER_TILE)])
    pltpu.sync_copy(tbl_hbm.at[cid, pl.ds(row0, ROWS_PER_TILE)],
                    tbl_s.at[pl.ds(row0, ROWS_PER_TILE)])
    plsc.subcore_barrier()

    pltpu.async_copy(tbl_s.at[s_v.at[0]], buf_a, sem_a)

    def pair(g, carry):
        j0 = 2 * g
        j1 = j0 + 1
        pltpu.async_copy(tbl_s.at[s_v.at[j1]], buf_b, sem_b)
        pltpu.make_async_copy(tbl_s.at[s_v.at[j0]], buf_a, sem_a).wait()
        for i in range(CHUNK // 16):
            dbuf[pl.ds(16 * i, 16)] = d_v[j0, pl.ds(16 * i, 16)]
        pltpu.sync_copy(buf_a, acc.at[dbuf], add=True)
        pltpu.async_copy(tbl_s.at[s_v.at[j0 + 2]], buf_a, sem_a)
        pltpu.make_async_copy(tbl_s.at[s_v.at[j1]], buf_b, sem_b).wait()
        for i in range(CHUNK // 16):
            dbuf[pl.ds(16 * i, 16)] = d_v[j1, pl.ds(16 * i, 16)]
        pltpu.sync_copy(buf_b, acc.at[dbuf], add=True)
        return carry

    lax.fori_loop(0, K_REAL // 2, pair, 0)
    pltpu.make_async_copy(tbl_s.at[s_v.at[K_REAL]], buf_a, sem_a).wait()
    plsc.subcore_barrier()
    pltpu.sync_copy(acc.at[pl.ds(row0, ROWS_PER_TILE)],
                    out_hbm.at[cid, pl.ds(row0, ROWS_PER_TILE)])


def _sc_spmm(s_arr, d_arr, tbl, zh):
    return pl.kernel(
        _sc_spmm_body,
        out_type=jax.ShapeDtypeStruct((NC, N_PAD, HHALF), jnp.float32),
        mesh=_sc_mesh(),
        compiler_params=_SC_PARAMS,
        scratch_types=[
            pltpu.VMEM((K_ALLOC, CHUNK), jnp.int32),
            pltpu.VMEM((K_ALLOC, CHUNK), jnp.int32),
            pltpu.VMEM((CHUNK,), jnp.int32),
            pltpu.VMEM((CHUNK, HHALF), jnp.float32),
            pltpu.VMEM((CHUNK, HHALF), jnp.float32),
            pltpu.SemaphoreType.DMA,
            pltpu.SemaphoreType.DMA,
            pltpu.VMEM_SHARED((N_PAD, HHALF), jnp.float32),
            pltpu.VMEM_SHARED((N_PAD, HHALF), jnp.float32),
        ],
    )(s_arr, d_arr, tbl, zh)


def _sc_gather_body(bc_hbm, tbl_hbm, out_hbm, idx_v, buf, sem):
    cid = lax.axis_index("c")
    sid = lax.axis_index("s")
    wid = cid * NT + sid
    pltpu.sync_copy(bc_hbm.at[pl.ds(wid * CHUNK, CHUNK)], idx_v)
    pltpu.async_copy(tbl_hbm.at[idx_v], buf, sem).wait()
    pltpu.sync_copy(buf, out_hbm.at[pl.ds(wid * CHUNK, CHUNK)])


def _sc_gather(bc, tbl):
    return pl.kernel(
        _sc_gather_body,
        out_type=jax.ShapeDtypeStruct((N_ACT, HID), jnp.float32),
        mesh=_sc_mesh(),
        compiler_params=_SC_PARAMS,
        scratch_types=[
            pltpu.VMEM((CHUNK,), jnp.int32),
            pltpu.VMEM((CHUNK, HID), jnp.float32),
            pltpu.SemaphoreType.DMA,
        ],
    )(bc, tbl)


def _tc1_body(x_ref, w1_ref, dpart_ref, hws_ref, dinv_ref):
    deg = dpart_ref[0, :, 0:1] + dpart_ref[1, :, 0:1] + 1.0
    dinv = lax.rsqrt(jnp.clip(deg, 1.0, None))
    dinv_ref[...] = dinv
    hw = jnp.dot(x_ref[...], w1_ref[...],
                 preferred_element_type=jnp.float32)
    sc = dinv[0:N_NODES] * hw
    hws_ref[0, 0:N_NODES, :] = sc[:, 0:HHALF]
    hws_ref[1, 0:N_NODES, :] = sc[:, HHALF:HID]
    w5 = w1_ref[FOCAL:FOCAL + 1, :].astype(jnp.bfloat16).astype(jnp.float32)
    wl = (w1_ref[IN_DIM - 1:IN_DIM, :].astype(jnp.bfloat16)
          .astype(jnp.float32))
    focs = dinv[N_NODES:N_NODES + 1] * (w5 + wl)
    tail = lax.broadcasted_iota(jnp.int32, (N_PAD - N_NODES, 1), 0)
    focmask = (tail == 0).astype(jnp.float32)
    hws_ref[0, N_NODES:N_PAD, :] = focmask * focs[:, 0:HHALF]
    hws_ref[1, N_NODES:N_PAD, :] = focmask * focs[:, HHALF:HID]


def _tc1(x, w1, dpart):
    return pl.pallas_call(
        _tc1_body,
        out_shape=(jax.ShapeDtypeStruct((NC, N_PAD, HHALF), jnp.float32),
                   jax.ShapeDtypeStruct((N_PAD, 1), jnp.float32)),
    )(x, w1, dpart)


RBLK = 1264


def _blockmask():
    base = pl.program_id(0) * RBLK
    r = base + lax.broadcasted_iota(jnp.int32, (RBLK, 1), 0)
    return (r <= N_NODES).astype(jnp.float32)


def _tc2_body(agg_ref, hws1_ref, dinv_ref, b1_ref, w2_ref, hws2_ref):
    dinv = dinv_ref[...]
    mask = _blockmask()
    h_lo = jnp.maximum(dinv * (agg_ref[0] + hws1_ref[0])
                       + b1_ref[:, 0:HHALF], 0.0) * mask
    h_hi = jnp.maximum(dinv * (agg_ref[1] + hws1_ref[1])
                       + b1_ref[:, HHALF:HID], 0.0) * mask
    hw2 = (jnp.dot(h_lo, w2_ref[0:HHALF, :],
                   preferred_element_type=jnp.float32)
           + jnp.dot(h_hi, w2_ref[HHALF:HID, :],
                     preferred_element_type=jnp.float32))
    sc = dinv * hw2
    hws2_ref[0] = sc[:, 0:HHALF]
    hws2_ref[1] = sc[:, HHALF:HID]


def _tc2(agg, hws1, dinv, b1, w2):
    half = pl.BlockSpec((NC, RBLK, HHALF), lambda i: (0, i, 0))
    return pl.pallas_call(
        _tc2_body,
        grid=(N_PAD // RBLK,),
        in_specs=[half, half,
                  pl.BlockSpec((RBLK, 1), lambda i: (i, 0)),
                  pl.BlockSpec((1, HID), lambda i: (0, 0)),
                  pl.BlockSpec((HID, HID), lambda i: (0, 0))],
        out_specs=half,
        out_shape=jax.ShapeDtypeStruct((NC, N_PAD, HHALF), jnp.float32),
    )(agg, hws1, dinv, b1.reshape(1, HID), w2)


def _tc3_body(agg_ref, hws2_ref, dinv_ref, b2_ref, emb_ref):
    dinv = dinv_ref[...]
    mask = _blockmask()
    emb_ref[:, 0:HHALF] = (dinv * (agg_ref[0] + hws2_ref[0])
                           + b2_ref[:, 0:HHALF]) * mask
    emb_ref[:, HHALF:HID] = (dinv * (agg_ref[1] + hws2_ref[1])
                             + b2_ref[:, HHALF:HID]) * mask


def _tc3(agg, hws2, dinv, b2):
    half = pl.BlockSpec((NC, RBLK, HHALF), lambda i: (0, i, 0))
    return pl.pallas_call(
        _tc3_body,
        grid=(N_PAD // RBLK,),
        in_specs=[half, half,
                  pl.BlockSpec((RBLK, 1), lambda i: (i, 0)),
                  pl.BlockSpec((1, HID), lambda i: (0, 0))],
        out_specs=pl.BlockSpec((RBLK, HID), lambda i: (i, 0)),
        out_shape=jax.ShapeDtypeStruct((N_PAD, HID), jnp.float32),
    )(agg, hws2, dinv, b2.reshape(1, HID))


def _tc4_body(emb_ref, ht_ref, tn_ref, ir_ref, wh1_ref, bh1_ref, wh2_ref,
              bh2_ref, wh3_ref, bh3_ref, ef_ref, log_ref, prob_ref):
    hf = emb_ref[N_NODES:N_NODES + 1, :]
    ht = ht_ref[...]
    hfb = jnp.broadcast_to(hf, ht.shape)
    dabs = jnp.abs(hfb - ht)
    prod = hfb * ht
    tn = tn_ref[...] * (1.0 / (1.0 + 1e-08))
    ir = ir_ref[...]
    ef_ref[...] = jnp.concatenate([hfb, ht, dabs, prod, tn, ir], axis=1)

    A = wh1_ref[0:HID, :]
    B = wh1_ref[HID:2 * HID, :]
    C = wh1_ref[2 * HID:3 * HID, :]
    D = wh1_ref[3 * HID:4 * HID, :]
    wt = wh1_ref[4 * HID:4 * HID + 1, :]
    wr = wh1_ref[4 * HID + 1:4 * HID + 2, :]
    bias1 = bh1_ref[...] + jnp.dot(hf, A, preferred_element_type=jnp.float32)
    z = (jnp.dot(ht, B, preferred_element_type=jnp.float32)
         + jnp.dot(dabs, C, preferred_element_type=jnp.float32)
         + jnp.dot(prod, D, preferred_element_type=jnp.float32)
         + tn.astype(jnp.bfloat16).astype(jnp.float32)
         * wt.astype(jnp.bfloat16).astype(jnp.float32)
         + ir.astype(jnp.bfloat16).astype(jnp.float32)
         * wr.astype(jnp.bfloat16).astype(jnp.float32) + bias1)
    z = jnp.where(z > 0, z, jnp.exp(z) - 1.0)
    z = jnp.dot(z, wh2_ref[...], preferred_element_type=jnp.float32) + bh2_ref[...]
    z = jnp.where(z > 0, z, jnp.exp(z) - 1.0)
    l = jnp.dot(z, wh3_ref[...], preferred_element_type=jnp.float32) + bh3_ref[0, 0]
    log_ref[...] = l
    m = jnp.max(l)
    e = jnp.exp(l - m)
    prob_ref[...] = e / jnp.sum(e)


def _tc4(emb_pad, ht, tv, ir, wh1, bh1, wh2, bh2, wh3, bh3):
    return pl.pallas_call(
        _tc4_body,
        out_shape=(jax.ShapeDtypeStruct((N_ACT, 4 * HID + 2), jnp.float32),
                   jax.ShapeDtypeStruct((N_ACT, 1), jnp.float32),
                   jax.ShapeDtypeStruct((N_ACT, 1), jnp.float32)),
    )(emb_pad, ht, tv.reshape(N_ACT, 1), ir.reshape(N_ACT, 1),
      wh1, bh1.reshape(1, HID), wh2, bh2.reshape(1, HID), wh3,
      bh3.reshape(1, 1))


def _edge_arrays(edge_index):
    pad1 = jnp.full((E_SLOTS - 2 * N_EDGES,), PAD_IDX, jnp.int32)
    pad2 = jnp.full((NT, K_ALLOC - K_REAL, CHUNK), PAD_IDX, jnp.int32)
    s = jnp.concatenate([edge_index[0], edge_index[1], pad1])
    d = jnp.concatenate([edge_index[1], edge_index[0], pad1])
    s_arr = jnp.concatenate([s.reshape(NT, K_REAL, CHUNK), pad2], axis=1)
    d_arr = jnp.concatenate([d.reshape(NT, K_REAL, CHUNK), pad2], axis=1)
    return s_arr, d_arr


def kernel(x, edge_index, branch_child, time_value, is_root, W1, b1, W2, b2,
           Wh1, bh1, Wh2, bh2, Wh3, bh3):
    s_arr, d_arr = _edge_arrays(edge_index)
    zh = jnp.zeros((N_PAD, HHALF), jnp.float32)
    z4 = jnp.zeros((N_PAD, DEGW), jnp.float32)
    ones4 = jnp.ones((2 * CHUNK, DEGW), jnp.float32)

    dpart = _sc_deg(d_arr, ones4, z4)
    hws1, dinv = _tc1(x, W1, dpart)
    agg1 = _sc_spmm(s_arr, d_arr, hws1, zh)
    hws2 = _tc2(agg1, hws1, dinv, b1, W2)
    agg2 = _sc_spmm(s_arr, d_arr, hws2, zh)
    emb_pad = _tc3(agg2, hws2, dinv, b2)
    ht = _sc_gather(branch_child, emb_pad)
    ef, logits, probs = _tc4(emb_pad, ht, time_value, is_root,
                             Wh1, bh1, Wh2, bh2, Wh3, bh3)

    emb = emb_pad[:N_NODES + 1]
    leaf_feature = jnp.zeros((126,), jnp.float32).at[FOCAL].set(1.0)
    return (logits[:, 0], probs[:, 0], ef, emb, leaf_feature)

# --- scband reference (transcript-rebuilt; emitter-appended) ---
"""Pipeline reference for scband-policy-1838246002729 (READ-ONLY COPY).

The authoritative reference and input builder live on the scoring server;
editing this copy changes nothing except your own understanding.
"""

import jax, jax.numpy as jnp
import numpy as np

N_NODES = 10000
N_EDGES = 320000
N_LEAVES = 126
IN_DIM = N_LEAVES + 2
HID = 64
N_ACT = 4096
FOCAL = 5
EF_DIM = 4 * HID + 2

def _lin(k, fan_in, shape):
    bound = 1.0 / np.sqrt(fan_in)
    return jax.random.uniform(k, shape, jnp.float32, -bound, bound)

def setup_inputs(seed: int = 0):
    key = jax.random.key(seed)
    ks = jax.random.split(key, 12)
    x = jax.random.normal(ks[0], (N_NODES, IN_DIM), jnp.float32)
    edge_index = jax.random.randint(ks[1], (2, N_EDGES), 0, N_NODES)
    branch_child = jax.random.randint(ks[2], (N_ACT,), 0, N_NODES)
    time_value = jax.random.uniform(ks[3], (N_ACT,), jnp.float32)
    is_root = (jax.random.uniform(ks[4], (N_ACT,)) > 0.5).astype(jnp.float32)
    W1 = _lin(ks[5], IN_DIM, (IN_DIM, HID)); b1 = jnp.zeros((HID,), jnp.float32)
    W2 = _lin(ks[6], HID, (HID, HID)); b2 = jnp.zeros((HID,), jnp.float32)
    Wh1 = _lin(ks[7], EF_DIM, (EF_DIM, HID)); bh1 = jnp.zeros((HID,), jnp.float32)
    Wh2 = _lin(ks[8], HID, (HID, HID)); bh2 = jnp.zeros((HID,), jnp.float32)
    Wh3 = _lin(ks[9], HID, (HID, 1)); bh3 = jnp.zeros((1,), jnp.float32)
    return {"x": x, "edge_index": edge_index, "branch_child": branch_child, "time_value": time_value, "is_root": is_root, "W1": W1, "b1": b1, "W2": W2, "b2": b2, "Wh1": Wh1, "bh1": bh1, "Wh2": Wh2, "bh2": bh2, "Wh3": Wh3, "bh3": bh3}

def _gcn_layer(h, src, dst, W, b, n):
    loop = jnp.arange(n)
    s = jnp.concatenate([src, loop])
    d = jnp.concatenate([dst, loop])
    deg = jax.ops.segment_sum(jnp.ones(s.shape[0], jnp.float32), d, num_segments=n)
    dinv = 1.0 / jnp.sqrt(jnp.clip(deg, 1.0, None))
    norm = dinv[s] * dinv[d]
    hw = h @ W
    msg = hw[s] * norm[:, None]
    agg = jax.ops.segment_sum(msg, d, num_segments=n)
    return agg + b

def reference(x, edge_index, branch_child, time_value, is_root, W1, b1, W2, b2, Wh1, bh1, Wh2, bh2, Wh3, bh3):
    focal = jnp.zeros((1, IN_DIM), x.dtype).at[0, FOCAL].set(1.0).at[0, N_LEAVES + 1].set(1.0)
    xf = jnp.concatenate([x, focal], axis=0)
    n = xf.shape[0]
    src = jnp.concatenate([edge_index[0], edge_index[1]])
    dst = jnp.concatenate([edge_index[1], edge_index[0]])
    h = jax.nn.relu(_gcn_layer(xf, src, dst, W1, b1, n))
    emb = _gcn_layer(h, src, dst, W2, b2, n)
    h_focal = emb[n - 1]
    h_target = emb[branch_child]
    hf = jnp.broadcast_to(h_focal[None, :], h_target.shape)
    t_norm = ((time_value - 0.0) / (1.0 - 0.0 + 1e-08))[:, None]
    ef = jnp.concatenate([hf, h_target, jnp.abs(hf - h_target), hf * h_target, t_norm, is_root[:, None]], axis=-1)
    z = jax.nn.elu(ef @ Wh1 + bh1)
    z = jax.nn.elu(z @ Wh2 + bh2)
    logits = (z @ Wh3 + bh3)[:, 0]
    probs = jax.nn.softmax(logits, axis=0)
    leaf_feature = jnp.zeros((N_LEAVES,), emb.dtype).at[FOCAL].set(1.0)
    return (logits, probs, ef, emb, leaf_feature)

if __name__ == "__main__":
    import jax
    _d = setup_inputs()
    print(jax.jit(kernel)(*tuple(_d.values())))

</pallas_src>

<mosaic_0001>
#map = affine_map<(d0, d1) -> (0, 0, 0)>
#map1 = affine_map<(d0, d1) -> (0, 0)>
module attributes {stable_mosaic.version = 14 : i64} {
  func.func @_sc_spmm_body(%arg0: i32, %arg1: i32, %arg2: memref<16x320x128xi32, #tpu.memory_space<hbm>>, %arg3: memref<16x320x128xi32, #tpu.memory_space<hbm>>, %arg4: memref<2x10112x32xf32, #tpu.memory_space<hbm>>, %arg5: memref<10112x32xf32, #tpu.memory_space<hbm>>, %arg6: memref<2x10112x32xf32, #tpu.memory_space<hbm>>, %arg7: memref<320x128xi32, #tpu.memory_space<vmem>>, %arg8: memref<320x128xi32, #tpu.memory_space<vmem>>, %arg9: memref<128xi32, #tpu.memory_space<vmem>>, %arg10: memref<128x32xf32, #tpu.memory_space<vmem>>, %arg11: memref<128x32xf32, #tpu.memory_space<vmem>>, %arg12: memref<!tpu.dma_semaphore, #tpu.memory_space<semaphore_mem>>, %arg13: memref<!tpu.dma_semaphore, #tpu.memory_space<semaphore_mem>>, %arg14: memref<10112x32xf32, #tpu.memory_space<vmem_shared>>, %arg15: memref<10112x32xf32, #tpu.memory_space<vmem_shared>>) attributes {dimension_semantics = [#tpu.dimension_semantics<core_parallel>, #tpu.dimension_semantics<subcore_parallel>], iteration_bounds = array<i64: 2, 16>, scalar_prefetch = 0 : i64, scratch_operands = 9 : i64, tpu.core_type = #tpu.core_type<sc_vector_subcore>, window_params = [{transform_indices = #map}, {transform_indices = #map}, {transform_indices = #map}, {transform_indices = #map1}, {transform_indices = #map}]} {
    %mul3A = arith.constant 632 : i32
    %mul3A_0 = arith.muli %arg1, %mul3A : i32
    "tpu.region"() ({
      %run_scoped3A = tpu.sem_alloc : memref<!tpu.dma_semaphore, #tpu.memory_space<semaphore_mem>>
      %dma_start3A_19 = arith.constant 0 : i32
      %dma_start3A_20 = arith.constant 0 : i32
      %dma_start3A_21 = tpu.memref_slice %arg2[%arg1, %dma_start3A_19, %dma_start3A_20] : memref<16x320x128xi32, #tpu.memory_space<hbm>> -> memref<1x320x128xi32, #tpu.memory_space<hbm>>
      %dma_start3A_22 = tpu.memref_squeeze %dma_start3A_21 : memref<1x320x128xi32, #tpu.memory_space<hbm>> -> memref<320x128xi32, #tpu.memory_space<hbm>>
      %dma_start3A_23 = arith.constant 0 : i32
      %dma_start3A_24 = arith.constant 0 : i32
      %dma_start3A_25 = tpu.memref_slice %arg2[%arg1, %dma_start3A_23, %dma_start3A_24] : memref<16x320x128xi32, #tpu.memory_space<hbm>> -> memref<1x320x128xi32, #tpu.memory_space<hbm>>
      %dma_start3A_26 = tpu.memref_squeeze %dma_start3A_25 : memref<1x320x128xi32, #tpu.memory_space<hbm>> -> memref<320x128xi32, #tpu.memory_space<hbm>>
      tpu.enqueue_dma source(%dma_start3A_26 : memref<320x128xi32, #tpu.memory_space<hbm>>) target(%arg7 : memref<320x128xi32, #tpu.memory_space<vmem>>) target_semaphore(%run_scoped3A : memref<!tpu.dma_semaphore, #tpu.memory_space<semaphore_mem>>)
      %dma_wait3A_27 = arith.constant 0 : i32
      %dma_wait3A_28 = arith.constant 0 : i32
      %dma_wait3A_29 = tpu.memref_slice %arg2[%arg1, %dma_wait3A_27, %dma_wait3A_28] : memref<16x320x128xi32, #tpu.memory_space<hbm>> -> memref<1x320x128xi32, #tpu.memory_space<hbm>>
      %dma_wait3A_30 = tpu.memref_squeeze %dma_wait3A_29 : memref<1x320x128xi32, #tpu.memory_space<hbm>> -> memref<320x128xi32, #tpu.memory_space<hbm>>
      %dma_wait3A_31 = arith.constant 0 : i32
      %dma_wait3A_32 = arith.constant 0 : i32
      %dma_wait3A_33 = tpu.memref_slice %arg2[%arg1, %dma_wait3A_31, %dma_wait3A_32] : memref<16x320x128xi32, #tpu.memory_space<hbm>> -> memref<1x320x128xi32, #tpu.memory_space<hbm>>
      %dma_wait3A_34 = tpu.memref_squeeze %dma_wait3A_33 : memref<1x320x128xi32, #tpu.memory_space<hbm>> -> memref<320x128xi32, #tpu.memory_space<hbm>>
      tpu.wait_dma2 semaphore(%run_scoped3A : memref<!tpu.dma_semaphore, #tpu.memory_space<semaphore_mem>>) src(%dma_wait3A_34 : memref<320x128xi32, #tpu.memory_space<hbm>>) dst(%arg7 : memref<320x128xi32, #tpu.memory_space<vmem>>)
      tpu.yield
    }) : () -> ()
    "tpu.region"() ({
      %run_scoped3A = tpu.sem_alloc : memref<!tpu.dma_semaphore, #tpu.memory_space<semaphore_mem>>
      %dma_start3A_19 = arith.constant 0 : i32
      %dma_start3A_20 = arith.constant 0 : i32
      %dma_start3A_21 = tpu.memref_slice %arg3[%arg1, %dma_start3A_19, %dma_start3A_20] : memref<16x320x128xi32, #tpu.memory_space<hbm>> -> memref<1x320x128xi32, #tpu.memory_space<hbm>>
      %dma_start3A_22 = tpu.memref_squeeze %dma_start3A_21 : memref<1x320x128xi32, #tpu.memory_space<hbm>> -> memref<320x128xi32, #tpu.memory_space<hbm>>
      %dma_start3A_23 = arith.constant 0 : i32
      %dma_start3A_24 = arith.constant 0 : i32
      %dma_start3A_25 = tpu.memref_slice %arg3[%arg1, %dma_start3A_23, %dma_start3A_24] : memref<16x320x128xi32, #tpu.memory_space<hbm>> -> memref<1x320x128xi32, #tpu.memory_space<hbm>>
      %dma_start3A_26 = tpu.memref_squeeze %dma_start3A_25 : memref<1x320x128xi32, #tpu.memory_space<hbm>> -> memref<320x128xi32, #tpu.memory_space<hbm>>
      tpu.enqueue_dma source(%dma_start3A_26 : memref<320x128xi32, #tpu.memory_space<hbm>>) target(%arg8 : memref<320x128xi32, #tpu.memory_space<vmem>>) target_semaphore(%run_scoped3A : memref<!tpu.dma_semaphore, #tpu.memory_space<semaphore_mem>>)
      %dma_wait3A_27 = arith.constant 0 : i32
      %dma_wait3A_28 = arith.constant 0 : i32
      %dma_wait3A_29 = tpu.memref_slice %arg3[%arg1, %dma_wait3A_27, %dma_wait3A_28] : memref<16x320x128xi32, #tpu.memory_space<hbm>> -> memref<1x320x128xi32, #tpu.memory_space<hbm>>
      %dma_wait3A_30 = tpu.memref_squeeze %dma_wait3A_29 : memref<1x320x128xi32, #tpu.memory_space<hbm>> -> memref<320x128xi32, #tpu.memory_space<hbm>>
      %dma_wait3A_31 = arith.constant 0 : i32
      %dma_wait3A_32 = arith.constant 0 : i32
      %dma_wait3A_33 = tpu.memref_slice %arg3[%arg1, %dma_wait3A_31, %dma_wait3A_32] : memref<16x320x128xi32, #tpu.memory_space<hbm>> -> memref<1x320x128xi32, #tpu.memory_space<hbm>>
      %dma_wait3A_34 = tpu.memref_squeeze %dma_wait3A_33 : memref<1x320x128xi32, #tpu.memory_space<hbm>> -> memref<320x128xi32, #tpu.memory_space<hbm>>
      tpu.wait_dma2 semaphore(%run_scoped3A : memref<!tpu.dma_semaphore, #tpu.memory_space<semaphore_mem>>) src(%dma_wait3A_34 : memref<320x128xi32, #tpu.memory_space<hbm>>) dst(%arg8 : memref<320x128xi32, #tpu.memory_space<vmem>>)
      tpu.yield
    }) : () -> ()
    "tpu.region"() ({
      %run_scoped3A = tpu.sem_alloc : memref<!tpu.dma_semaphore, #tpu.memory_space<semaphore_mem>>
      %dma_start3A_19 = arith.constant 0 : i32
      %dma_start3A_20 = tpu.memref_slice %arg14[%mul3A_0, %dma_start3A_19] : memref<10112x32xf32, #tpu.memory_space<vmem_shared>> -> memref<632x32xf32, #tpu.memory_space<vmem_shared>>
      %dma_start3A_21 = arith.constant 0 : i32
      %dma_start3A_22 = tpu.memref_slice %arg5[%mul3A_0, %dma_start3A_21] : memref<10112x32xf32, #tpu.memory_space<hbm>> -> memref<632x32xf32, #tpu.memory_space<hbm>>
      tpu.enqueue_dma source(%dma_start3A_22 : memref<632x32xf32, #tpu.memory_space<hbm>>) target(%dma_start3A_20 : memref<632x32xf32, #tpu.memory_space<vmem_shared>>) target_semaphore(%run_scoped3A : memref<!tpu.dma_semaphore, #tpu.memory_space<semaphore_mem>>)
      %dma_wait3A_23 = arith.constant 0 : i32
      %dma_wait3A_24 = tpu.memref_slice %arg14[%mul3A_0, %dma_wait3A_23] : memref<10112x32xf32, #tpu.memory_space<vmem_shared>> -> memref<632x32xf32, #tpu.memory_space<vmem_shared>>
      %dma_wait3A_25 = arith.constant 0 : i32
      %dma_wait3A_26 = tpu.memref_slice %arg5[%mul3A_0, %dma_wait3A_25] : memref<10112x32xf32, #tpu.memory_space<hbm>> -> memref<632x32xf32, #tpu.memory_space<hbm>>
      tpu.wait_dma2 semaphore(%run_scoped3A : memref<!tpu.dma_semaphore, #tpu.memory_space<semaphore_mem>>) src(%dma_wait3A_26 : memref<632x32xf32, #tpu.memory_space<hbm>>) dst(%dma_wait3A_24 : memref<632x32xf32, #tpu.memory_space<vmem_shared>>)
      tpu.yield
    }) : () -> ()
    "tpu.region"() ({
      %run_scoped3A = tpu.sem_alloc : memref<!tpu.dma_semaphore, #tpu.memory_space<semaphore_mem>>
      %dma_start3A_19 = arith.constant 0 : i32
      %dma_start3A_20 = tpu.memref_slice %arg15[%mul3A_0, %dma_start3A_19] : memref<10112x32xf32, #tpu.memory_space<vmem_shared>> -> memref<632x32xf32, #tpu.memory_space<vmem_shared>>
      %dma_start3A_21 = arith.constant 0 : i32
      %dma_start3A_22 = tpu.memref_slice %arg4[%arg0, %mul3A_0, %dma_start3A_21] : memref<2x10112x32xf32, #tpu.memory_space<hbm>> -> memref<1x632x32xf32, #tpu.memory_space<hbm>>
      %dma_start3A_23 = tpu.memref_squeeze %dma_start3A_22 : memref<1x632x32xf32, #tpu.memory_space<hbm>> -> memref<632x32xf32, #tpu.memory_space<hbm>>
      tpu.enqueue_dma source(%dma_start3A_23 : memref<632x32xf32, #tpu.memory_space<hbm>>) target(%dma_start3A_20 : memref<632x32xf32, #tpu.memory_space<vmem_shared>>) target_semaphore(%run_scoped3A : memref<!tpu.dma_semaphore, #tpu.memory_space<semaphore_mem>>)
      %dma_wait3A_24 = arith.constant 0 : i32
      %dma_wait3A_25 = tpu.memref_slice %arg15[%mul3A_0, %dma_wait3A_24] : memref<10112x32xf32, #tpu.memory_space<vmem_shared>> -> memref<632x32xf32, #tpu.memory_space<vmem_shared>>
      %dma_wait3A_26 = arith.constant 0 : i32
      %dma_wait3A_27 = tpu.memref_slice %arg4[%arg0, %mul3A_0, %dma_wait3A_26] : memref<2x10112x32xf32, #tpu.memory_space<hbm>> -> memref<1x632x32xf32, #tpu.memory_space<hbm>>
      %dma_wait3A_28 = tpu.memref_squeeze %dma_wait3A_27 : memref<1x632x32xf32, #tpu.memory_space<hbm>> -> memref<632x32xf32, #tpu.memory_space<hbm>>
      tpu.wait_dma2 semaphore(%run_scoped3A : memref<!tpu.dma_semaphore, #tpu.memory_space<semaphore_mem>>) src(%dma_wait3A_28 : memref<632x32xf32, #tpu.memory_space<hbm>>) dst(%dma_wait3A_25 : memref<632x32xf32, #tpu.memory_space<vmem_shared>>)
      tpu.yield
    }) : () -> ()
    %barrier3A = arith.constant 0 : index
    tpu.barrier barrier_id(%barrier3A)
    %dma_start3A = arith.constant 0 : i32
    %dma_start3A_1 = arith.constant 0 : i32
    %dma_start3A_2 = tpu.memref_slice %arg7[%dma_start3A, %dma_start3A_1] : memref<320x128xi32, #tpu.memory_space<vmem>> -> memref<1x128xi32, #tpu.memory_space<vmem>>
    %dma_start3A_3 = tpu.memref_squeeze %dma_start3A_2 : memref<1x128xi32, #tpu.memory_space<vmem>> -> memref<128xi32, #tpu.memory_space<vmem>>
    %dma_start3A_4 = arith.constant 0 : i32
    %dma_start3A_5 = arith.constant 0 : i32
    %dma_start3A_6 = tpu.memref_slice %arg15[%dma_start3A_4, %dma_start3A_5] : memref<10112x32xf32, #tpu.memory_space<vmem_shared>> -> memref<10112x32xf32, #tpu.memory_space<vmem_shared>>
    tpu.enqueue_indirect_dma source(%dma_start3A_6 : memref<10112x32xf32, #tpu.memory_space<vmem_shared>>) target(%arg10 : memref<128x32xf32, #tpu.memory_space<vmem>>) offsets(%dma_start3A_3 : memref<128xi32, #tpu.memory_space<vmem>>) semaphore(%arg12 : memref<!tpu.dma_semaphore, #tpu.memory_space<semaphore_mem>>)
    %scan3A = arith.constant 0 : i32
    %scan3A_7 = arith.constant 0 : i32
    %scan3A_8 = arith.constant 158 : i32
    %scan3A_9 = arith.addi %scan3A_7, %scan3A_8 : i32
    %scan3A_10 = arith.constant 1 : i32
    scf.for %scan3A_19 = %scan3A_7 to %scan3A_9 step %scan3A_10  : i32 {
      %mul3A_20 = arith.constant 2 : i32
      %mul3A_21 = arith.muli %mul3A_20, %scan3A_19 : i32
      %add3A = arith.constant 1 : i32
      %add3A_22 = arith.addi %mul3A_21, %add3A : i32
      %dma_start3A_23 = arith.constant 0 : i32
      %dma_start3A_24 = tpu.memref_slice %arg7[%add3A_22, %dma_start3A_23] : memref<320x128xi32, #tpu.memory_space<vmem>> -> memref<1x128xi32, #tpu.memory_space<vmem>>
      %dma_start3A_25 = tpu.memref_squeeze %dma_start3A_24 : memref<1x128xi32, #tpu.memory_space<vmem>> -> memref<128xi32, #tpu.memory_space<vmem>>
      %dma_start3A_26 = arith.constant 0 : i32
      %dma_start3A_27 = arith.constant 0 : i32
      %dma_start3A_28 = tpu.memref_slice %arg15[%dma_start3A_26, %dma_start3A_27] : memref<10112x32xf32, #tpu.memory_space<vmem_shared>> -> memref<10112x32xf32, #tpu.memory_space<vmem_shared>>
      tpu.enqueue_indirect_dma source(%dma_start3A_28 : memref<10112x32xf32, #tpu.memory_space<vmem_shared>>) target(%arg11 : memref<128x32xf32, #tpu.memory_space<vmem>>) offsets(%dma_start3A_25 : memref<128xi32, #tpu.memory_space<vmem>>) semaphore(%arg13 : memref<!tpu.dma_semaphore, #tpu.memory_space<semaphore_mem>>)
      %dma_wait3A_29 = arith.constant 0 : i32
      %dma_wait3A_30 = tpu.memref_slice %arg7[%mul3A_21, %dma_wait3A_29] : memref<320x128xi32, #tpu.memory_space<vmem>> -> memref<1x128xi32, #tpu.memory_space<vmem>>
      %dma_wait3A_31 = tpu.memref_squeeze %dma_wait3A_30 : memref<1x128xi32, #tpu.memory_space<vmem>> -> memref<128xi32, #tpu.memory_space<vmem>>
      %dma_wait3A_32 = arith.constant 0 : i32
      %dma_wait3A_33 = arith.constant 0 : i32
      %dma_wait3A_34 = tpu.memref_slice %arg15[%dma_wait3A_32, %dma_wait3A_33] : memref<10112x32xf32, #tpu.memory_space<vmem_shared>> -> memref<10112x32xf32, #tpu.memory_space<vmem_shared>>
      tpu.wait_indirect_dma semaphore(%arg12 : memref<!tpu.dma_semaphore, #tpu.memory_space<semaphore_mem>>) src(%dma_wait3A_34 : memref<10112x32xf32, #tpu.memory_space<vmem_shared>>) dst(%arg10 : memref<128x32xf32, #tpu.memory_space<vmem>>)
      %get3A = arith.index_cast %mul3A_21 : i32 to index
      %get3A_35 = arith.constant 0 : index
      %get3A_36 = tpu.vector_load %arg8[%get3A, %get3A_35] {strides = array<i32>} : memref<320x128xi32, #tpu.memory_space<vmem>>, vector<1x16xi32>,
      %get3A_37 = vector.shape_cast %get3A_36 : vector<1x16xi32> to vector<16xi32>
      %swap3A = arith.constant 0 : index
      %swap3A_38 = tpu.vector_load %arg9[%swap3A] {strides = array<i32>} : memref<128xi32, #tpu.memory_space<vmem>>, vector<16xi32>,
      %swap3A_39 = vector.shape_cast %swap3A_38 : vector<16xi32> to vector<16xi32>
      %swap3A_40 = vector.shape_cast %get3A_37 : vector<16xi32> to vector<16xi32>
      tpu.vector_store %arg9[%swap3A], %swap3A_40 {strides = array<i32>} : memref<128xi32, #tpu.memory_space<vmem>>, vector<16xi32>,
      %get3A_41 = arith.index_cast %mul3A_21 : i32 to index
      %get3A_42 = arith.constant 16 : index
      %get3A_43 = tpu.vector_load %arg8[%get3A_41, %get3A_42] {strides = array<i32>} : memref<320x128xi32, #tpu.memory_space<vmem>>, vector<1x16xi32>,
      %get3A_44 = vector.shape_cast %get3A_43 : vector<1x16xi32> to vector<16xi32>
      %swap3A_45 = arith.constant 16 : index
      %swap3A_46 = tpu.vector_load %arg9[%swap3A_45] {strides = array<i32>} : memref<128xi32, #tpu.memory_space<vmem>>, vector<16xi32>,
      %swap3A_47 = vector.shape_cast %swap3A_46 : vector<16xi32> to vector<16xi32>
      %swap3A_48 = vector.shape_cast %get3A_44 : vector<16xi32> to vector<16xi32>
      tpu.vector_store %arg9[%swap3A_45], %swap3A_48 {strides = array<i32>} : memref<128xi32, #tpu.memory_space<vmem>>, vector<16xi32>,
      %get3A_49 = arith.index_cast %mul3A_21 : i32 to index
      %get3A_50 = arith.constant 32 : index
      %get3A_51 = tpu.vector_load %arg8[%get3A_49, %get3A_50] {strides = array<i32>} : memref<320x128xi32, #tpu.memory_space<vmem>>, vector<1x16xi32>,
      %get3A_52 = vector.shape_cast %get3A_51 : vector<1x16xi32> to vector<16xi32>
      %swap3A_53 = arith.constant 32 : index
      %swap3A_54 = tpu.vector_load %arg9[%swap3A_53] {strides = array<i32>} : memref<128xi32, #tpu.memory_space<vmem>>, vector<16xi32>,
      %swap3A_55 = vector.shape_cast %swap3A_54 : vector<16xi32> to vector<16xi32>
      %swap3A_56 = vector.shape_cast %get3A_52 : vector<16xi32> to vector<16xi32>
      tpu.vector_store %arg9[%swap3A_53], %swap3A_56 {strides = array<i32>} : memref<128xi32, #tpu.memory_space<vmem>>, vector<16xi32>,
      %get3A_57 = arith.index_cast %mul3A_21 : i32 to index
      %get3A_58 = arith.constant 48 : index
      %get3A_59 = tpu.vector_load %arg8[%get3A_57, %get3A_58] {strides = array<i32>} : memref<320x128xi32, #tpu.memory_space<vmem>>, vector<1x16xi32>,
      %get3A_60 = vector.shape_cast %get3A_59 : vector<1x16xi32> to vector<16xi32>
      %swap3A_61 = arith.constant 48 : index
      %swap3A_62 = tpu.vector_load %arg9[%swap3A_61] {strides = array<i32>} : memref<128xi32, #tpu.memory_space<vmem>>, vector<16xi32>,
      %swap3A_63 = vector.shape_cast %swap3A_62 : vector<16xi32> to vector<16xi32>
      %swap3A_64 = vector.shape_cast %get3A_60 : vector<16xi32> to vector<16xi32>
      tpu.vector_store %arg9[%swap3A_61], %swap3A_64 {strides = array<i32>} : memref<128xi32, #tpu.memory_space<vmem>>, vector<16xi32>,
      %get3A_65 = arith.index_cast %mul3A_21 : i32 to index
      %get3A_66 = arith.constant 64 : index
      %get3A_67 = tpu.vector_load %arg8[%get3A_65, %get3A_66] {strides = array<i32>} : memref<320x128xi32, #tpu.memory_space<vmem>>, vector<1x16xi32>,
      %get3A_68 = vector.shape_cast %get3A_67 : vector<1x16xi32> to vector<16xi32>
      %swap3A_69 = arith.constant 64 : index
      %swap3A_70 = tpu.vector_load %arg9[%swap3A_69] {strides = array<i32>} : memref<128xi32, #tpu.memory_space<vmem>>, vector<16xi32>,
      %swap3A_71 = vector.shape_cast %swap3A_70 : vector<16xi32> to vector<16xi32>
      %swap3A_72 = vector.shape_cast %get3A_68 : vector<16xi32> to vector<16xi32>
      tpu.vector_store %arg9[%swap3A_69], %swap3A_72 {strides = array<i32>} : memref<128xi32, #tpu.memory_space<vmem>>, vector<16xi32>,
      %get3A_73 = arith.index_cast %mul3A_21 : i32 to index
      %get3A_74 = arith.constant 80 : index
      %get3A_75 = tpu.vector_load %arg8[%get3A_73, %get3A_74] {strides = array<i32>} : memref<320x128xi32, #tpu.memory_space<vmem>>, vector<1x16xi32>,
      %get3A_76 = vector.shape_cast %get3A_75 : vector<1x16xi32> to vector<16xi32>
      %swap3A_77 = arith.constant 80 : index
      %swap3A_78 = tpu.vector_load %arg9[%swap3A_77] {strides = array<i32>} : memref<128xi32, #tpu.memory_space<vmem>>, vector<16xi32>,
      %swap3A_79 = vector.shape_cast %swap3A_78 : vector<16xi32> to vector<16xi32>
      %swap3A_80 = vector.shape_cast %get3A_76 : vector<16xi32> to vector<16xi32>
      tpu.vector_store %arg9[%swap3A_77], %swap3A_80 {strides = array<i32>} : memref<128xi32, #tpu.memory_space<vmem>>, vector<16xi32>,
      %get3A_81 = arith.index_cast %mul3A_21 : i32 to index
      %get3A_82 = arith.constant 96 : index
      %get3A_83 = tpu.vector_load %arg8[%get3A_81, %get3A_82] {strides = array<i32>} : memref<320x128xi32, #tpu.memory_space<vmem>>, vector<1x16xi32>,
      %get3A_84 = vector.shape_cast %get3A_83 : vector<1x16xi32> to vector<16xi32>
      %swap3A_85 = arith.constant 96 : index
      %swap3A_86 = tpu.vector_load %arg9[%swap3A_85] {strides = array<i32>} : memref<128xi32, #tpu.memory_space<vmem>>, vector<16xi32>,
      %swap3A_87 = vector.shape_cast %swap3A_86 : vector<16xi32> to vector<16xi32>
      %swap3A_88 = vector.shape_cast %get3A_84 : vector<16xi32> to vector<16xi32>
      tpu.vector_store %arg9[%swap3A_85], %swap3A_88 {strides = array<i32>} : memref<128xi32, #tpu.memory_space<vmem>>, vector<16xi32>,
      %get3A_89 = arith.index_cast %mul3A_21 : i32 to index
      %get3A_90 = arith.constant 112 : index
      %get3A_91 = tpu.vector_load %arg8[%get3A_89, %get3A_90] {strides = array<i32>} : memref<320x128xi32, #tpu.memory_space<vmem>>, vector<1x16xi32>,
      %get3A_92 = vector.shape_cast %get3A_91 : vector<1x16xi32> to vector<16xi32>
      %swap3A_93 = arith.constant 112 : index
      %swap3A_94 = tpu.vector_load %arg9[%swap3A_93] {strides = array<i32>} : memref<128xi32, #tpu.memory_space<vmem>>, vector<16xi32>,
      %swap3A_95 = vector.shape_cast %swap3A_94 : vector<16xi32> to vector<16xi32>
      %swap3A_96 = vector.shape_cast %get3A_92 : vector<16xi32> to vector<16xi32>
      tpu.vector_store %arg9[%swap3A_93], %swap3A_96 {strides = array<i32>} : memref<128xi32, #tpu.memory_space<vmem>>, vector<16xi32>,
      "tpu.region"() ({
        %run_scoped3A = tpu.sem_alloc : memref<!tpu.dma_semaphore, #tpu.memory_space<semaphore_mem>>
        %dma_start3A_175 = arith.constant 0 : i32
        %dma_start3A_176 = arith.constant 0 : i32
        %dma_start3A_177 = tpu.memref_slice %arg14[%dma_start3A_175, %dma_start3A_176] : memref<10112x32xf32, #tpu.memory_space<vmem_shared>> -> memref<10112x32xf32, #tpu.memory_space<vmem_shared>>
        tpu.enqueue_indirect_dma source(%arg10 : memref<128x32xf32, #tpu.memory_space<vmem>>) target(%dma_start3A_177 : memref<10112x32xf32, #tpu.memory_space<vmem_shared>>) offsets(%arg9 : memref<128xi32, #tpu.memory_space<vmem>>) semaphore(%run_scoped3A : memref<!tpu.dma_semaphore, #tpu.memory_space<semaphore_mem>>) {add = true}
        %dma_wait3A_178 = arith.constant 0 : i32
        %dma_wait3A_179 = arith.constant 0 : i32
        %dma_wait3A_180 = tpu.memref_slice %arg14[%dma_wait3A_178, %dma_wait3A_179] : memref<10112x32xf32, #tpu.memory_space<vmem_shared>> -> memref<10112x32xf32, #tpu.memory_space<vmem_shared>>
        tpu.wait_indirect_dma semaphore(%run_scoped3A : memref<!tpu.dma_semaphore, #tpu.memory_space<semaphore_mem>>) src(%arg10 : memref<128x32xf32, #tpu.memory_space<vmem>>) dst(%dma_wait3A_180 : memref<10112x32xf32, #tpu.memory_space<vmem_shared>>)
        tpu.yield
      }) : () -> ()
      %add3A_97 = arith.constant 2 : i32
      %add3A_98 = arith.addi %mul3A_21, %add3A_97 : i32
      %dma_start3A_99 = arith.constant 0 : i32
      %dma_start3A_100 = tpu.memref_slice %arg7[%add3A_98, %dma_start3A_99] : memref<320x128xi32, #tpu.memory_space<vmem>> -> memref<1x128xi32, #tpu.memory_space<vmem>>
      %dma_start3A_101 = tpu.memref_squeeze %dma_start3A_100 : memref<1x128xi32, #tpu.memory_space<vmem>> -> memref<128xi32, #tpu.memory_space<vmem>>
      %dma_start3A_102 = arith.constant 0 : i32
      %dma_start3A_103 = arith.constant 0 : i32
      %dma_start3A_104 = tpu.memref_slice %arg15[%dma_start3A_102, %dma_start3A_103] : memref<10112x32xf32, #tpu.memory_space<vmem_shared>> -> memref<10112x32xf32, #tpu.memory_space<vmem_shared>>
      tpu.enqueue_indirect_dma source(%dma_start3A_104 : memref<10112x32xf32, #tpu.memory_space<vmem_shared>>) target(%arg10 : memref<128x32xf32, #tpu.memory_space<vmem>>) offsets(%dma_start3A_101 : memref<128xi32, #tpu.memory_space<vmem>>) semaphore(%arg12 : memref<!tpu.dma_semaphore, #tpu.memory_space<semaphore_mem>>)
      %dma_wait3A_105 = arith.constant 0 : i32
      %dma_wait3A_106 = tpu.memref_slice %arg7[%add3A_22, %dma_wait3A_105] : memref<320x128xi32, #tpu.memory_space<vmem>> -> memref<1x128xi32, #tpu.memory_space<vmem>>
      %dma_wait3A_107 = tpu.memref_squeeze %dma_wait3A_106 : memref<1x128xi32, #tpu.memory_space<vmem>> -> memref<128xi32, #tpu.memory_space<vmem>>
      %dma_wait3A_108 = arith.constant 0 : i32
      %dma_wait3A_109 = arith.constant 0 : i32
      %dma_wait3A_110 = tpu.memref_slice %arg15[%dma_wait3A_108, %dma_wait3A_109] : memref<10112x32xf32, #tpu.memory_space<vmem_shared>> -> memref<10112x32xf32, #tpu.memory_space<vmem_shared>>
      tpu.wait_indirect_dma semaphore(%arg13 : memref<!tpu.dma_semaphore, #tpu.memory_space<semaphore_mem>>) src(%dma_wait3A_110 : memref<10112x32xf32, #tpu.memory_space<vmem_shared>>) dst(%arg11 : memref<128x32xf32, #tpu.memory_space<vmem>>)
      %get3A_111 = arith.index_cast %add3A_22 : i32 to index
      %get3A_112 = arith.constant 0 : index
      %get3A_113 = tpu.vector_load %arg8[%get3A_111, %get3A_112] {strides = array<i32>} : memref<320x128xi32, #tpu.memory_space<vmem>>, vector<1x16xi32>,
      %get3A_114 = vector.shape_cast %get3A_113 : vector<1x16xi32> to vector<16xi32>
      %swap3A_115 = arith.constant 0 : index
      %swap3A_116 = tpu.vector_load %arg9[%swap3A_115] {strides = array<i32>} : memref<128xi32, #tpu.memory_space<vmem>>, vector<16xi32>,
      %swap3A_117 = vector.shape_cast %swap3A_116 : vector<16xi32> to vector<16xi32>
      %swap3A_118 = vector.shape_cast %get3A_114 : vector<16xi32> to vector<16xi32>
      tpu.vector_store %arg9[%swap3A_115], %swap3A_118 {strides = array<i32>} : memref<128xi32, #tpu.memory_space<vmem>>, vector<16xi32>,
      %get3A_119 = arith.index_cast %add3A_22 : i32 to index
      %get3A_120 = arith.constant 16 : index
      %get3A_121 = tpu.vector_load %arg8[%get3A_119, %get3A_120] {strides = array<i32>} : memref<320x128xi32, #tpu.memory_space<vmem>>, vector<1x16xi32>,
      %get3A_122 = vector.shape_cast %get3A_121 : vector<1x16xi32> to vector<16xi32>
      %swap3A_123 = arith.constant 16 : index
      %swap3A_124 = tpu.vector_load %arg9[%swap3A_123] {strides = array<i32>} : memref<128xi32, #tpu.memory_space<vmem>>, vector<16xi32>,
      %swap3A_125 = vector.shape_cast %swap3A_124 : vector<16xi32> to vector<16xi32>
      %swap3A_126 = vector.shape_cast %get3A_122 : vector<16xi32> to vector<16xi32>
      tpu.vector_store %arg9[%swap3A_123], %swap3A_126 {strides = array<i32>} : memref<128xi32, #tpu.memory_space<vmem>>, vector<16xi32>,
      %get3A_127 = arith.index_cast %add3A_22 : i32 to index
      %get3A_128 = arith.constant 32 : index
      %get3A_129 = tpu.vector_load %arg8[%get3A_127, %get3A_128] {strides = array<i32>} : memref<320x128xi32, #tpu.memory_space<vmem>>, vector<1x16xi32>,
      %get3A_130 = vector.shape_cast %get3A_129 : vector<1x16xi32> to vector<16xi32>
      %swap3A_131 = arith.constant 32 : index
      %swap3A_132 = tpu.vector_load %arg9[%swap3A_131] {strides = array<i32>} : memref<128xi32, #tpu.memory_space<vmem>>, vector<16xi32>,
      %swap3A_133 = vector.shape_cast %swap3A_132 : vector<16xi32> to vector<16xi32>
      %swap3A_134 = vector.shape_cast %get3A_130 : vector<16xi32> to vector<16xi32>
      tpu.vector_store %arg9[%swap3A_131], %swap3A_134 {strides = array<i32>} : memref<128xi32, #tpu.memory_space<vmem>>, vector<16xi32>,
      %get3A_135 = arith.index_cast %add3A_22 : i32 to index
      %get3A_136 = arith.constant 48 : index
      %get3A_137 = tpu.vector_load %arg8[%get3A_135, %get3A_136] {strides = array<i32>} : memref<320x128xi32, #tpu.memory_space<vmem>>, vector<1x16xi32>,
      %get3A_138 = vector.shape_cast %get3A_137 : vector<1x16xi32> to vector<16xi32>
      %swap3A_139 = arith.constant 48 : index
      %swap3A_140 = tpu.vector_load %arg9[%swap3A_139] {strides = array<i32>} : memref<128xi32, #tpu.memory_space<vmem>>, vector<16xi32>,
      %swap3A_141 = vector.shape_cast %swap3A_140 : vector<16xi32> to vector<16xi32>
      %swap3A_142 = vector.shape_cast %get3A_138 : vector<16xi32> to vector<16xi32>
      tpu.vector_store %arg9[%swap3A_139], %swap3A_142 {strides = array<i32>} : memref<128xi32, #tpu.memory_space<vmem>>, vector<16xi32>,
      %get3A_143 = arith.index_cast %add3A_22 : i32 to index
      %get3A_144 = arith.constant 64 : index
      %get3A_145 = tpu.vector_load %arg8[%get3A_143, %get3A_144] {strides = array<i32>} : memref<320x128xi32, #tpu.memory_space<vmem>>, vector<1x16xi32>,
      %get3A_146 = vector.shape_cast %get3A_145 : vector<1x16xi32> to vector<16xi32>
      %swap3A_147 = arith.constant 64 : index
      %swap3A_148 = tpu.vector_load %arg9[%swap3A_147] {strides = array<i32>} : memref<128xi32, #tpu.memory_space<vmem>>, vector<16xi32>,
      %swap3A_149 = vector.shape_cast %swap3A_148 : vector<16xi32> to vector<16xi32>
      %swap3A_150 = vector.shape_cast %get3A_146 : vector<16xi32> to vector<16xi32>
      tpu.vector_store %arg9[%swap3A_147], %swap3A_150 {strides = array<i32>} : memref<128xi32, #tpu.memory_space<vmem>>, vector<16xi32>,
      %get3A_151 = arith.index_cast %add3A_22 : i32 to index
      %get3A_152 = arith.constant 80 : index
      %get3A_153 = tpu.vector_load %arg8[%get3A_151, %get3A_152] {strides = array<i32>} : memref<320x128xi32, #tpu.memory_space<vmem>>, vector<1x16xi32>,
      %get3A_154 = vector.shape_cast %get3A_153 : vector<1x16xi32> to vector<16xi32>
      %swap3A_155 = arith.constant 80 : index
      %swap3A_156 = tpu.vector_load %arg9[%swap3A_155] {strides = array<i32>} : memref<128xi32, #tpu.memory_space<vmem>>, vector<16xi32>,
      %swap3A_157 = vector.shape_cast %swap3A_156 : vector<16xi32> to vector<16xi32>
      %swap3A_158 = vector.shape_cast %get3A_154 : vector<16xi32> to vector<16xi32>
      tpu.vector_store %arg9[%swap3A_155], %swap3A_158 {strides = array<i32>} : memref<128xi32, #tpu.memory_space<vmem>>, vector<16xi32>,
      %get3A_159 = arith.index_cast %add3A_22 : i32 to index
      %get3A_160 = arith.constant 96 : index
      %get3A_161 = tpu.vector_load %arg8[%get3A_159, %get3A_160] {strides = array<i32>} : memref<320x128xi32, #tpu.memory_space<vmem>>, vector<1x16xi32>,
      %get3A_162 = vector.shape_cast %get3A_161 : vector<1x16xi32> to vector<16xi32>
      %swap3A_163 = arith.constant 96 : index
      %swap3A_164 = tpu.vector_load %arg9[%swap3A_163] {strides = array<i32>} : memref<128xi32, #tpu.memory_space<vmem>>, vector<16xi32>,
      %swap3A_165 = vector.shape_cast %swap3A_164 : vector<16xi32> to vector<16xi32>
      %swap3A_166 = vector.shape_cast %get3A_162 : vector<16xi32> to vector<16xi32>
      tpu.vector_store %arg9[%swap3A_163], %swap3A_166 {strides = array<i32>} : memref<128xi32, #tpu.memory_space<vmem>>, vector<16xi32>,
      %get3A_167 = arith.index_cast %add3A_22 : i32 to index
      %get3A_168 = arith.constant 112 : index
      %get3A_169 = tpu.vector_load %arg8[%get3A_167, %get3A_168] {strides = array<i32>} : memref<320x128xi32, #tpu.memory_space<vmem>>, vector<1x16xi32>,
      %get3A_170 = vector.shape_cast %get3A_169 : vector<1x16xi32> to vector<16xi32>
      %swap3A_171 = arith.constant 112 : index
      %swap3A_172 = tpu.vector_load %arg9[%swap3A_171] {strides = array<i32>} : memref<128xi32, #tpu.memory_space<vmem>>, vector<16xi32>,
      %swap3A_173 = vector.shape_cast %swap3A_172 : vector<16xi32> to vector<16xi32>
      %swap3A_174 = vector.shape_cast %get3A_170 : vector<16xi32> to vector<16xi32>
      tpu.vector_store %arg9[%swap3A_171], %swap3A_174 {strides = array<i32>} : memref<128xi32, #tpu.memory_space<vmem>>, vector<16xi32>,
      "tpu.region"() ({
        %run_scoped3A = tpu.sem_alloc : memref<!tpu.dma_semaphore, #tpu.memory_space<semaphore_mem>>
        %dma_start3A_175 = arith.constant 0 : i32
        %dma_start3A_176 = arith.constant 0 : i32
        %dma_start3A_177 = tpu.memref_slice %arg14[%dma_start3A_175, %dma_start3A_176] : memref<10112x32xf32, #tpu.memory_space<vmem_shared>> -> memref<10112x32xf32, #tpu.memory_space<vmem_shared>>
        tpu.enqueue_indirect_dma source(%arg11 : memref<128x32xf32, #tpu.memory_space<vmem>>) target(%dma_start3A_177 : memref<10112x32xf32, #tpu.memory_space<vmem_shared>>) offsets(%arg9 : memref<128xi32, #tpu.memory_space<vmem>>) semaphore(%run_scoped3A : memref<!tpu.dma_semaphore, #tpu.memory_space<semaphore_mem>>) {add = true}
        %dma_wait3A_178 = arith.constant 0 : i32
        %dma_wait3A_179 = arith.constant 0 : i32
        %dma_wait3A_180 = tpu.memref_slice %arg14[%dma_wait3A_178, %dma_wait3A_179] : memref<10112x32xf32, #tpu.memory_space<vmem_shared>> -> memref<10112x32xf32, #tpu.memory_space<vmem_shared>>
        tpu.wait_indirect_dma semaphore(%run_scoped3A : memref<!tpu.dma_semaphore, #tpu.memory_space<semaphore_mem>>) src(%arg11 : memref<128x32xf32, #tpu.memory_space<vmem>>) dst(%dma_wait3A_180 : memref<10112x32xf32, #tpu.memory_space<vmem_shared>>)
        tpu.yield
      }) : () -> ()
    }
    %scan3A_11 = arith.constant 158 : i32
    %dma_wait3A = arith.constant 316 : i32
    %dma_wait3A_12 = arith.constant 0 : i32
    %dma_wait3A_13 = tpu.memref_slice %arg7[%dma_wait3A, %dma_wait3A_12] : memref<320x128xi32, #tpu.memory_space<vmem>> -> memref<1x128xi32, #tpu.memory_space<vmem>>
    %dma_wait3A_14 = tpu.memref_squeeze %dma_wait3A_13 : memref<1x128xi32, #tpu.memory_space<vmem>> -> memref<128xi32, #tpu.memory_space<vmem>>
    %dma_wait3A_15 = arith.constant 0 : i32
    %dma_wait3A_16 = arith.constant 0 : i32
    %dma_wait3A_17 = tpu.memref_slice %arg15[%dma_wait3A_15, %dma_wait3A_16] : memref<10112x32xf32, #tpu.memory_space<vmem_shared>> -> memref<10112x32xf32, #tpu.memory_space<vmem_shared>>
    tpu.wait_indirect_dma semaphore(%arg12 : memref<!tpu.dma_semaphore, #tpu.memory_space<semaphore_mem>>) src(%dma_wait3A_17 : memref<10112x32xf32, #tpu.memory_space<vmem_shared>>) dst(%arg10 : memref<128x32xf32, #tpu.memory_space<vmem>>)
    %barrier3A_18 = arith.constant 0 : index
    tpu.barrier barrier_id(%barrier3A_18)
    "tpu.region"() ({
      %run_scoped3A = tpu.sem_alloc : memref<!tpu.dma_semaphore, #tpu.memory_space<semaphore_mem>>
      %dma_start3A_19 = arith.constant 0 : i32
      %dma_start3A_20 = tpu.memref_slice %arg6[%arg0, %mul3A_0, %dma_start3A_19] : memref<2x10112x32xf32, #tpu.memory_space<hbm>> -> memref<1x632x32xf32, #tpu.memory_space<hbm>>
      %dma_start3A_21 = tpu.memref_squeeze %dma_start3A_20 : memref<1x632x32xf32, #tpu.memory_space<hbm>> -> memref<632x32xf32, #tpu.memory_space<hbm>>
      %dma_start3A_22 = arith.constant 0 : i32
      %dma_start3A_23 = tpu.memref_slice %arg14[%mul3A_0, %dma_start3A_22] : memref<10112x32xf32, #tpu.memory_space<vmem_shared>> -> memref<632x32xf32, #tpu.memory_space<vmem_shared>>
      tpu.enqueue_dma source(%dma_start3A_23 : memref<632x32xf32, #tpu.memory_space<vmem_shared>>) target(%dma_start3A_21 : memref<632x32xf32, #tpu.memory_space<hbm>>) target_semaphore(%run_scoped3A : memref<!tpu.dma_semaphore, #tpu.memory_space<semaphore_mem>>)
      %dma_wait3A_24 = arith.constant 0 : i32
      %dma_wait3A_25 = tpu.memref_slice %arg6[%arg0, %mul3A_0, %dma_wait3A_24] : memref<2x10112x32xf32, #tpu.memory_space<hbm>> -> memref<1x632x32xf32, #tpu.memory_space<hbm>>
      %dma_wait3A_26 = tpu.memref_squeeze %dma_wait3A_25 : memref<1x632x32xf32, #tpu.memory_space<hbm>> -> memref<632x32xf32, #tpu.memory_space<hbm>>
      %dma_wait3A_27 = arith.constant 0 : i32
      %dma_wait3A_28 = tpu.memref_slice %arg14[%mul3A_0, %dma_wait3A_27] : memref<10112x32xf32, #tpu.memory_space<vmem_shared>> -> memref<632x32xf32, #tpu.memory_space<vmem_shared>>
      tpu.wait_dma2 semaphore(%run_scoped3A : memref<!tpu.dma_semaphore, #tpu.memory_space<semaphore_mem>>) src(%dma_wait3A_28 : memref<632x32xf32, #tpu.memory_space<vmem_shared>>) dst(%dma_wait3A_26 : memref<632x32xf32, #tpu.memory_space<hbm>>)
      tpu.yield
    }) : () -> ()
    return
  }
}

#map = affine_map<(d0, d1) -> (0)>
#map1 = affine_map<(d0, d1) -> (0, 0)>
module attributes {stable_mosaic.version = 14 : i64} {
  func.func @_sc_gather_body(%arg0: i32, %arg1: i32, %arg2: memref<4096xi32, #tpu.memory_space<hbm>>, %arg3: memref<10112x64xf32, #tpu.memory_space<hbm>>, %arg4: memref<4096x64xf32, #tpu.memory_space<hbm>>, %arg5: memref<128xi32, #tpu.memory_space<vmem>>, %arg6: memref<128x64xf32, #tpu.memory_space<vmem>>, %arg7: memref<!tpu.dma_semaphore, #tpu.memory_space<semaphore_mem>>) attributes {dimension_semantics = [#tpu.dimension_semantics<core_parallel>, #tpu.dimension_semantics<subcore_parallel>], iteration_bounds = array<i64: 2, 16>, scalar_prefetch = 0 : i64, scratch_operands = 3 : i64, tpu.core_type = #tpu.core_type<sc_vector_subcore>, window_params = [{transform_indices = #map}, {transform_indices = #map1}, {transform_indices = #map1}]} {
    %mul3A = arith.constant 16 : i32
    %mul3A_0 = arith.muli %arg0, %mul3A : i32
    %add3A = arith.addi %mul3A_0, %arg1 : i32
    %mul3A_1 = arith.constant 128 : i32
    %mul3A_2 = arith.muli %add3A, %mul3A_1 : i32
    "tpu.region"() ({
      %run_scoped3A = tpu.sem_alloc : memref<!tpu.dma_semaphore, #tpu.memory_space<semaphore_mem>>
      %dma_start3A_9 = tpu.memref_slice %arg2[%mul3A_2] : memref<4096xi32, #tpu.memory_space<hbm>> -> memref<128xi32, #tpu.memory_space<hbm>>
      %dma_start3A_10 = tpu.memref_slice %arg2[%mul3A_2] : memref<4096xi32, #tpu.memory_space<hbm>> -> memref<128xi32, #tpu.memory_space<hbm>>
      tpu.enqueue_dma source(%dma_start3A_10 : memref<128xi32, #tpu.memory_space<hbm>>) target(%arg5 : memref<128xi32, #tpu.memory_space<vmem>>) target_semaphore(%run_scoped3A : memref<!tpu.dma_semaphore, #tpu.memory_space<semaphore_mem>>)
      %dma_wait3A_11 = tpu.memref_slice %arg2[%mul3A_2] : memref<4096xi32, #tpu.memory_space<hbm>> -> memref<128xi32, #tpu.memory_space<hbm>>
      %dma_wait3A_12 = tpu.memref_slice %arg2[%mul3A_2] : memref<4096xi32, #tpu.memory_space<hbm>> -> memref<128xi32, #tpu.memory_space<hbm>>
      tpu.wait_dma2 semaphore(%run_scoped3A : memref<!tpu.dma_semaphore, #tpu.memory_space<semaphore_mem>>) src(%dma_wait3A_12 : memref<128xi32, #tpu.memory_space<hbm>>) dst(%arg5 : memref<128xi32, #tpu.memory_space<vmem>>)
      tpu.yield
    }) : () -> ()
    %dma_start3A = arith.constant 0 : i32
    %dma_start3A_3 = arith.constant 0 : i32
    %dma_start3A_4 = tpu.memref_slice %arg3[%dma_start3A, %dma_start3A_3] : memref<10112x64xf32, #tpu.memory_space<hbm>> -> memref<10112x64xf32, #tpu.memory_space<hbm>>
    tpu.enqueue_indirect_dma source(%dma_start3A_4 : memref<10112x64xf32, #tpu.memory_space<hbm>>) target(%arg6 : memref<128x64xf32, #tpu.memory_space<vmem>>) offsets(%arg5 : memref<128xi32, #tpu.memory_space<vmem>>) semaphore(%arg7 : memref<!tpu.dma_semaphore, #tpu.memory_space<semaphore_mem>>)
    %dma_wait3A = arith.constant 0 : i32
    %dma_wait3A_5 = arith.constant 0 : i32
    %dma_wait3A_6 = tpu.memref_slice %arg3[%dma_wait3A, %dma_wait3A_5] : memref<10112x64xf32, #tpu.memory_space<hbm>> -> memref<10112x64xf32, #tpu.memory_space<hbm>>
    tpu.wait_indirect_dma semaphore(%arg7 : memref<!tpu.dma_semaphore, #tpu.memory_space<semaphore_mem>>) src(%dma_wait3A_6 : memref<10112x64xf32, #tpu.memory_space<hbm>>) dst(%arg6 : memref<128x64xf32, #tpu.memory_space<vmem>>)
    %mul3A_7 = arith.constant 128 : i32
    %mul3A_8 = arith.muli %add3A, %mul3A_7 : i32
    "tpu.region"() ({
      %run_scoped3A = tpu.sem_alloc : memref<!tpu.dma_semaphore, #tpu.memory_space<semaphore_mem>>
      %dma_start3A_9 = arith.constant 0 : i32
      %dma_start3A_10 = tpu.memref_slice %arg4[%mul3A_8, %dma_start3A_9] : memref<4096x64xf32, #tpu.memory_space<hbm>> -> memref<128x64xf32, #tpu.memory_space<hbm>>
      %dma_start3A_11 = arith.constant 0 : i32
      %dma_start3A_12 = tpu.memref_slice %arg4[%mul3A_8, %dma_start3A_11] : memref<4096x64xf32, #tpu.memory_space<hbm>> -> memref<128x64xf32, #tpu.memory_space<hbm>>
      tpu.enqueue_dma source(%arg6 : memref<128x64xf32, #tpu.memory_space<vmem>>) target(%dma_start3A_12 : memref<128x64xf32, #tpu.memory_space<hbm>>) target_semaphore(%run_scoped3A : memref<!tpu.dma_semaphore, #tpu.memory_space<semaphore_mem>>)
      %dma_wait3A_13 = arith.constant 0 : i32
      %dma_wait3A_14 = tpu.memref_slice %arg4[%mul3A_8, %dma_wait3A_13] : memref<4096x64xf32, #tpu.memory_space<hbm>> -> memref<128x64xf32, #tpu.memory_space<hbm>>
      %dma_wait3A_15 = arith.constant 0 : i32
      %dma_wait3A_16 = tpu.memref_slice %arg4[%mul3A_8, %dma_wait3A_15] : memref<4096x64xf32, #tpu.memory_space<hbm>> -> memref<128x64xf32, #tpu.memory_space<hbm>>
      tpu.wait_dma2 semaphore(%run_scoped3A : memref<!tpu.dma_semaphore, #tpu.memory_space<semaphore_mem>>) src(%arg6 : memref<128x64xf32, #tpu.memory_space<vmem>>) dst(%dma_wait3A_16 : memref<128x64xf32, #tpu.memory_space<hbm>>)
      tpu.yield
    }) : () -> ()
    return
  }
}

#map = affine_map<(d0, d1) -> (0, 0, 0)>
#map1 = affine_map<(d0, d1) -> (0, 0)>
module attributes {stable_mosaic.version = 14 : i64} {
  func.func @_sc_spmm_body(%arg0: i32, %arg1: i32, %arg2: memref<16x320x128xi32, #tpu.memory_space<hbm>>, %arg3: memref<16x320x128xi32, #tpu.memory_space<hbm>>, %arg4: memref<2x10112x32xf32, #tpu.memory_space<hbm>>, %arg5: memref<10112x32xf32, #tpu.memory_space<hbm>>, %arg6: memref<2x10112x32xf32, #tpu.memory_space<hbm>>, %arg7: memref<320x128xi32, #tpu.memory_space<vmem>>, %arg8: memref<320x128xi32, #tpu.memory_space<vmem>>, %arg9: memref<128xi32, #tpu.memory_space<vmem>>, %arg10: memref<128x32xf32, #tpu.memory_space<vmem>>, %arg11: memref<128x32xf32, #tpu.memory_space<vmem>>, %arg12: memref<!tpu.dma_semaphore, #tpu.memory_space<semaphore_mem>>, %arg13: memref<!tpu.dma_semaphore, #tpu.memory_space<semaphore_mem>>, %arg14: memref<10112x32xf32, #tpu.memory_space<vmem_shared>>, %arg15: memref<10112x32xf32, #tpu.memory_space<vmem_shared>>) attributes {dimension_semantics = [#tpu.dimension_semantics<core_parallel>, #tpu.dimension_semantics<subcore_parallel>], iteration_bounds = array<i64: 2, 16>, scalar_prefetch = 0 : i64, scratch_operands = 9 : i64, tpu.core_type = #tpu.core_type<sc_vector_subcore>, window_params = [{transform_indices = #map}, {transform_indices = #map}, {transform_indices = #map}, {transform_indices = #map1}, {transform_indices = #map}]} {
    %mul3A = arith.constant 632 : i32
    %mul3A_0 = arith.muli %arg1, %mul3A : i32
    "tpu.region"() ({
      %run_scoped3A = tpu.sem_alloc : memref<!tpu.dma_semaphore, #tpu.memory_space<semaphore_mem>>
      %dma_start3A_19 = arith.constant 0 : i32
      %dma_start3A_20 = arith.constant 0 : i32
      %dma_start3A_21 = tpu.memref_slice %arg2[%arg1, %dma_start3A_19, %dma_start3A_20] : memref<16x320x128xi32, #tpu.memory_space<hbm>> -> memref<1x320x128xi32, #tpu.memory_space<hbm>>
      %dma_start3A_22 = tpu.memref_squeeze %dma_start3A_21 : memref<1x320x128xi32, #tpu.memory_space<hbm>> -> memref<320x128xi32, #tpu.memory_space<hbm>>
      %dma_start3A_23 = arith.constant 0 : i32
      %dma_start3A_24 = arith.constant 0 : i32
      %dma_start3A_25 = tpu.memref_slice %arg2[%arg1, %dma_start3A_23, %dma_start3A_24] : memref<16x320x128xi32, #tpu.memory_space<hbm>> -> memref<1x320x128xi32, #tpu.memory_space<hbm>>
      %dma_start3A_26 = tpu.memref_squeeze %dma_start3A_25 : memref<1x320x128xi32, #tpu.memory_space<hbm>> -> memref<320x128xi32, #tpu.memory_space<hbm>>
      tpu.enqueue_dma source(%dma_start3A_26 : memref<320x128xi32, #tpu.memory_space<hbm>>) target(%arg7 : memref<320x128xi32, #tpu.memory_space<vmem>>) target_semaphore(%run_scoped3A : memref<!tpu.dma_semaphore, #tpu.memory_space<semaphore_mem>>)
      %dma_wait3A_27 = arith.constant 0 : i32
      %dma_wait3A_28 = arith.constant 0 : i32
      %dma_wait3A_29 = tpu.memref_slice %arg2[%arg1, %dma_wait3A_27, %dma_wait3A_28] : memref<16x320x128xi32, #tpu.memory_space<hbm>> -> memref<1x320x128xi32, #tpu.memory_space<hbm>>
      %dma_wait3A_30 = tpu.memref_squeeze %dma_wait3A_29 : memref<1x320x128xi32, #tpu.memory_space<hbm>> -> memref<320x128xi32, #tpu.memory_space<hbm>>
      %dma_wait3A_31 = arith.constant 0 : i32
      %dma_wait3A_32 = arith.constant 0 : i32
      %dma_wait3A_33 = tpu.memref_slice %arg2[%arg1, %dma_wait3A_31, %dma_wait3A_32] : memref<16x320x128xi32, #tpu.memory_space<hbm>> -> memref<1x320x128xi32, #tpu.memory_space<hbm>>
      %dma_wait3A_34 = tpu.memref_squeeze %dma_wait3A_33 : memref<1x320x128xi32, #tpu.memory_space<hbm>> -> memref<320x128xi32, #tpu.memory_space<hbm>>
      tpu.wait_dma2 semaphore(%run_scoped3A : memref<!tpu.dma_semaphore, #tpu.memory_space<semaphore_mem>>) src(%dma_wait3A_34 : memref<320x128xi32, #tpu.memory_space<hbm>>) dst(%arg7 : memref<320x128xi32, #tpu.memory_space<vmem>>)
      tpu.yield
    }) : () -> ()
    "tpu.region"() ({
      %run_scoped3A = tpu.sem_alloc : memref<!tpu.dma_semaphore, #tpu.memory_space<semaphore_mem>>
      %dma_start3A_19 = arith.constant 0 : i32
      %dma_start3A_20 = arith.constant 0 : i32
      %dma_start3A_21 = tpu.memref_slice %arg3[%arg1, %dma_start3A_19, %dma_start3A_20] : memref<16x320x128xi32, #tpu.memory_space<hbm>> -> memref<1x320x128xi32, #tpu.memory_space<hbm>>
      %dma_start3A_22 = tpu.memref_squeeze %dma_start3A_21 : memref<1x320x128xi32, #tpu.memory_space<hbm>> -> memref<320x128xi32, #tpu.memory_space<hbm>>
      %dma_start3A_23 = arith.constant 0 : i32
      %dma_start3A_24 = arith.constant 0 : i32
      %dma_start3A_25 = tpu.memref_slice %arg3[%arg1, %dma_start3A_23, %dma_start3A_24] : memref<16x320x128xi32, #tpu.memory_space<hbm>> -> memref<1x320x128xi32, #tpu.memory_space<hbm>>
      %dma_start3A_26 = tpu.memref_squeeze %dma_start3A_25 : memref<1x320x128xi32, #tpu.memory_space<hbm>> -> memref<320x128xi32, #tpu.memory_space<hbm>>
      tpu.enqueue_dma source(%dma_start3A_26 : memref<320x128xi32, #tpu.memory_space<hbm>>) target(%arg8 : memref<320x128xi32, #tpu.memory_space<vmem>>) target_semaphore(%run_scoped3A : memref<!tpu.dma_semaphore, #tpu.memory_space<semaphore_mem>>)
      %dma_wait3A_27 = arith.constant 0 : i32
      %dma_wait3A_28 = arith.constant 0 : i32
      %dma_wait3A_29 = tpu.memref_slice %arg3[%arg1, %dma_wait3A_27, %dma_wait3A_28] : memref<16x320x128xi32, #tpu.memory_space<hbm>> -> memref<1x320x128xi32, #tpu.memory_space<hbm>>
      %dma_wait3A_30 = tpu.memref_squeeze %dma_wait3A_29 : memref<1x320x128xi32, #tpu.memory_space<hbm>> -> memref<320x128xi32, #tpu.memory_space<hbm>>
      %dma_wait3A_31 = arith.constant 0 : i32
      %dma_wait3A_32 = arith.constant 0 : i32
      %dma_wait3A_33 = tpu.memref_slice %arg3[%arg1, %dma_wait3A_31, %dma_wait3A_32] : memref<16x320x128xi32, #tpu.memory_space<hbm>> -> memref<1x320x128xi32, #tpu.memory_space<hbm>>
      %dma_wait3A_34 = tpu.memref_squeeze %dma_wait3A_33 : memref<1x320x128xi32, #tpu.memory_space<hbm>> -> memref<320x128xi32, #tpu.memory_space<hbm>>
      tpu.wait_dma2 semaphore(%run_scoped3A : memref<!tpu.dma_semaphore, #tpu.memory_space<semaphore_mem>>) src(%dma_wait3A_34 : memref<320x128xi32, #tpu.memory_space<hbm>>) dst(%arg8 : memref<320x128xi32, #tpu.memory_space<vmem>>)
      tpu.yield
    }) : () -> ()
    "tpu.region"() ({
      %run_scoped3A = tpu.sem_alloc : memref<!tpu.dma_semaphore, #tpu.memory_space<semaphore_mem>>
      %dma_start3A_19 = arith.constant 0 : i32
      %dma_start3A_20 = tpu.memref_slice %arg14[%mul3A_0, %dma_start3A_19] : memref<10112x32xf32, #tpu.memory_space<vmem_shared>> -> memref<632x32xf32, #tpu.memory_space<vmem_shared>>
      %dma_start3A_21 = arith.constant 0 : i32
      %dma_start3A_22 = tpu.memref_slice %arg5[%mul3A_0, %dma_start3A_21] : memref<10112x32xf32, #tpu.memory_space<hbm>> -> memref<632x32xf32, #tpu.memory_space<hbm>>
      tpu.enqueue_dma source(%dma_start3A_22 : memref<632x32xf32, #tpu.memory_space<hbm>>) target(%dma_start3A_20 : memref<632x32xf32, #tpu.memory_space<vmem_shared>>) target_semaphore(%run_scoped3A : memref<!tpu.dma_semaphore, #tpu.memory_space<semaphore_mem>>)
      %dma_wait3A_23 = arith.constant 0 : i32
      %dma_wait3A_24 = tpu.memref_slice %arg14[%mul3A_0, %dma_wait3A_23] : memref<10112x32xf32, #tpu.memory_space<vmem_shared>> -> memref<632x32xf32, #tpu.memory_space<vmem_shared>>
      %dma_wait3A_25 = arith.constant 0 : i32
      %dma_wait3A_26 = tpu.memref_slice %arg5[%mul3A_0, %dma_wait3A_25] : memref<10112x32xf32, #tpu.memory_space<hbm>> -> memref<632x32xf32, #tpu.memory_space<hbm>>
      tpu.wait_dma2 semaphore(%run_scoped3A : memref<!tpu.dma_semaphore, #tpu.memory_space<semaphore_mem>>) src(%dma_wait3A_26 : memref<632x32xf32, #tpu.memory_space<hbm>>) dst(%dma_wait3A_24 : memref<632x32xf32, #tpu.memory_space<vmem_shared>>)
      tpu.yield
    }) : () -> ()
    "tpu.region"() ({
      %run_scoped3A = tpu.sem_alloc : memref<!tpu.dma_semaphore, #tpu.memory_space<semaphore_mem>>
      %dma_start3A_19 = arith.constant 0 : i32
      %dma_start3A_20 = tpu.memref_slice %arg15[%mul3A_0, %dma_start3A_19] : memref<10112x32xf32, #tpu.memory_space<vmem_shared>> -> memref<632x32xf32, #tpu.memory_space<vmem_shared>>
      %dma_start3A_21 = arith.constant 0 : i32
      %dma_start3A_22 = tpu.memref_slice %arg4[%arg0, %mul3A_0, %dma_start3A_21] : memref<2x10112x32xf32, #tpu.memory_space<hbm>> -> memref<1x632x32xf32, #tpu.memory_space<hbm>>
      %dma_start3A_23 = tpu.memref_squeeze %dma_start3A_22 : memref<1x632x32xf32, #tpu.memory_space<hbm>> -> memref<632x32xf32, #tpu.memory_space<hbm>>
      tpu.enqueue_dma source(%dma_start3A_23 : memref<632x32xf32, #tpu.memory_space<hbm>>) target(%dma_start3A_20 : memref<632x32xf32, #tpu.memory_space<vmem_shared>>) target_semaphore(%run_scoped3A : memref<!tpu.dma_semaphore, #tpu.memory_space<semaphore_mem>>)
      %dma_wait3A_24 = arith.constant 0 : i32
      %dma_wait3A_25 = tpu.memref_slice %arg15[%mul3A_0, %dma_wait3A_24] : memref<10112x32xf32, #tpu.memory_space<vmem_shared>> -> memref<632x32xf32, #tpu.memory_space<vmem_shared>>
      %dma_wait3A_26 = arith.constant 0 : i32
      %dma_wait3A_27 = tpu.memref_slice %arg4[%arg0, %mul3A_0, %dma_wait3A_26] : memref<2x10112x32xf32, #tpu.memory_space<hbm>> -> memref<1x632x32xf32, #tpu.memory_space<hbm>>
      %dma_wait3A_28 = tpu.memref_squeeze %dma_wait3A_27 : memref<1x632x32xf32, #tpu.memory_space<hbm>> -> memref<632x32xf32, #tpu.memory_space<hbm>>
      tpu.wait_dma2 semaphore(%run_scoped3A : memref<!tpu.dma_semaphore, #tpu.memory_space<semaphore_mem>>) src(%dma_wait3A_28 : memref<632x32xf32, #tpu.memory_space<hbm>>) dst(%dma_wait3A_25 : memref<632x32xf32, #tpu.memory_space<vmem_shared>>)
      tpu.yield
    }) : () -> ()
    %barrier3A = arith.constant 0 : index
    tpu.barrier barrier_id(%barrier3A)
    %dma_start3A = arith.constant 0 : i32
    %dma_start3A_1 = arith.constant 0 : i32
    %dma_start3A_2 = tpu.memref_slice %arg7[%dma_start3A, %dma_start3A_1] : memref<320x128xi32, #tpu.memory_space<vmem>> -> memref<1x128xi32, #tpu.memory_space<vmem>>
    %dma_start3A_3 = tpu.memref_squeeze %dma_start3A_2 : memref<1x128xi32, #tpu.memory_space<vmem>> -> memref<128xi32, #tpu.memory_space<vmem>>
    %dma_start3A_4 = arith.constant 0 : i32
    %dma_start3A_5 = arith.constant 0 : i32
    %dma_start3A_6 = tpu.memref_slice %arg15[%dma_start3A_4, %dma_start3A_5] : memref<10112x32xf32, #tpu.memory_space<vmem_shared>> -> memref<10112x32xf32, #tpu.memory_space<vmem_shared>>
    tpu.enqueue_indirect_dma source(%dma_start3A_6 : memref<10112x32xf32, #tpu.memory_space<vmem_shared>>) target(%arg10 : memref<128x32xf32, #tpu.memory_space<vmem>>) offsets(%dma_start3A_3 : memref<128xi32, #tpu.memory_space<vmem>>) semaphore(%arg12 : memref<!tpu.dma_semaphore, #tpu.memory_space<semaphore_mem>>)
    %scan3A = arith.constant 0 : i32
    %scan3A_7 = arith.constant 0 : i32
    %scan3A_8 = arith.constant 158 : i32
    %scan3A_9 = arith.addi %scan3A_7, %scan3A_8 : i32
    %scan3A_10 = arith.constant 1 : i32
    scf.for %scan3A_19 = %scan3A_7 to %scan3A_9 step %scan3A_10  : i32 {
      %mul3A_20 = arith.constant 2 : i32
      %mul3A_21 = arith.muli %mul3A_20, %scan3A_19 : i32
      %add3A = arith.constant 1 : i32
      %add3A_22 = arith.addi %mul3A_21, %add3A : i32
      %dma_start3A_23 = arith.constant 0 : i32
      %dma_start3A_24 = tpu.memref_slice %arg7[%add3A_22, %dma_start3A_23] : memref<320x128xi32, #tpu.memory_space<vmem>> -> memref<1x128xi32, #tpu.memory_space<vmem>>
      %dma_start3A_25 = tpu.memref_squeeze %dma_start3A_24 : memref<1x128xi32, #tpu.memory_space<vmem>> -> memref<128xi32, #tpu.memory_space<vmem>>
      %dma_start3A_26 = arith.constant 0 : i32
      %dma_start3A_27 = arith.constant 0 : i32
      %dma_start3A_28 = tpu.memref_slice %arg15[%dma_start3A_26, %dma_start3A_27] : memref<10112x32xf32, #tpu.memory_space<vmem_shared>> -> memref<10112x32xf32, #tpu.memory_space<vmem_shared>>
      tpu.enqueue_indirect_dma source(%dma_start3A_28 : memref<10112x32xf32, #tpu.memory_space<vmem_shared>>) target(%arg11 : memref<128x32xf32, #tpu.memory_space<vmem>>) offsets(%dma_start3A_25 : memref<128xi32, #tpu.memory_space<vmem>>) semaphore(%arg13 : memref<!tpu.dma_semaphore, #tpu.memory_space<semaphore_mem>>)
      %dma_wait3A_29 = arith.constant 0 : i32
      %dma_wait3A_30 = tpu.memref_slice %arg7[%mul3A_21, %dma_wait3A_29] : memref<320x128xi32, #tpu.memory_space<vmem>> -> memref<1x128xi32, #tpu.memory_space<vmem>>
      %dma_wait3A_31 = tpu.memref_squeeze %dma_wait3A_30 : memref<1x128xi32, #tpu.memory_space<vmem>> -> memref<128xi32, #tpu.memory_space<vmem>>
      %dma_wait3A_32 = arith.constant 0 : i32
      %dma_wait3A_33 = arith.constant 0 : i32
      %dma_wait3A_34 = tpu.memref_slice %arg15[%dma_wait3A_32, %dma_wait3A_33] : memref<10112x32xf32, #tpu.memory_space<vmem_shared>> -> memref<10112x32xf32, #tpu.memory_space<vmem_shared>>
      tpu.wait_indirect_dma semaphore(%arg12 : memref<!tpu.dma_semaphore, #tpu.memory_space<semaphore_mem>>) src(%dma_wait3A_34 : memref<10112x32xf32, #tpu.memory_space<vmem_shared>>) dst(%arg10 : memref<128x32xf32, #tpu.memory_space<vmem>>)
      %get3A = arith.index_cast %mul3A_21 : i32 to index
      %get3A_35 = arith.constant 0 : index
      %get3A_36 = tpu.vector_load %arg8[%get3A, %get3A_35] {strides = array<i32>} : memref<320x128xi32, #tpu.memory_space<vmem>>, vector<1x16xi32>,
      %get3A_37 = vector.shape_cast %get3A_36 : vector<1x16xi32> to vector<16xi32>
      %swap3A = arith.constant 0 : index
      %swap3A_38 = tpu.vector_load %arg9[%swap3A] {strides = array<i32>} : memref<128xi32, #tpu.memory_space<vmem>>, vector<16xi32>,
      %swap3A_39 = vector.shape_cast %swap3A_38 : vector<16xi32> to vector<16xi32>
      %swap3A_40 = vector.shape_cast %get3A_37 : vector<16xi32> to vector<16xi32>
      tpu.vector_store %arg9[%swap3A], %swap3A_40 {strides = array<i32>} : memref<128xi32, #tpu.memory_space<vmem>>, vector<16xi32>,
      %get3A_41 = arith.index_cast %mul3A_21 : i32 to index
      %get3A_42 = arith.constant 16 : index
      %get3A_43 = tpu.vector_load %arg8[%get3A_41, %get3A_42] {strides = array<i32>} : memref<320x128xi32, #tpu.memory_space<vmem>>, vector<1x16xi32>,
      %get3A_44 = vector.shape_cast %get3A_43 : vector<1x16xi32> to vector<16xi32>
      %swap3A_45 = arith.constant 16 : index
      %swap3A_46 = tpu.vector_load %arg9[%swap3A_45] {strides = array<i32>} : memref<128xi32, #tpu.memory_space<vmem>>, vector<16xi32>,
      %swap3A_47 = vector.shape_cast %swap3A_46 : vector<16xi32> to vector<16xi32>
      %swap3A_48 = vector.shape_cast %get3A_44 : vector<16xi32> to vector<16xi32>
      tpu.vector_store %arg9[%swap3A_45], %swap3A_48 {strides = array<i32>} : memref<128xi32, #tpu.memory_space<vmem>>, vector<16xi32>,
      %get3A_49 = arith.index_cast %mul3A_21 : i32 to index
      %get3A_50 = arith.constant 32 : index
      %get3A_51 = tpu.vector_load %arg8[%get3A_49, %get3A_50] {strides = array<i32>} : memref<320x128xi32, #tpu.memory_space<vmem>>, vector<1x16xi32>,
      %get3A_52 = vector.shape_cast %get3A_51 : vector<1x16xi32> to vector<16xi32>
      %swap3A_53 = arith.constant 32 : index
      %swap3A_54 = tpu.vector_load %arg9[%swap3A_53] {strides = array<i32>} : memref<128xi32, #tpu.memory_space<vmem>>, vector<16xi32>,
      %swap3A_55 = vector.shape_cast %swap3A_54 : vector<16xi32> to vector<16xi32>
      %swap3A_56 = vector.shape_cast %get3A_52 : vector<16xi32> to vector<16xi32>
      tpu.vector_store %arg9[%swap3A_53], %swap3A_56 {strides = array<i32>} : memref<128xi32, #tpu.memory_space<vmem>>, vector<16xi32>,
      %get3A_57 = arith.index_cast %mul3A_21 : i32 to index
      %get3A_58 = arith.constant 48 : index
      %get3A_59 = tpu.vector_load %arg8[%get3A_57, %get3A_58] {strides = array<i32>} : memref<320x128xi32, #tpu.memory_space<vmem>>, vector<1x16xi32>,
      %get3A_60 = vector.shape_cast %get3A_59 : vector<1x16xi32> to vector<16xi32>
      %swap3A_61 = arith.constant 48 : index
      %swap3A_62 = tpu.vector_load %arg9[%swap3A_61] {strides = array<i32>} : memref<128xi32, #tpu.memory_space<vmem>>, vector<16xi32>,
      %swap3A_63 = vector.shape_cast %swap3A_62 : vector<16xi32> to vector<16xi32>
      %swap3A_64 = vector.shape_cast %get3A_60 : vector<16xi32> to vector<16xi32>
      tpu.vector_store %arg9[%swap3A_61], %swap3A_64 {strides = array<i32>} : memref<128xi32, #tpu.memory_space<vmem>>, vector<16xi32>,
      %get3A_65 = arith.index_cast %mul3A_21 : i32 to index
      %get3A_66 = arith.constant 64 : index
      %get3A_67 = tpu.vector_load %arg8[%get3A_65, %get3A_66] {strides = array<i32>} : memref<320x128xi32, #tpu.memory_space<vmem>>, vector<1x16xi32>,
      %get3A_68 = vector.shape_cast %get3A_67 : vector<1x16xi32> to vector<16xi32>
      %swap3A_69 = arith.constant 64 : index
      %swap3A_70 = tpu.vector_load %arg9[%swap3A_69] {strides = array<i32>} : memref<128xi32, #tpu.memory_space<vmem>>, vector<16xi32>,
      %swap3A_71 = vector.shape_cast %swap3A_70 : vector<16xi32> to vector<16xi32>
      %swap3A_72 = vector.shape_cast %get3A_68 : vector<16xi32> to vector<16xi32>
      tpu.vector_store %arg9[%swap3A_69], %swap3A_72 {strides = array<i32>} : memref<128xi32, #tpu.memory_space<vmem>>, vector<16xi32>,
      %get3A_73 = arith.index_cast %mul3A_21 : i32 to index
      %get3A_74 = arith.constant 80 : index
      %get3A_75 = tpu.vector_load %arg8[%get3A_73, %get3A_74] {strides = array<i32>} : memref<320x128xi32, #tpu.memory_space<vmem>>, vector<1x16xi32>,
      %get3A_76 = vector.shape_cast %get3A_75 : vector<1x16xi32> to vector<16xi32>
      %swap3A_77 = arith.constant 80 : index
      %swap3A_78 = tpu.vector_load %arg9[%swap3A_77] {strides = array<i32>} : memref<128xi32, #tpu.memory_space<vmem>>, vector<16xi32>,
      %swap3A_79 = vector.shape_cast %swap3A_78 : vector<16xi32> to vector<16xi32>
      %swap3A_80 = vector.shape_cast %get3A_76 : vector<16xi32> to vector<16xi32>
      tpu.vector_store %arg9[%swap3A_77], %swap3A_80 {strides = array<i32>} : memref<128xi32, #tpu.memory_space<vmem>>, vector<16xi32>,
      %get3A_81 = arith.index_cast %mul3A_21 : i32 to index
      %get3A_82 = arith.constant 96 : index
      %get3A_83 = tpu.vector_load %arg8[%get3A_81, %get3A_82] {strides = array<i32>} : memref<320x128xi32, #tpu.memory_space<vmem>>, vector<1x16xi32>,
      %get3A_84 = vector.shape_cast %get3A_83 : vector<1x16xi32> to vector<16xi32>
      %swap3A_85 = arith.constant 96 : index
      %swap3A_86 = tpu.vector_load %arg9[%swap3A_85] {strides = array<i32>} : memref<128xi32, #tpu.memory_space<vmem>>, vector<16xi32>,
      %swap3A_87 = vector.shape_cast %swap3A_86 : vector<16xi32> to vector<16xi32>
      %swap3A_88 = vector.shape_cast %get3A_84 : vector<16xi32> to vector<16xi32>
      tpu.vector_store %arg9[%swap3A_85], %swap3A_88 {strides = array<i32>} : memref<128xi32, #tpu.memory_space<vmem>>, vector<16xi32>,
      %get3A_89 = arith.index_cast %mul3A_21 : i32 to index
      %get3A_90 = arith.constant 112 : index
      %get3A_91 = tpu.vector_load %arg8[%get3A_89, %get3A_90] {strides = array<i32>} : memref<320x128xi32, #tpu.memory_space<vmem>>, vector<1x16xi32>,
      %get3A_92 = vector.shape_cast %get3A_91 : vector<1x16xi32> to vector<16xi32>
      %swap3A_93 = arith.constant 112 : index
      %swap3A_94 = tpu.vector_load %arg9[%swap3A_93] {strides = array<i32>} : memref<128xi32, #tpu.memory_space<vmem>>, vector<16xi32>,
      %swap3A_95 = vector.shape_cast %swap3A_94 : vector<16xi32> to vector<16xi32>
      %swap3A_96 = vector.shape_cast %get3A_92 : vector<16xi32> to vector<16xi32>
      tpu.vector_store %arg9[%swap3A_93], %swap3A_96 {strides = array<i32>} : memref<128xi32, #tpu.memory_space<vmem>>, vector<16xi32>,
      "tpu.region"() ({
        %run_scoped3A = tpu.sem_alloc : memref<!tpu.dma_semaphore, #tpu.memory_space<semaphore_mem>>
        %dma_start3A_175 = arith.constant 0 : i32
        %dma_start3A_176 = arith.constant 0 : i32
        %dma_start3A_177 = tpu.memref_slice %arg14[%dma_start3A_175, %dma_start3A_176] : memref<10112x32xf32, #tpu.memory_space<vmem_shared>> -> memref<10112x32xf32, #tpu.memory_space<vmem_shared>>
        tpu.enqueue_indirect_dma source(%arg10 : memref<128x32xf32, #tpu.memory_space<vmem>>) target(%dma_start3A_177 : memref<10112x32xf32, #tpu.memory_space<vmem_shared>>) offsets(%arg9 : memref<128xi32, #tpu.memory_space<vmem>>) semaphore(%run_scoped3A : memref<!tpu.dma_semaphore, #tpu.memory_space<semaphore_mem>>) {add = true}
        %dma_wait3A_178 = arith.constant 0 : i32
        %dma_wait3A_179 = arith.constant 0 : i32
        %dma_wait3A_180 = tpu.memref_slice %arg14[%dma_wait3A_178, %dma_wait3A_179] : memref<10112x32xf32, #tpu.memory_space<vmem_shared>> -> memref<10112x32xf32, #tpu.memory_space<vmem_shared>>
        tpu.wait_indirect_dma semaphore(%run_scoped3A : memref<!tpu.dma_semaphore, #tpu.memory_space<semaphore_mem>>) src(%arg10 : memref<128x32xf32, #tpu.memory_space<vmem>>) dst(%dma_wait3A_180 : memref<10112x32xf32, #tpu.memory_space<vmem_shared>>)
        tpu.yield
      }) : () -> ()
      %add3A_97 = arith.constant 2 : i32
      %add3A_98 = arith.addi %mul3A_21, %add3A_97 : i32
      %dma_start3A_99 = arith.constant 0 : i32
      %dma_start3A_100 = tpu.memref_slice %arg7[%add3A_98, %dma_start3A_99] : memref<320x128xi32, #tpu.memory_space<vmem>> -> memref<1x128xi32, #tpu.memory_space<vmem>>
      %dma_start3A_101 = tpu.memref_squeeze %dma_start3A_100 : memref<1x128xi32, #tpu.memory_space<vmem>> -> memref<128xi32, #tpu.memory_space<vmem>>
      %dma_start3A_102 = arith.constant 0 : i32
      %dma_start3A_103 = arith.constant 0 : i32
      %dma_start3A_104 = tpu.memref_slice %arg15[%dma_start3A_102, %dma_start3A_103] : memref<10112x32xf32, #tpu.memory_space<vmem_shared>> -> memref<10112x32xf32, #tpu.memory_space<vmem_shared>>
      tpu.enqueue_indirect_dma source(%dma_start3A_104 : memref<10112x32xf32, #tpu.memory_space<vmem_shared>>) target(%arg10 : memref<128x32xf32, #tpu.memory_space<vmem>>) offsets(%dma_start3A_101 : memref<128xi32, #tpu.memory_space<vmem>>) semaphore(%arg12 : memref<!tpu.dma_semaphore, #tpu.memory_space<semaphore_mem>>)
      %dma_wait3A_105 = arith.constant 0 : i32
      %dma_wait3A_106 = tpu.memref_slice %arg7[%add3A_22, %dma_wait3A_105] : memref<320x128xi32, #tpu.memory_space<vmem>> -> memref<1x128xi32, #tpu.memory_space<vmem>>
      %dma_wait3A_107 = tpu.memref_squeeze %dma_wait3A_106 : memref<1x128xi32, #tpu.memory_space<vmem>> -> memref<128xi32, #tpu.memory_space<vmem>>
      %dma_wait3A_108 = arith.constant 0 : i32
      %dma_wait3A_109 = arith.constant 0 : i32
      %dma_wait3A_110 = tpu.memref_slice %arg15[%dma_wait3A_108, %dma_wait3A_109] : memref<10112x32xf32, #tpu.memory_space<vmem_shared>> -> memref<10112x32xf32, #tpu.memory_space<vmem_shared>>
      tpu.wait_indirect_dma semaphore(%arg13 : memref<!tpu.dma_semaphore, #tpu.memory_space<semaphore_mem>>) src(%dma_wait3A_110 : memref<10112x32xf32, #tpu.memory_space<vmem_shared>>) dst(%arg11 : memref<128x32xf32, #tpu.memory_space<vmem>>)
      %get3A_111 = arith.index_cast %add3A_22 : i32 to index
      %get3A_112 = arith.constant 0 : index
      %get3A_113 = tpu.vector_load %arg8[%get3A_111, %get3A_112] {strides = array<i32>} : memref<320x128xi32, #tpu.memory_space<vmem>>, vector<1x16xi32>,
      %get3A_114 = vector.shape_cast %get3A_113 : vector<1x16xi32> to vector<16xi32>
      %swap3A_115 = arith.constant 0 : index
      %swap3A_116 = tpu.vector_load %arg9[%swap3A_115] {strides = array<i32>} : memref<128xi32, #tpu.memory_space<vmem>>, vector<16xi32>,
      %swap3A_117 = vector.shape_cast %swap3A_116 : vector<16xi32> to vector<16xi32>
      %swap3A_118 = vector.shape_cast %get3A_114 : vector<16xi32> to vector<16xi32>
      tpu.vector_store %arg9[%swap3A_115], %swap3A_118 {strides = array<i32>} : memref<128xi32, #tpu.memory_space<vmem>>, vector<16xi32>,
      %get3A_119 = arith.index_cast %add3A_22 : i32 to index
      %get3A_120 = arith.constant 16 : index
      %get3A_121 = tpu.vector_load %arg8[%get3A_119, %get3A_120] {strides = array<i32>} : memref<320x128xi32, #tpu.memory_space<vmem>>, vector<1x16xi32>,
      %get3A_122 = vector.shape_cast %get3A_121 : vector<1x16xi32> to vector<16xi32>
      %swap3A_123 = arith.constant 16 : index
      %swap3A_124 = tpu.vector_load %arg9[%swap3A_123] {strides = array<i32>} : memref<128xi32, #tpu.memory_space<vmem>>, vector<16xi32>,
      %swap3A_125 = vector.shape_cast %swap3A_124 : vector<16xi32> to vector<16xi32>
      %swap3A_126 = vector.shape_cast %get3A_122 : vector<16xi32> to vector<16xi32>
      tpu.vector_store %arg9[%swap3A_123], %swap3A_126 {strides = array<i32>} : memref<128xi32, #tpu.memory_space<vmem>>, vector<16xi32>,
      %get3A_127 = arith.index_cast %add3A_22 : i32 to index
      %get3A_128 = arith.constant 32 : index
      %get3A_129 = tpu.vector_load %arg8[%get3A_127, %get3A_128] {strides = array<i32>} : memref<320x128xi32, #tpu.memory_space<vmem>>, vector<1x16xi32>,
      %get3A_130 = vector.shape_cast %get3A_129 : vector<1x16xi32> to vector<16xi32>
      %swap3A_131 = arith.constant 32 : index
      %swap3A_132 = tpu.vector_load %arg9[%swap3A_131] {strides = array<i32>} : memref<128xi32, #tpu.memory_space<vmem>>, vector<16xi32>,
      %swap3A_133 = vector.shape_cast %swap3A_132 : vector<16xi32> to vector<16xi32>
      %swap3A_134 = vector.shape_cast %get3A_130 : vector<16xi32> to vector<16xi32>
      tpu.vector_store %arg9[%swap3A_131], %swap3A_134 {strides = array<i32>} : memref<128xi32, #tpu.memory_space<vmem>>, vector<16xi32>,
      %get3A_135 = arith.index_cast %add3A_22 : i32 to index
      %get3A_136 = arith.constant 48 : index
      %get3A_137 = tpu.vector_load %arg8[%get3A_135, %get3A_136] {strides = array<i32>} : memref<320x128xi32, #tpu.memory_space<vmem>>, vector<1x16xi32>,
      %get3A_138 = vector.shape_cast %get3A_137 : vector<1x16xi32> to vector<16xi32>
      %swap3A_139 = arith.constant 48 : index
      %swap3A_140 = tpu.vector_load %arg9[%swap3A_139] {strides = array<i32>} : memref<128xi32, #tpu.memory_space<vmem>>, vector<16xi32>,
      %swap3A_141 = vector.shape_cast %swap3A_140 : vector<16xi32> to vector<16xi32>
      %swap3A_142 = vector.shape_cast %get3A_138 : vector<16xi32> to vector<16xi32>
      tpu.vector_store %arg9[%swap3A_139], %swap3A_142 {strides = array<i32>} : memref<128xi32, #tpu.memory_space<vmem>>, vector<16xi32>,
      %get3A_143 = arith.index_cast %add3A_22 : i32 to index
      %get3A_144 = arith.constant 64 : index
      %get3A_145 = tpu.vector_load %arg8[%get3A_143, %get3A_144] {strides = array<i32>} : memref<320x128xi32, #tpu.memory_space<vmem>>, vector<1x16xi32>,
      %get3A_146 = vector.shape_cast %get3A_145 : vector<1x16xi32> to vector<16xi32>
      %swap3A_147 = arith.constant 64 : index
      %swap3A_148 = tpu.vector_load %arg9[%swap3A_147] {strides = array<i32>} : memref<128xi32, #tpu.memory_space<vmem>>, vector<16xi32>,
      %swap3A_149 = vector.shape_cast %swap3A_148 : vector<16xi32> to vector<16xi32>
      %swap3A_150 = vector.shape_cast %get3A_146 : vector<16xi32> to vector<16xi32>
      tpu.vector_store %arg9[%swap3A_147], %swap3A_150 {strides = array<i32>} : memref<128xi32, #tpu.memory_space<vmem>>, vector<16xi32>,
      %get3A_151 = arith.index_cast %add3A_22 : i32 to index
      %get3A_152 = arith.constant 80 : index
      %get3A_153 = tpu.vector_load %arg8[%get3A_151, %get3A_152] {strides = array<i32>} : memref<320x128xi32, #tpu.memory_space<vmem>>, vector<1x16xi32>,
      %get3A_154 = vector.shape_cast %get3A_153 : vector<1x16xi32> to vector<16xi32>
      %swap3A_155 = arith.constant 80 : index
      %swap3A_156 = tpu.vector_load %arg9[%swap3A_155] {strides = array<i32>} : memref<128xi32, #tpu.memory_space<vmem>>, vector<16xi32>,
      %swap3A_157 = vector.shape_cast %swap3A_156 : vector<16xi32> to vector<16xi32>
      %swap3A_158 = vector.shape_cast %get3A_154 : vector<16xi32> to vector<16xi32>
      tpu.vector_store %arg9[%swap3A_155], %swap3A_158 {strides = array<i32>} : memref<128xi32, #tpu.memory_space<vmem>>, vector<16xi32>,
      %get3A_159 = arith.index_cast %add3A_22 : i32 to index
      %get3A_160 = arith.constant 96 : index
      %get3A_161 = tpu.vector_load %arg8[%get3A_159, %get3A_160] {strides = array<i32>} : memref<320x128xi32, #tpu.memory_space<vmem>>, vector<1x16xi32>,
      %get3A_162 = vector.shape_cast %get3A_161 : vector<1x16xi32> to vector<16xi32>
      %swap3A_163 = arith.constant 96 : index
      %swap3A_164 = tpu.vector_load %arg9[%swap3A_163] {strides = array<i32>} : memref<128xi32, #tpu.memory_space<vmem>>, vector<16xi32>,
      %swap3A_165 = vector.shape_cast %swap3A_164 : vector<16xi32> to vector<16xi32>
      %swap3A_166 = vector.shape_cast %get3A_162 : vector<16xi32> to vector<16xi32>
      tpu.vector_store %arg9[%swap3A_163], %swap3A_166 {strides = array<i32>} : memref<128xi32, #tpu.memory_space<vmem>>, vector<16xi32>,
      %get3A_167 = arith.index_cast %add3A_22 : i32 to index
      %get3A_168 = arith.constant 112 : index
      %get3A_169 = tpu.vector_load %arg8[%get3A_167, %get3A_168] {strides = array<i32>} : memref<320x128xi32, #tpu.memory_space<vmem>>, vector<1x16xi32>,
      %get3A_170 = vector.shape_cast %get3A_169 : vector<1x16xi32> to vector<16xi32>
      %swap3A_171 = arith.constant 112 : index
      %swap3A_172 = tpu.vector_load %arg9[%swap3A_171] {strides = array<i32>} : memref<128xi32, #tpu.memory_space<vmem>>, vector<16xi32>,
      %swap3A_173 = vector.shape_cast %swap3A_172 : vector<16xi32> to vector<16xi32>
      %swap3A_174 = vector.shape_cast %get3A_170 : vector<16xi32> to vector<16xi32>
      tpu.vector_store %arg9[%swap3A_171], %swap3A_174 {strides = array<i32>} : memref<128xi32, #tpu.memory_space<vmem>>, vector<16xi32>,
      "tpu.region"() ({
        %run_scoped3A = tpu.sem_alloc : memref<!tpu.dma_semaphore, #tpu.memory_space<semaphore_mem>>
        %dma_start3A_175 = arith.constant 0 : i32
        %dma_start3A_176 = arith.constant 0 : i32
        %dma_start3A_177 = tpu.memref_slice %arg14[%dma_start3A_175, %dma_start3A_176] : memref<10112x32xf32, #tpu.memory_space<vmem_shared>> -> memref<10112x32xf32, #tpu.memory_space<vmem_shared>>
        tpu.enqueue_indirect_dma source(%arg11 : memref<128x32xf32, #tpu.memory_space<vmem>>) target(%dma_start3A_177 : memref<10112x32xf32, #tpu.memory_space<vmem_shared>>) offsets(%arg9 : memref<128xi32, #tpu.memory_space<vmem>>) semaphore(%run_scoped3A : memref<!tpu.dma_semaphore, #tpu.memory_space<semaphore_mem>>) {add = true}
        %dma_wait3A_178 = arith.constant 0 : i32
        %dma_wait3A_179 = arith.constant 0 : i32
        %dma_wait3A_180 = tpu.memref_slice %arg14[%dma_wait3A_178, %dma_wait3A_179] : memref<10112x32xf32, #tpu.memory_space<vmem_shared>> -> memref<10112x32xf32, #tpu.memory_space<vmem_shared>>
        tpu.wait_indirect_dma semaphore(%run_scoped3A : memref<!tpu.dma_semaphore, #tpu.memory_space<semaphore_mem>>) src(%arg11 : memref<128x32xf32, #tpu.memory_space<vmem>>) dst(%dma_wait3A_180 : memref<10112x32xf32, #tpu.memory_space<vmem_shared>>)
        tpu.yield
      }) : () -> ()
    }
    %scan3A_11 = arith.constant 158 : i32
    %dma_wait3A = arith.constant 316 : i32
    %dma_wait3A_12 = arith.constant 0 : i32
    %dma_wait3A_13 = tpu.memref_slice %arg7[%dma_wait3A, %dma_wait3A_12] : memref<320x128xi32, #tpu.memory_space<vmem>> -> memref<1x128xi32, #tpu.memory_space<vmem>>
    %dma_wait3A_14 = tpu.memref_squeeze %dma_wait3A_13 : memref<1x128xi32, #tpu.memory_space<vmem>> -> memref<128xi32, #tpu.memory_space<vmem>>
    %dma_wait3A_15 = arith.constant 0 : i32
    %dma_wait3A_16 = arith.constant 0 : i32
    %dma_wait3A_17 = tpu.memref_slice %arg15[%dma_wait3A_15, %dma_wait3A_16] : memref<10112x32xf32, #tpu.memory_space<vmem_shared>> -> memref<10112x32xf32, #tpu.memory_space<vmem_shared>>
    tpu.wait_indirect_dma semaphore(%arg12 : memref<!tpu.dma_semaphore, #tpu.memory_space<semaphore_mem>>) src(%dma_wait3A_17 : memref<10112x32xf32, #tpu.memory_space<vmem_shared>>) dst(%arg10 : memref<128x32xf32, #tpu.memory_space<vmem>>)
    %barrier3A_18 = arith.constant 0 : index
    tpu.barrier barrier_id(%barrier3A_18)
    "tpu.region"() ({
      %run_scoped3A = tpu.sem_alloc : memref<!tpu.dma_semaphore, #tpu.memory_space<semaphore_mem>>
      %dma_start3A_19 = arith.constant 0 : i32
      %dma_start3A_20 = tpu.memref_slice %arg6[%arg0, %mul3A_0, %dma_start3A_19] : memref<2x10112x32xf32, #tpu.memory_space<hbm>> -> memref<1x632x32xf32, #tpu.memory_space<hbm>>
      %dma_start3A_21 = tpu.memref_squeeze %dma_start3A_20 : memref<1x632x32xf32, #tpu.memory_space<hbm>> -> memref<632x32xf32, #tpu.memory_space<hbm>>
      %dma_start3A_22 = arith.constant 0 : i32
      %dma_start3A_23 = tpu.memref_slice %arg14[%mul3A_0, %dma_start3A_22] : memref<10112x32xf32, #tpu.memory_space<vmem_shared>> -> memref<632x32xf32, #tpu.memory_space<vmem_shared>>
      tpu.enqueue_dma source(%dma_start3A_23 : memref<632x32xf32, #tpu.memory_space<vmem_shared>>) target(%dma_start3A_21 : memref<632x32xf32, #tpu.memory_space<hbm>>) target_semaphore(%run_scoped3A : memref<!tpu.dma_semaphore, #tpu.memory_space<semaphore_mem>>)
      %dma_wait3A_24 = arith.constant 0 : i32
      %dma_wait3A_25 = tpu.memref_slice %arg6[%arg0, %mul3A_0, %dma_wait3A_24] : memref<2x10112x32xf32, #tpu.memory_space<hbm>> -> memref<1x632x32xf32, #tpu.memory_space<hbm>>
      %dma_wait3A_26 = tpu.memref_squeeze %dma_wait3A_25 : memref<1x632x32xf32, #tpu.memory_space<hbm>> -> memref<632x32xf32, #tpu.memory_space<hbm>>
      %dma_wait3A_27 = arith.constant 0 : i32
      %dma_wait3A_28 = tpu.memref_slice %arg14[%mul3A_0, %dma_wait3A_27] : memref<10112x32xf32, #tpu.memory_space<vmem_shared>> -> memref<632x32xf32, #tpu.memory_space<vmem_shared>>
      tpu.wait_dma2 semaphore(%run_scoped3A : memref<!tpu.dma_semaphore, #tpu.memory_space<semaphore_mem>>) src(%dma_wait3A_28 : memref<632x32xf32, #tpu.memory_space<vmem_shared>>) dst(%dma_wait3A_26 : memref<632x32xf32, #tpu.memory_space<hbm>>)
      tpu.yield
    }) : () -> ()
    return
  }
}

#map = affine_map<(d0, d1) -> (0, 0, 0)>
#map1 = affine_map<(d0, d1) -> (0, 0)>
module attributes {stable_mosaic.version = 14 : i64} {
  func.func @_sc_deg_body(%arg0: i32, %arg1: i32, %arg2: memref<16x320x128xi32, #tpu.memory_space<hbm>>, %arg3: memref<256x16xf32, #tpu.memory_space<hbm>>, %arg4: memref<10112x16xf32, #tpu.memory_space<hbm>>, %arg5: memref<2x10112x16xf32, #tpu.memory_space<hbm>>, %arg6: memref<320x128xi32, #tpu.memory_space<vmem>>, %arg7: memref<256xi32, #tpu.memory_space<vmem>>, %arg8: memref<256xi32, #tpu.memory_space<vmem>>, %arg9: memref<256x16xf32, #tpu.memory_space<vmem>>, %arg10: memref<!tpu.dma_semaphore, #tpu.memory_space<semaphore_mem>>, %arg11: memref<!tpu.dma_semaphore, #tpu.memory_space<semaphore_mem>>, %arg12: memref<10112x16xf32, #tpu.memory_space<vmem_shared>>) attributes {dimension_semantics = [#tpu.dimension_semantics<core_parallel>, #tpu.dimension_semantics<subcore_parallel>], iteration_bounds = array<i64: 2, 16>, scalar_prefetch = 0 : i64, scratch_operands = 7 : i64, tpu.core_type = #tpu.core_type<sc_vector_subcore>, window_params = [{transform_indices = #map}, {transform_indices = #map1}, {transform_indices = #map1}, {transform_indices = #map}]} {
    %mul3A = arith.constant 632 : i32
    %mul3A_0 = arith.muli %arg1, %mul3A : i32
    "tpu.region"() ({
      %run_scoped3A = tpu.sem_alloc : memref<!tpu.dma_semaphore, #tpu.memory_space<semaphore_mem>>
      %dma_start3A_512 = arith.constant 0 : i32
      %dma_start3A_513 = arith.constant 0 : i32
      %dma_start3A_514 = tpu.memref_slice %arg2[%arg1, %dma_start3A_512, %dma_start3A_513] : memref<16x320x128xi32, #tpu.memory_space<hbm>> -> memref<1x320x128xi32, #tpu.memory_space<hbm>>
      %dma_start3A_515 = tpu.memref_squeeze %dma_start3A_514 : memref<1x320x128xi32, #tpu.memory_space<hbm>> -> memref<320x128xi32, #tpu.memory_space<hbm>>
      %dma_start3A_516 = arith.constant 0 : i32
      %dma_start3A_517 = arith.constant 0 : i32
      %dma_start3A_518 = tpu.memref_slice %arg2[%arg1, %dma_start3A_516, %dma_start3A_517] : memref<16x320x128xi32, #tpu.memory_space<hbm>> -> memref<1x320x128xi32, #tpu.memory_space<hbm>>
      %dma_start3A_519 = tpu.memref_squeeze %dma_start3A_518 : memref<1x320x128xi32, #tpu.memory_space<hbm>> -> memref<320x128xi32, #tpu.memory_space<hbm>>
      tpu.enqueue_dma source(%dma_start3A_519 : memref<320x128xi32, #tpu.memory_space<hbm>>) target(%arg6 : memref<320x128xi32, #tpu.memory_space<vmem>>) target_semaphore(%run_scoped3A : memref<!tpu.dma_semaphore, #tpu.memory_space<semaphore_mem>>)
      %dma_wait3A_520 = arith.constant 0 : i32
      %dma_wait3A_521 = arith.constant 0 : i32
      %dma_wait3A_522 = tpu.memref_slice %arg2[%arg1, %dma_wait3A_520, %dma_wait3A_521] : memref<16x320x128xi32, #tpu.memory_space<hbm>> -> memref<1x320x128xi32, #tpu.memory_space<hbm>>
      %dma_wait3A_523 = tpu.memref_squeeze %dma_wait3A_522 : memref<1x320x128xi32, #tpu.memory_space<hbm>> -> memref<320x128xi32, #tpu.memory_space<hbm>>
      %dma_wait3A_524 = arith.constant 0 : i32
      %dma_wait3A_525 = arith.constant 0 : i32
      %dma_wait3A_526 = tpu.memref_slice %arg2[%arg1, %dma_wait3A_524, %dma_wait3A_525] : memref<16x320x128xi32, #tpu.memory_space<hbm>> -> memref<1x320x128xi32, #tpu.memory_space<hbm>>
      %dma_wait3A_527 = tpu.memref_squeeze %dma_wait3A_526 : memref<1x320x128xi32, #tpu.memory_space<hbm>> -> memref<320x128xi32, #tpu.memory_space<hbm>>
      tpu.wait_dma2 semaphore(%run_scoped3A : memref<!tpu.dma_semaphore, #tpu.memory_space<semaphore_mem>>) src(%dma_wait3A_527 : memref<320x128xi32, #tpu.memory_space<hbm>>) dst(%arg6 : memref<320x128xi32, #tpu.memory_space<vmem>>)
      tpu.yield
    }) : () -> ()
    "tpu.region"() ({
      %run_scoped3A = tpu.sem_alloc : memref<!tpu.dma_semaphore, #tpu.memory_space<semaphore_mem>>
      tpu.enqueue_dma source(%arg3 : memref<256x16xf32, #tpu.memory_space<hbm>>) target(%arg9 : memref<256x16xf32, #tpu.memory_space<vmem>>) target_semaphore(%run_scoped3A : memref<!tpu.dma_semaphore, #tpu.memory_space<semaphore_mem>>)
      tpu.wait_dma2 semaphore(%run_scoped3A : memref<!tpu.dma_semaphore, #tpu.memory_space<semaphore_mem>>) src(%arg3 : memref<256x16xf32, #tpu.memory_space<hbm>>) dst(%arg9 : memref<256x16xf32, #tpu.memory_space<vmem>>)
      tpu.yield
    }) : () -> ()
    "tpu.region"() ({
      %run_scoped3A = tpu.sem_alloc : memref<!tpu.dma_semaphore, #tpu.memory_space<semaphore_mem>>
      %dma_start3A_512 = arith.constant 0 : i32
      %dma_start3A_513 = tpu.memref_slice %arg12[%mul3A_0, %dma_start3A_512] : memref<10112x16xf32, #tpu.memory_space<vmem_shared>> -> memref<632x16xf32, #tpu.memory_space<vmem_shared>>
      %dma_start3A_514 = arith.constant 0 : i32
      %dma_start3A_515 = tpu.memref_slice %arg4[%mul3A_0, %dma_start3A_514] : memref<10112x16xf32, #tpu.memory_space<hbm>> -> memref<632x16xf32, #tpu.memory_space<hbm>>
      tpu.enqueue_dma source(%dma_start3A_515 : memref<632x16xf32, #tpu.memory_space<hbm>>) target(%dma_start3A_513 : memref<632x16xf32, #tpu.memory_space<vmem_shared>>) target_semaphore(%run_scoped3A : memref<!tpu.dma_semaphore, #tpu.memory_space<semaphore_mem>>)
      %dma_wait3A_516 = arith.constant 0 : i32
      %dma_wait3A_517 = tpu.memref_slice %arg12[%mul3A_0, %dma_wait3A_516] : memref<10112x16xf32, #tpu.memory_space<vmem_shared>> -> memref<632x16xf32, #tpu.memory_space<vmem_shared>>
      %dma_wait3A_518 = arith.constant 0 : i32
      %dma_wait3A_519 = tpu.memref_slice %arg4[%mul3A_0, %dma_wait3A_518] : memref<10112x16xf32, #tpu.memory_space<hbm>> -> memref<632x16xf32, #tpu.memory_space<hbm>>
      tpu.wait_dma2 semaphore(%run_scoped3A : memref<!tpu.dma_semaphore, #tpu.memory_space<semaphore_mem>>) src(%dma_wait3A_519 : memref<632x16xf32, #tpu.memory_space<hbm>>) dst(%dma_wait3A_517 : memref<632x16xf32, #tpu.memory_space<vmem_shared>>)
      tpu.yield
    }) : () -> ()
    %barrier3A = arith.constant 0 : index
    tpu.barrier barrier_id(%barrier3A)
    %mul3A_1 = arith.constant 158 : i32
    %mul3A_2 = arith.muli %arg0, %mul3A_1 : i32
    %add3A = arith.constant 0 : i32
    %add3A_3 = arith.addi %add3A, %mul3A_2 : i32
    %add3A_4 = arith.constant 0 : i32
    %add3A_5 = arith.addi %add3A_3, %add3A_4 : i32
    %get3A = arith.index_cast %add3A_5 : i32 to index
    %get3A_6 = arith.constant 0 : index
    %get3A_7 = tpu.vector_load %arg6[%get3A, %get3A_6] {strides = array<i32>} : memref<320x128xi32, #tpu.memory_space<vmem>>, vector<1x16xi32>,
    %get3A_8 = vector.shape_cast %get3A_7 : vector<1x16xi32> to vector<16xi32>
    %swap3A = arith.constant 0 : index
    %swap3A_9 = tpu.vector_load %arg7[%swap3A] {strides = array<i32>} : memref<256xi32, #tpu.memory_space<vmem>>, vector<16xi32>,
    %swap3A_10 = vector.shape_cast %swap3A_9 : vector<16xi32> to vector<16xi32>
    %swap3A_11 = vector.shape_cast %get3A_8 : vector<16xi32> to vector<16xi32>
    tpu.vector_store %arg7[%swap3A], %swap3A_11 {strides = array<i32>} : memref<256xi32, #tpu.memory_space<vmem>>, vector<16xi32>,
    %add3A_12 = arith.constant 0 : i32
    %add3A_13 = arith.addi %add3A_3, %add3A_12 : i32
    %get3A_14 = arith.index_cast %add3A_13 : i32 to index
    %get3A_15 = arith.constant 16 : index
    %get3A_16 = tpu.vector_load %arg6[%get3A_14, %get3A_15] {strides = array<i32>} : memref<320x128xi32, #tpu.memory_space<vmem>>, vector<1x16xi32>,
    %get3A_17 = vector.shape_cast %get3A_16 : vector<1x16xi32> to vector<16xi32>
    %swap3A_18 = arith.constant 16 : index
    %swap3A_19 = tpu.vector_load %arg7[%swap3A_18] {strides = array<i32>} : memref<256xi32, #tpu.memory_space<vmem>>, vector<16xi32>,
    %swap3A_20 = vector.shape_cast %swap3A_19 : vector<16xi32> to vector<16xi32>
    %swap3A_21 = vector.shape_cast %get3A_17 : vector<16xi32> to vector<16xi32>
    tpu.vector_store %arg7[%swap3A_18], %swap3A_21 {strides = array<i32>} : memref<256xi32, #tpu.memory_space<vmem>>, vector<16xi32>,
    %add3A_22 = arith.constant 0 : i32
    %add3A_23 = arith.addi %add3A_3, %add3A_22 : i32
    %get3A_24 = arith.index_cast %add3A_23 : i32 to index
    %get3A_25 = arith.constant 32 : index
    %get3A_26 = tpu.vector_load %arg6[%get3A_24, %get3A_25] {strides = array<i32>} : memref<320x128xi32, #tpu.memory_space<vmem>>, vector<1x16xi32>,
    %get3A_27 = vector.shape_cast %get3A_26 : vector<1x16xi32> to vector<16xi32>
    %swap3A_28 = arith.constant 32 : index
    %swap3A_29 = tpu.vector_load %arg7[%swap3A_28] {strides = array<i32>} : memref<256xi32, #tpu.memory_space<vmem>>, vector<16xi32>,
    %swap3A_30 = vector.shape_cast %swap3A_29 : vector<16xi32> to vector<16xi32>
    %swap3A_31 = vector.shape_cast %get3A_27 : vector<16xi32> to vector<16xi32>
    tpu.vector_store %arg7[%swap3A_28], %swap3A_31 {strides = array<i32>} : memref<256xi32, #tpu.memory_space<vmem>>, vector<16xi32>,
    %add3A_32 = arith.constant 0 : i32
    %add3A_33 = arith.addi %add3A_3, %add3A_32 : i32
    %get3A_34 = arith.index_cast %add3A_33 : i32 to index
    %get3A_35 = arith.constant 48 : index
    %get3A_36 = tpu.vector_load %arg6[%get3A_34, %get3A_35] {strides = array<i32>} : memref<320x128xi32, #tpu.memory_space<vmem>>, vector<1x16xi32>,
    %get3A_37 = vector.shape_cast %get3A_36 : vector<1x16xi32> to vector<16xi32>
    %swap3A_38 = arith.constant 48 : index
    %swap3A_39 = tpu.vector_load %arg7[%swap3A_38] {strides = array<i32>} : memref<256xi32, #tpu.memory_space<vmem>>, vector<16xi32>,
    %swap3A_40 = vector.shape_cast %swap3A_39 : vector<16xi32> to vector<16xi32>
    %swap3A_41 = vector.shape_cast %get3A_37 : vector<16xi32> to vector<16xi32>
    tpu.vector_store %arg7[%swap3A_38], %swap3A_41 {strides = array<i32>} : memref<256xi32, #tpu.memory_space<vmem>>, vector<16xi32>,
    %add3A_42 = arith.constant 0 : i32
    %add3A_43 = arith.addi %add3A_3, %add3A_42 : i32
    %get3A_44 = arith.index_cast %add3A_43 : i32 to index
    %get3A_45 = arith.constant 64 : index
    %get3A_46 = tpu.vector_load %arg6[%get3A_44, %get3A_45] {strides = array<i32>} : memref<320x128xi32, #tpu.memory_space<vmem>>, vector<1x16xi32>,
    %get3A_47 = vector.shape_cast %get3A_46 : vector<1x16xi32> to vector<16xi32>
    %swap3A_48 = arith.constant 64 : index
    %swap3A_49 = tpu.vector_load %arg7[%swap3A_48] {strides = array<i32>} : memref<256xi32, #tpu.memory_space<vmem>>, vector<16xi32>,
    %swap3A_50 = vector.shape_cast %swap3A_49 : vector<16xi32> to vector<16xi32>
    %swap3A_51 = vector.shape_cast %get3A_47 : vector<16xi32> to vector<16xi32>
    tpu.vector_store %arg7[%swap3A_48], %swap3A_51 {strides = array<i32>} : memref<256xi32, #tpu.memory_space<vmem>>, vector<16xi32>,
    %add3A_52 = arith.constant 0 : i32
    %add3A_53 = arith.addi %add3A_3, %add3A_52 : i32
    %get3A_54 = arith.index_cast %add3A_53 : i32 to index
    %get3A_55 = arith.constant 80 : index
    %get3A_56 = tpu.vector_load %arg6[%get3A_54, %get3A_55] {strides = array<i32>} : memref<320x128xi32, #tpu.memory_space<vmem>>, vector<1x16xi32>,
    %get3A_57 = vector.shape_cast %get3A_56 : vector<1x16xi32> to vector<16xi32>
    %swap3A_58 = arith.constant 80 : index
    %swap3A_59 = tpu.vector_load %arg7[%swap3A_58] {strides = array<i32>} : memref<256xi32, #tpu.memory_space<vmem>>, vector<16xi32>,
    %swap3A_60 = vector.shape_cast %swap3A_59 : vector<16xi32> to vector<16xi32>
    %swap3A_61 = vector.shape_cast %get3A_57 : vector<16xi32> to vector<16xi32>
    tpu.vector_store %arg7[%swap3A_58], %swap3A_61 {strides = array<i32>} : memref<256xi32, #tpu.memory_space<vmem>>, vector<16xi32>,
    %add3A_62 = arith.constant 0 : i32
    %add3A_63 = arith.addi %add3A_3, %add3A_62 : i32
    %get3A_64 = arith.index_cast %add3A_63 : i32 to index
    %get3A_65 = arith.constant 96 : index
    %get3A_66 = tpu.vector_load %arg6[%get3A_64, %get3A_65] {strides = array<i32>} : memref<320x128xi32, #tpu.memory_space<vmem>>, vector<1x16xi32>,
    %get3A_67 = vector.shape_cast %get3A_66 : vector<1x16xi32> to vector<16xi32>
    %swap3A_68 = arith.constant 96 : index
    %swap3A_69 = tpu.vector_load %arg7[%swap3A_68] {strides = array<i32>} : memref<256xi32, #tpu.memory_space<vmem>>, vector<16xi32>,
    %swap3A_70 = vector.shape_cast %swap3A_69 : vector<16xi32> to vector<16xi32>
    %swap3A_71 = vector.shape_cast %get3A_67 : vector<16xi32> to vector<16xi32>
    tpu.vector_store %arg7[%swap3A_68], %swap3A_71 {strides = array<i32>} : memref<256xi32, #tpu.memory_space<vmem>>, vector<16xi32>,
    %add3A_72 = arith.constant 0 : i32
    %add3A_73 = arith.addi %add3A_3, %add3A_72 : i32
    %get3A_74 = arith.index_cast %add3A_73 : i32 to index
    %get3A_75 = arith.constant 112 : index
    %get3A_76 = tpu.vector_load %arg6[%get3A_74, %get3A_75] {strides = array<i32>} : memref<320x128xi32, #tpu.memory_space<vmem>>, vector<1x16xi32>,
    %get3A_77 = vector.shape_cast %get3A_76 : vector<1x16xi32> to vector<16xi32>
    %swap3A_78 = arith.constant 112 : index
    %swap3A_79 = tpu.vector_load %arg7[%swap3A_78] {strides = array<i32>} : memref<256xi32, #tpu.memory_space<vmem>>, vector<16xi32>,
    %swap3A_80 = vector.shape_cast %swap3A_79 : vector<16xi32> to vector<16xi32>
    %swap3A_81 = vector.shape_cast %get3A_77 : vector<16xi32> to vector<16xi32>
    tpu.vector_store %arg7[%swap3A_78], %swap3A_81 {strides = array<i32>} : memref<256xi32, #tpu.memory_space<vmem>>, vector<16xi32>,
    %add3A_82 = arith.constant 1 : i32
    %add3A_83 = arith.addi %add3A_3, %add3A_82 : i32
    %get3A_84 = arith.index_cast %add3A_83 : i32 to index
    %get3A_85 = arith.constant 0 : index
    %get3A_86 = tpu.vector_load %arg6[%get3A_84, %get3A_85] {strides = array<i32>} : memref<320x128xi32, #tpu.memory_space<vmem>>, vector<1x16xi32>,
    %get3A_87 = vector.shape_cast %get3A_86 : vector<1x16xi32> to vector<16xi32>
    %swap3A_88 = arith.constant 128 : index
    %swap3A_89 = tpu.vector_load %arg7[%swap3A_88] {strides = array<i32>} : memref<256xi32, #tpu.memory_space<vmem>>, vector<16xi32>,
    %swap3A_90 = vector.shape_cast %swap3A_89 : vector<16xi32> to vector<16xi32>
    %swap3A_91 = vector.shape_cast %get3A_87 : vector<16xi32> to vector<16xi32>
    tpu.vector_store %arg7[%swap3A_88], %swap3A_91 {strides = array<i32>} : memref<256xi32, #tpu.memory_space<vmem>>, vector<16xi32>,
    %add3A_92 = arith.constant 1 : i32
    %add3A_93 = arith.addi %add3A_3, %add3A_92 : i32
    %get3A_94 = arith.index_cast %add3A_93 : i32 to index
    %get3A_95 = arith.constant 16 : index
    %get3A_96 = tpu.vector_load %arg6[%get3A_94, %get3A_95] {strides = array<i32>} : memref<320x128xi32, #tpu.memory_space<vmem>>, vector<1x16xi32>,
    %get3A_97 = vector.shape_cast %get3A_96 : vector<1x16xi32> to vector<16xi32>
    %swap3A_98 = arith.constant 144 : index
    %swap3A_99 = tpu.vector_load %arg7[%swap3A_98] {strides = array<i32>} : memref<256xi32, #tpu.memory_space<vmem>>, vector<16xi32>,
    %swap3A_100 = vector.shape_cast %swap3A_99 : vector<16xi32> to vector<16xi32>
    %swap3A_101 = vector.shape_cast %get3A_97 : vector<16xi32> to vector<16xi32>
    tpu.vector_store %arg7[%swap3A_98], %swap3A_101 {strides = array<i32>} : memref<256xi32, #tpu.memory_space<vmem>>, vector<16xi32>,
    %add3A_102 = arith.constant 1 : i32
    %add3A_103 = arith.addi %add3A_3, %add3A_102 : i32
    %get3A_104 = arith.index_cast %add3A_103 : i32 to index
    %get3A_105 = arith.constant 32 : index
    %get3A_106 = tpu.vector_load %arg6[%get3A_104, %get3A_105] {strides = array<i32>} : memref<320x128xi32, #tpu.memory_space<vmem>>, vector<1x16xi32>,
    %get3A_107 = vector.shape_cast %get3A_106 : vector<1x16xi32> to vector<16xi32>
    %swap3A_108 = arith.constant 160 : index
    %swap3A_109 = tpu.vector_load %arg7[%swap3A_108] {strides = array<i32>} : memref<256xi32, #tpu.memory_space<vmem>>, vector<16xi32>,
    %swap3A_110 = vector.shape_cast %swap3A_109 : vector<16xi32> to vector<16xi32>
    %swap3A_111 = vector.shape_cast %get3A_107 : vector<16xi32> to vector<16xi32>
    tpu.vector_store %arg7[%swap3A_108], %swap3A_111 {strides = array<i32>} : memref<256xi32, #tpu.memory_space<vmem>>, vector<16xi32>,
    %add3A_112 = arith.constant 1 : i32
    %add3A_113 = arith.addi %add3A_3, %add3A_112 : i32
    %get3A_114 = arith.index_cast %add3A_113 : i32 to index
    %get3A_115 = arith.constant 48 : index
    %get3A_116 = tpu.vector_load %arg6[%get3A_114, %get3A_115] {strides = array<i32>} : memref<320x128xi32, #tpu.memory_space<vmem>>, vector<1x16xi32>,
    %get3A_117 = vector.shape_cast %get3A_116 : vector<1x16xi32> to vector<16xi32>
    %swap3A_118 = arith.constant 176 : index
    %swap3A_119 = tpu.vector_load %arg7[%swap3A_118] {strides = array<i32>} : memref<256xi32, #tpu.memory_space<vmem>>, vector<16xi32>,
    %swap3A_120 = vector.shape_cast %swap3A_119 : vector<16xi32> to vector<16xi32>
    %swap3A_121 = vector.shape_cast %get3A_117 : vector<16xi32> to vector<16xi32>
    tpu.vector_store %arg7[%swap3A_118], %swap3A_121 {strides = array<i32>} : memref<256xi32, #tpu.memory_space<vmem>>, vector<16xi32>,
    %add3A_122 = arith.constant 1 : i32
    %add3A_123 = arith.addi %add3A_3, %add3A_122 : i32
    %get3A_124 = arith.index_cast %add3A_123 : i32 to index
    %get3A_125 = arith.constant 64 : index
    %get3A_126 = tpu.vector_load %arg6[%get3A_124, %get3A_125] {strides = array<i32>} : memref<320x128xi32, #tpu.memory_space<vmem>>, vector<1x16xi32>,
    %get3A_127 = vector.shape_cast %get3A_126 : vector<1x16xi32> to vector<16xi32>
    %swap3A_128 = arith.constant 192 : index
    %swap3A_129 = tpu.vector_load %arg7[%swap3A_128] {strides = array<i32>} : memref<256xi32, #tpu.memory_space<vmem>>, vector<16xi32>,
    %swap3A_130 = vector.shape_cast %swap3A_129 : vector<16xi32> to vector<16xi32>
    %swap3A_131 = vector.shape_cast %get3A_127 : vector<16xi32> to vector<16xi32>
    tpu.vector_store %arg7[%swap3A_128], %swap3A_131 {strides = array<i32>} : memref<256xi32, #tpu.memory_space<vmem>>, vector<16xi32>,
    %add3A_132 = arith.constant 1 : i32
    %add3A_133 = arith.addi %add3A_3, %add3A_132 : i32
    %get3A_134 = arith.index_cast %add3A_133 : i32 to index
    %get3A_135 = arith.constant 80 : index
    %get3A_136 = tpu.vector_load %arg6[%get3A_134, %get3A_135] {strides = array<i32>} : memref<320x128xi32, #tpu.memory_space<vmem>>, vector<1x16xi32>,
    %get3A_137 = vector.shape_cast %get3A_136 : vector<1x16xi32> to vector<16xi32>
    %swap3A_138 = arith.constant 208 : index
    %swap3A_139 = tpu.vector_load %arg7[%swap3A_138] {strides = array<i32>} : memref<256xi32, #tpu.memory_space<vmem>>, vector<16xi32>,
    %swap3A_140 = vector.shape_cast %swap3A_139 : vector<16xi32> to vector<16xi32>
    %swap3A_141 = vector.shape_cast %get3A_137 : vector<16xi32> to vector<16xi32>
    tpu.vector_store %arg7[%swap3A_138], %swap3A_141 {strides = array<i32>} : memref<256xi32, #tpu.memory_space<vmem>>, vector<16xi32>,
    %add3A_142 = arith.constant 1 : i32
    %add3A_143 = arith.addi %add3A_3, %add3A_142 : i32
    %get3A_144 = arith.index_cast %add3A_143 : i32 to index
    %get3A_145 = arith.constant 96 : index
    %get3A_146 = tpu.vector_load %arg6[%get3A_144, %get3A_145] {strides = array<i32>} : memref<320x128xi32, #tpu.memory_space<vmem>>, vector<1x16xi32>,
    %get3A_147 = vector.shape_cast %get3A_146 : vector<1x16xi32> to vector<16xi32>
    %swap3A_148 = arith.constant 224 : index
    %swap3A_149 = tpu.vector_load %arg7[%swap3A_148] {strides = array<i32>} : memref<256xi32, #tpu.memory_space<vmem>>, vector<16xi32>,
    %swap3A_150 = vector.shape_cast %swap3A_149 : vector<16xi32> to vector<16xi32>
    %swap3A_151 = vector.shape_cast %get3A_147 : vector<16xi32> to vector<16xi32>
    tpu.vector_store %arg7[%swap3A_148], %swap3A_151 {strides = array<i32>} : memref<256xi32, #tpu.memory_space<vmem>>, vector<16xi32>,
    %add3A_152 = arith.constant 1 : i32
    %add3A_153 = arith.addi %add3A_3, %add3A_152 : i32
    %get3A_154 = arith.index_cast %add3A_153 : i32 to index
    %get3A_155 = arith.constant 112 : index
    %get3A_156 = tpu.vector_load %arg6[%get3A_154, %get3A_155] {strides = array<i32>} : memref<320x128xi32, #tpu.memory_space<vmem>>, vector<1x16xi32>,
    %get3A_157 = vector.shape_cast %get3A_156 : vector<1x16xi32> to vector<16xi32>
    %swap3A_158 = arith.constant 240 : index
    %swap3A_159 = tpu.vector_load %arg7[%swap3A_158] {strides = array<i32>} : memref<256xi32, #tpu.memory_space<vmem>>, vector<16xi32>,
    %swap3A_160 = vector.shape_cast %swap3A_159 : vector<16xi32> to vector<16xi32>
    %swap3A_161 = vector.shape_cast %get3A_157 : vector<16xi32> to vector<16xi32>
    tpu.vector_store %arg7[%swap3A_158], %swap3A_161 {strides = array<i32>} : memref<256xi32, #tpu.memory_space<vmem>>, vector<16xi32>,
    %dma_start3A = arith.constant 0 : i32
    %dma_start3A_162 = arith.constant 0 : i32
    %dma_start3A_163 = tpu.memref_slice %arg12[%dma_start3A, %dma_start3A_162] : memref<10112x16xf32, #tpu.memory_space<vmem_shared>> -> memref<10112x16xf32, #tpu.memory_space<vmem_shared>>
    tpu.enqueue_indirect_dma source(%arg9 : memref<256x16xf32, #tpu.memory_space<vmem>>) target(%dma_start3A_163 : memref<10112x16xf32, #tpu.memory_space<vmem_shared>>) offsets(%arg7 : memref<256xi32, #tpu.memory_space<vmem>>) semaphore(%arg10 : memref<!tpu.dma_semaphore, #tpu.memory_space<semaphore_mem>>) {add = true}
    %mul3A_164 = arith.constant 158 : i32
    %mul3A_165 = arith.muli %arg0, %mul3A_164 : i32
    %add3A_166 = arith.constant 2 : i32
    %add3A_167 = arith.addi %add3A_166, %mul3A_165 : i32
    %add3A_168 = arith.constant 0 : i32
    %add3A_169 = arith.addi %add3A_167, %add3A_168 : i32
    %get3A_170 = arith.index_cast %add3A_169 : i32 to index
    %get3A_171 = arith.constant 0 : index
    %get3A_172 = tpu.vector_load %arg6[%get3A_170, %get3A_171] {strides = array<i32>} : memref<320x128xi32, #tpu.memory_space<vmem>>, vector<1x16xi32>,
    %get3A_173 = vector.shape_cast %get3A_172 : vector<1x16xi32> to vector<16xi32>
    %swap3A_174 = arith.constant 0 : index
    %swap3A_175 = tpu.vector_load %arg8[%swap3A_174] {strides = array<i32>} : memref<256xi32, #tpu.memory_space<vmem>>, vector<16xi32>,
    %swap3A_176 = vector.shape_cast %swap3A_175 : vector<16xi32> to vector<16xi32>
    %swap3A_177 = vector.shape_cast %get3A_173 : vector<16xi32> to vector<16xi32>
    tpu.vector_store %arg8[%swap3A_174], %swap3A_177 {strides = array<i32>} : memref<256xi32, #tpu.memory_space<vmem>>, vector<16xi32>,
    %add3A_178 = arith.constant 0 : i32
    %add3A_179 = arith.addi %add3A_167, %add3A_178 : i32
    %get3A_180 = arith.index_cast %add3A_179 : i32 to index
    %get3A_181 = arith.constant 16 : index
    %get3A_182 = tpu.vector_load %arg6[%get3A_180, %get3A_181] {strides = array<i32>} : memref<320x128xi32, #tpu.memory_space<vmem>>, vector<1x16xi32>,
    %get3A_183 = vector.shape_cast %get3A_182 : vector<1x16xi32> to vector<16xi32>
    %swap3A_184 = arith.constant 16 : index
    %swap3A_185 = tpu.vector_load %arg8[%swap3A_184] {strides = array<i32>} : memref<256xi32, #tpu.memory_space<vmem>>, vector<16xi32>,
    %swap3A_186 = vector.shape_cast %swap3A_185 : vector<16xi32> to vector<16xi32>
    %swap3A_187 = vector.shape_cast %get3A_183 : vector<16xi32> to vector<16xi32>
    tpu.vector_store %arg8[%swap3A_184], %swap3A_187 {strides = array<i32>} : memref<256xi32, #tpu.memory_space<vmem>>, vector<16xi32>,
    %add3A_188 = arith.constant 0 : i32
    %add3A_189 = arith.addi %add3A_167, %add3A_188 : i32
    %get3A_190 = arith.index_cast %add3A_189 : i32 to index
    %get3A_191 = arith.constant 32 : index
    %get3A_192 = tpu.vector_load %arg6[%get3A_190, %get3A_191] {strides = array<i32>} : memref<320x128xi32, #tpu.memory_space<vmem>>, vector<1x16xi32>,
    %get3A_193 = vector.shape_cast %get3A_192 : vector<1x16xi32> to vector<16xi32>
    %swap3A_194 = arith.constant 32 : index
    %swap3A_195 = tpu.vector_load %arg8[%swap3A_194] {strides = array<i32>} : memref<256xi32, #tpu.memory_space<vmem>>, vector<16xi32>,
    %swap3A_196 = vector.shape_cast %swap3A_195 : vector<16xi32> to vector<16xi32>
    %swap3A_197 = vector.shape_cast %get3A_193 : vector<16xi32> to vector<16xi32>
    tpu.vector_store %arg8[%swap3A_194], %swap3A_197 {strides = array<i32>} : memref<256xi32, #tpu.memory_space<vmem>>, vector<16xi32>,
    %add3A_198 = arith.constant 0 : i32
    %add3A_199 = arith.addi %add3A_167, %add3A_198 : i32
    %get3A_200 = arith.index_cast %add3A_199 : i32 to index
    %get3A_201 = arith.constant 48 : index
    %get3A_202 = tpu.vector_load %arg6[%get3A_200, %get3A_201] {strides = array<i32>} : memref<320x128xi32, #tpu.memory_space<vmem>>, vector<1x16xi32>,
    %get3A_203 = vector.shape_cast %get3A_202 : vector<1x16xi32> to vector<16xi32>
    %swap3A_204 = arith.constant 48 : index
    %swap3A_205 = tpu.vector_load %arg8[%swap3A_204] {strides = array<i32>} : memref<256xi32, #tpu.memory_space<vmem>>, vector<16xi32>,
    %swap3A_206 = vector.shape_cast %swap3A_205 : vector<16xi32> to vector<16xi32>
    %swap3A_207 = vector.shape_cast %get3A_203 : vector<16xi32> to vector<16xi32>
    tpu.vector_store %arg8[%swap3A_204], %swap3A_207 {strides = array<i32>} : memref<256xi32, #tpu.memory_space<vmem>>, vector<16xi32>,
    %add3A_208 = arith.constant 0 : i32
    %add3A_209 = arith.addi %add3A_167, %add3A_208 : i32
    %get3A_210 = arith.index_cast %add3A_209 : i32 to index
    %get3A_211 = arith.constant 64 : index
    %get3A_212 = tpu.vector_load %arg6[%get3A_210, %get3A_211] {strides = array<i32>} : memref<320x128xi32, #tpu.memory_space<vmem>>, vector<1x16xi32>,
    %get3A_213 = vector.shape_cast %get3A_212 : vector<1x16xi32> to vector<16xi32>
    %swap3A_214 = arith.constant 64 : index
    %swap3A_215 = tpu.vector_load %arg8[%swap3A_214] {strides = array<i32>} : memref<256xi32, #tpu.memory_space<vmem>>, vector<16xi32>,
    %swap3A_216 = vector.shape_cast %swap3A_215 : vector<16xi32> to vector<16xi32>
    %swap3A_217 = vector.shape_cast %get3A_213 : vector<16xi32> to vector<16xi32>
    tpu.vector_store %arg8[%swap3A_214], %swap3A_217 {strides = array<i32>} : memref<256xi32, #tpu.memory_space<vmem>>, vector<16xi32>,
    %add3A_218 = arith.constant 0 : i32
    %add3A_219 = arith.addi %add3A_167, %add3A_218 : i32
    %get3A_220 = arith.index_cast %add3A_219 : i32 to index
    %get3A_221 = arith.constant 80 : index
    %get3A_222 = tpu.vector_load %arg6[%get3A_220, %get3A_221] {strides = array<i32>} : memref<320x128xi32, #tpu.memory_space<vmem>>, vector<1x16xi32>,
    %get3A_223 = vector.shape_cast %get3A_222 : vector<1x16xi32> to vector<16xi32>
    %swap3A_224 = arith.constant 80 : index
    %swap3A_225 = tpu.vector_load %arg8[%swap3A_224] {strides = array<i32>} : memref<256xi32, #tpu.memory_space<vmem>>, vector<16xi32>,
    %swap3A_226 = vector.shape_cast %swap3A_225 : vector<16xi32> to vector<16xi32>
    %swap3A_227 = vector.shape_cast %get3A_223 : vector<16xi32> to vector<16xi32>
    tpu.vector_store %arg8[%swap3A_224], %swap3A_227 {strides = array<i32>} : memref<256xi32, #tpu.memory_space<vmem>>, vector<16xi32>,
    %add3A_228 = arith.constant 0 : i32
    %add3A_229 = arith.addi %add3A_167, %add3A_228 : i32
    %get3A_230 = arith.index_cast %add3A_229 : i32 to index
    %get3A_231 = arith.constant 96 : index
    %get3A_232 = tpu.vector_load %arg6[%get3A_230, %get3A_231] {strides = array<i32>} : memref<320x128xi32, #tpu.memory_space<vmem>>, vector<1x16xi32>,
    %get3A_233 = vector.shape_cast %get3A_232 : vector<1x16xi32> to vector<16xi32>
    %swap3A_234 = arith.constant 96 : index
    %swap3A_235 = tpu.vector_load %arg8[%swap3A_234] {strides = array<i32>} : memref<256xi32, #tpu.memory_space<vmem>>, vector<16xi32>,
    %swap3A_236 = vector.shape_cast %swap3A_235 : vector<16xi32> to vector<16xi32>
    %swap3A_237 = vector.shape_cast %get3A_233 : vector<16xi32> to vector<16xi32>
    tpu.vector_store %arg8[%swap3A_234], %swap3A_237 {strides = array<i32>} : memref<256xi32, #tpu.memory_space<vmem>>, vector<16xi32>,
    %add3A_238 = arith.constant 0 : i32
    %add3A_239 = arith.addi %add3A_167, %add3A_238 : i32
    %get3A_240 = arith.index_cast %add3A_239 : i32 to index
    %get3A_241 = arith.constant 112 : index
    %get3A_242 = tpu.vector_load %arg6[%get3A_240, %get3A_241] {strides = array<i32>} : memref<320x128xi32, #tpu.memory_space<vmem>>, vector<1x16xi32>,
    %get3A_243 = vector.shape_cast %get3A_242 : vector<1x16xi32> to vector<16xi32>
    %swap3A_244 = arith.constant 112 : index
    %swap3A_245 = tpu.vector_load %arg8[%swap3A_244] {strides = array<i32>} : memref<256xi32, #tpu.memory_space<vmem>>, vector<16xi32>,
    %swap3A_246 = vector.shape_cast %swap3A_245 : vector<16xi32> to vector<16xi32>
    %swap3A_247 = vector.shape_cast %get3A_243 : vector<16xi32> to vector<16xi32>
    tpu.vector_store %arg8[%swap3A_244], %swap3A_247 {strides = array<i32>} : memref<256xi32, #tpu.memory_space<vmem>>, vector<16xi32>,
    %add3A_248 = arith.constant 1 : i32
    %add3A_249 = arith.addi %add3A_167, %add3A_248 : i32
    %get3A_250 = arith.index_cast %add3A_249 : i32 to index
    %get3A_251 = arith.constant 0 : index
    %get3A_252 = tpu.vector_load %arg6[%get3A_250, %get3A_251] {strides = array<i32>} : memref<320x128xi32, #tpu.memory_space<vmem>>, vector<1x16xi32>,
    %get3A_253 = vector.shape_cast %get3A_252 : vector<1x16xi32> to vector<16xi32>
    %swap3A_254 = arith.constant 128 : index
    %swap3A_255 = tpu.vector_load %arg8[%swap3A_254] {strides = array<i32>} : memref<256xi32, #tpu.memory_space<vmem>>, vector<16xi32>,
    %swap3A_256 = vector.shape_cast %swap3A_255 : vector<16xi32> to vector<16xi32>
    %swap3A_257 = vector.shape_cast %get3A_253 : vector<16xi32> to vector<16xi32>
    tpu.vector_store %arg8[%swap3A_254], %swap3A_257 {strides = array<i32>} : memref<256xi32, #tpu.memory_space<vmem>>, vector<16xi32>,
    %add3A_258 = arith.constant 1 : i32
    %add3A_259 = arith.addi %add3A_167, %add3A_258 : i32
    %get3A_260 = arith.index_cast %add3A_259 : i32 to index
    %get3A_261 = arith.constant 16 : index
    %get3A_262 = tpu.vector_load %arg6[%get3A_260, %get3A_261] {strides = array<i32>} : memref<320x128xi32, #tpu.memory_space<vmem>>, vector<1x16xi32>,
    %get3A_263 = vector.shape_cast %get3A_262 : vector<1x16xi32> to vector<16xi32>
    %swap3A_264 = arith.constant 144 : index
    %swap3A_265 = tpu.vector_load %arg8[%swap3A_264] {strides = array<i32>} : memref<256xi32, #tpu.memory_space<vmem>>, vector<16xi32>,
    %swap3A_266 = vector.shape_cast %swap3A_265 : vector<16xi32> to vector<16xi32>
    %swap3A_267 = vector.shape_cast %get3A_263 : vector<16xi32> to vector<16xi32>
    tpu.vector_store %arg8[%swap3A_264], %swap3A_267 {strides = array<i32>} : memref<256xi32, #tpu.memory_space<vmem>>, vector<16xi32>,
    %add3A_268 = arith.constant 1 : i32
    %add3A_269 = arith.addi %add3A_167, %add3A_268 : i32
    %get3A_270 = arith.index_cast %add3A_269 : i32 to index
    %get3A_271 = arith.constant 32 : index
    %get3A_272 = tpu.vector_load %arg6[%get3A_270, %get3A_271] {strides = array<i32>} : memref<320x128xi32, #tpu.memory_space<vmem>>, vector<1x16xi32>,
    %get3A_273 = vector.shape_cast %get3A_272 : vector<1x16xi32> to vector<16xi32>
    %swap3A_274 = arith.constant 160 : index
    %swap3A_275 = tpu.vector_load %arg8[%swap3A_274] {strides = array<i32>} : memref<256xi32, #tpu.memory_space<vmem>>, vector<16xi32>,
    %swap3A_276 = vector.shape_cast %swap3A_275 : vector<16xi32> to vector<16xi32>
    %swap3A_277 = vector.shape_cast %get3A_273 : vector<16xi32> to vector<16xi32>
    tpu.vector_store %arg8[%swap3A_274], %swap3A_277 {strides = array<i32>} : memref<256xi32, #tpu.memory_space<vmem>>, vector<16xi32>,
    %add3A_278 = arith.constant 1 : i32
    %add3A_279 = arith.addi %add3A_167, %add3A_278 : i32
    %get3A_280 = arith.index_cast %add3A_279 : i32 to index
    %get3A_281 = arith.constant 48 : index
    %get3A_282 = tpu.vector_load %arg6[%get3A_280, %get3A_281] {strides = array<i32>} : memref<320x128xi32, #tpu.memory_space<vmem>>, vector<1x16xi32>,
    %get3A_283 = vector.shape_cast %get3A_282 : vector<1x16xi32> to vector<16xi32>
    %swap3A_284 = arith.constant 176 : index
    %swap3A_285 = tpu.vector_load %arg8[%swap3A_284] {strides = array<i32>} : memref<256xi32, #tpu.memory_space<vmem>>, vector<16xi32>,
    %swap3A_286 = vector.shape_cast %swap3A_285 : vector<16xi32> to vector<16xi32>
    %swap3A_287 = vector.shape_cast %get3A_283 : vector<16xi32> to vector<16xi32>
    tpu.vector_store %arg8[%swap3A_284], %swap3A_287 {strides = array<i32>} : memref<256xi32, #tpu.memory_space<vmem>>, vector<16xi32>,
    %add3A_288 = arith.constant 1 : i32
    %add3A_289 = arith.addi %add3A_167, %add3A_288 : i32
    %get3A_290 = arith.index_cast %add3A_289 : i32 to index
    %get3A_291 = arith.constant 64 : index
    %get3A_292 = tpu.vector_load %arg6[%get3A_290, %get3A_291] {strides = array<i32>} : memref<320x128xi32, #tpu.memory_space<vmem>>, vector<1x16xi32>,
    %get3A_293 = vector.shape_cast %get3A_292 : vector<1x16xi32> to vector<16xi32>
    %swap3A_294 = arith.constant 192 : index
    %swap3A_295 = tpu.vector_load %arg8[%swap3A_294] {strides = array<i32>} : memref<256xi32, #tpu.memory_space<vmem>>, vector<16xi32>,
    %swap3A_296 = vector.shape_cast %swap3A_295 : vector<16xi32> to vector<16xi32>
    %swap3A_297 = vector.shape_cast %get3A_293 : vector<16xi32> to vector<16xi32>
    tpu.vector_store %arg8[%swap3A_294], %swap3A_297 {strides = array<i32>} : memref<256xi32, #tpu.memory_space<vmem>>, vector<16xi32>,
    %add3A_298 = arith.constant 1 : i32
    %add3A_299 = arith.addi %add3A_167, %add3A_298 : i32
    %get3A_300 = arith.index_cast %add3A_299 : i32 to index
    %get3A_301 = arith.constant 80 : index
    %get3A_302 = tpu.vector_load %arg6[%get3A_300, %get3A_301] {strides = array<i32>} : memref<320x128xi32, #tpu.memory_space<vmem>>, vector<1x16xi32>,
    %get3A_303 = vector.shape_cast %get3A_302 : vector<1x16xi32> to vector<16xi32>
    %swap3A_304 = arith.constant 208 : index
    %swap3A_305 = tpu.vector_load %arg8[%swap3A_304] {strides = array<i32>} : memref<256xi32, #tpu.memory_space<vmem>>, vector<16xi32>,
    %swap3A_306 = vector.shape_cast %swap3A_305 : vector<16xi32> to vector<16xi32>
    %swap3A_307 = vector.shape_cast %get3A_303 : vector<16xi32> to vector<16xi32>
    tpu.vector_store %arg8[%swap3A_304], %swap3A_307 {strides = array<i32>} : memref<256xi32, #tpu.memory_space<vmem>>, vector<16xi32>,
    %add3A_308 = arith.constant 1 : i32
    %add3A_309 = arith.addi %add3A_167, %add3A_308 : i32
    %get3A_310 = arith.index_cast %add3A_309 : i32 to index
    %get3A_311 = arith.constant 96 : index
    %get3A_312 = tpu.vector_load %arg6[%get3A_310, %get3A_311] {strides = array<i32>} : memref<320x128xi32, #tpu.memory_space<vmem>>, vector<1x16xi32>,
    %get3A_313 = vector.shape_cast %get3A_312 : vector<1x16xi32> to vector<16xi32>
    %swap3A_314 = arith.constant 224 : index
    %swap3A_315 = tpu.vector_load %arg8[%swap3A_314] {strides = array<i32>} : memref<256xi32, #tpu.memory_space<vmem>>, vector<16xi32>,
    %swap3A_316 = vector.shape_cast %swap3A_315 : vector<16xi32> to vector<16xi32>
    %swap3A_317 = vector.shape_cast %get3A_313 : vector<16xi32> to vector<16xi32>
    tpu.vector_store %arg8[%swap3A_314], %swap3A_317 {strides = array<i32>} : memref<256xi32, #tpu.memory_space<vmem>>, vector<16xi32>,
    %add3A_318 = arith.constant 1 : i32
    %add3A_319 = arith.addi %add3A_167, %add3A_318 : i32
    %get3A_320 = arith.index_cast %add3A_319 : i32 to index
    %get3A_321 = arith.constant 112 : index
    %get3A_322 = tpu.vector_load %arg6[%get3A_320, %get3A_321] {strides = array<i32>} : memref<320x128xi32, #tpu.memory_space<vmem>>, vector<1x16xi32>,
    %get3A_323 = vector.shape_cast %get3A_322 : vector<1x16xi32> to vector<16xi32>
    %swap3A_324 = arith.constant 240 : index
    %swap3A_325 = tpu.vector_load %arg8[%swap3A_324] {strides = array<i32>} : memref<256xi32, #tpu.memory_space<vmem>>, vector<16xi32>,
    %swap3A_326 = vector.shape_cast %swap3A_325 : vector<16xi32> to vector<16xi32>
    %swap3A_327 = vector.shape_cast %get3A_323 : vector<16xi32> to vector<16xi32>
    tpu.vector_store %arg8[%swap3A_324], %swap3A_327 {strides = array<i32>} : memref<256xi32, #tpu.memory_space<vmem>>, vector<16xi32>,
    %dma_start3A_328 = arith.constant 0 : i32
    %dma_start3A_329 = arith.constant 0 : i32
    %dma_start3A_330 = tpu.memref_slice %arg12[%dma_start3A_328, %dma_start3A_329] : memref<10112x16xf32, #tpu.memory_space<vmem_shared>> -> memref<10112x16xf32, #tpu.memory_space<vmem_shared>>
    tpu.enqueue_indirect_dma source(%arg9 : memref<256x16xf32, #tpu.memory_space<vmem>>) target(%dma_start3A_330 : memref<10112x16xf32, #tpu.memory_space<vmem_shared>>) offsets(%arg8 : memref<256xi32, #tpu.memory_space<vmem>>) semaphore(%arg11 : memref<!tpu.dma_semaphore, #tpu.memory_space<semaphore_mem>>) {add = true}
    %scan3A = arith.constant 0 : i32
    %scan3A_331 = arith.constant 1 : i32
    %scan3A_332 = arith.constant 38 : i32
    %scan3A_333 = arith.addi %scan3A_331, %scan3A_332 : i32
    %scan3A_334 = arith.constant 1 : i32
    scf.for %scan3A_512 = %scan3A_331 to %scan3A_333 step %scan3A_334  : i32 {
      %mul3A_513 = arith.constant 2 : i32
      %mul3A_514 = arith.muli %mul3A_513, %scan3A_512 : i32
      %dma_wait3A_515 = arith.constant 0 : i32
      %dma_wait3A_516 = arith.constant 0 : i32
      %dma_wait3A_517 = tpu.memref_slice %arg12[%dma_wait3A_515, %dma_wait3A_516] : memref<10112x16xf32, #tpu.memory_space<vmem_shared>> -> memref<10112x16xf32, #tpu.memory_space<vmem_shared>>
      tpu.wait_indirect_dma semaphore(%arg10 : memref<!tpu.dma_semaphore, #tpu.memory_space<semaphore_mem>>) src(%arg9 : memref<256x16xf32, #tpu.memory_space<vmem>>) dst(%dma_wait3A_517 : memref<10112x16xf32, #tpu.memory_space<vmem_shared>>)
      %mul3A_518 = arith.constant 2 : i32
      %mul3A_519 = arith.muli %mul3A_518, %mul3A_514 : i32
      %mul3A_520 = arith.constant 158 : i32
      %mul3A_521 = arith.muli %arg0, %mul3A_520 : i32
      %add3A_522 = arith.addi %mul3A_519, %mul3A_521 : i32
      %add3A_523 = arith.constant 0 : i32
      %add3A_524 = arith.addi %add3A_522, %add3A_523 : i32
      %get3A_525 = arith.index_cast %add3A_524 : i32 to index
      %get3A_526 = arith.constant 0 : index
      %get3A_527 = tpu.vector_load %arg6[%get3A_525, %get3A_526] {strides = array<i32>} : memref<320x128xi32, #tpu.memory_space<vmem>>, vector<1x16xi32>,
      %get3A_528 = vector.shape_cast %get3A_527 : vector<1x16xi32> to vector<16xi32>
      %swap3A_529 = arith.constant 0 : index
      %swap3A_530 = tpu.vector_load %arg7[%swap3A_529] {strides = array<i32>} : memref<256xi32, #tpu.memory_space<vmem>>, vector<16xi32>,
      %swap3A_531 = vector.shape_cast %swap3A_530 : vector<16xi32> to vector<16xi32>
      %swap3A_532 = vector.shape_cast %get3A_528 : vector<16xi32> to vector<16xi32>
      tpu.vector_store %arg7[%swap3A_529], %swap3A_532 {strides = array<i32>} : memref<256xi32, #tpu.memory_space<vmem>>, vector<16xi32>,
      %add3A_533 = arith.constant 0 : i32
      %add3A_534 = arith.addi %add3A_522, %add3A_533 : i32
      %get3A_535 = arith.index_cast %add3A_534 : i32 to index
      %get3A_536 = arith.constant 16 : index
      %get3A_537 = tpu.vector_load %arg6[%get3A_535, %get3A_536] {strides = array<i32>} : memref<320x128xi32, #tpu.memory_space<vmem>>, vector<1x16xi32>,
      %get3A_538 = vector.shape_cast %get3A_537 : vector<1x16xi32> to vector<16xi32>
      %swap3A_539 = arith.constant 16 : index
      %swap3A_540 = tpu.vector_load %arg7[%swap3A_539] {strides = array<i32>} : memref<256xi32, #tpu.memory_space<vmem>>, vector<16xi32>,
      %swap3A_541 = vector.shape_cast %swap3A_540 : vector<16xi32> to vector<16xi32>
      %swap3A_542 = vector.shape_cast %get3A_538 : vector<16xi32> to vector<16xi32>
      tpu.vector_store %arg7[%swap3A_539], %swap3A_542 {strides = array<i32>} : memref<256xi32, #tpu.memory_space<vmem>>, vector<16xi32>,
      %add3A_543 = arith.constant 0 : i32
      %add3A_544 = arith.addi %add3A_522, %add3A_543 : i32
      %get3A_545 = arith.index_cast %add3A_544 : i32 to index
      %get3A_546 = arith.constant 32 : index
      %get3A_547 = tpu.vector_load %arg6[%get3A_545, %get3A_546] {strides = array<i32>} : memref<320x128xi32, #tpu.memory_space<vmem>>, vector<1x16xi32>,
      %get3A_548 = vector.shape_cast %get3A_547 : vector<1x16xi32> to vector<16xi32>
      %swap3A_549 = arith.constant 32 : index
      %swap3A_550 = tpu.vector_load %arg7[%swap3A_549] {strides = array<i32>} : memref<256xi32, #tpu.memory_space<vmem>>, vector<16xi32>,
      %swap3A_551 = vector.shape_cast %swap3A_550 : vector<16xi32> to vector<16xi32>
      %swap3A_552 = vector.shape_cast %get3A_548 : vector<16xi32> to vector<16xi32>
      tpu.vector_store %arg7[%swap3A_549], %swap3A_552 {strides = array<i32>} : memref<256xi32, #tpu.memory_space<vmem>>, vector<16xi32>,
      %add3A_553 = arith.constant 0 : i32
      %add3A_554 = arith.addi %add3A_522, %add3A_553 : i32
      %get3A_555 = arith.index_cast %add3A_554 : i32 to index
      %get3A_556 = arith.constant 48 : index
      %get3A_557 = tpu.vector_load %arg6[%get3A_555, %get3A_556] {strides = array<i32>} : memref<320x128xi32, #tpu.memory_space<vmem>>, vector<1x16xi32>,
      %get3A_558 = vector.shape_cast %get3A_557 : vector<1x16xi32> to vector<16xi32>
      %swap3A_559 = arith.constant 48 : index
      %swap3A_560 = tpu.vector_load %arg7[%swap3A_559] {strides = array<i32>} : memref<256xi32, #tpu.memory_space<vmem>>, vector<16xi32>,
      %swap3A_561 = vector.shape_cast %swap3A_560 : vector<16xi32> to vector<16xi32>
      %swap3A_562 = vector.shape_cast %get3A_558 : vector<16xi32> to vector<16xi32>
      tpu.vector_store %arg7[%swap3A_559], %swap3A_562 {strides = array<i32>} : memref<256xi32, #tpu.memory_space<vmem>>, vector<16xi32>,
      %add3A_563 = arith.constant 0 : i32
      %add3A_564 = arith.addi %add3A_522, %add3A_563 : i32
      %get3A_565 = arith.index_cast %add3A_564 : i32 to index
      %get3A_566 = arith.constant 64 : index
      %get3A_567 = tpu.vector_load %arg6[%get3A_565, %get3A_566] {strides = array<i32>} : memref<320x128xi32, #tpu.memory_space<vmem>>, vector<1x16xi32>,
      %get3A_568 = vector.shape_cast %get3A_567 : vector<1x16xi32> to vector<16xi32>
      %swap3A_569 = arith.constant 64 : index
      %swap3A_570 = tpu.vector_load %arg7[%swap3A_569] {strides = array<i32>} : memref<256xi32, #tpu.memory_space<vmem>>, vector<16xi32>,
      %swap3A_571 = vector.shape_cast %swap3A_570 : vector<16xi32> to vector<16xi32>
      %swap3A_572 = vector.shape_cast %get3A_568 : vector<16xi32> to vector<16xi32>
      tpu.vector_store %arg7[%swap3A_569], %swap3A_572 {strides = array<i32>} : memref<256xi32, #tpu.memory_space<vmem>>, vector<16xi32>,
      %add3A_573 = arith.constant 0 : i32
      %add3A_574 = arith.addi %add3A_522, %add3A_573 : i32
      %get3A_575 = arith.index_cast %add3A_574 : i32 to index
      %get3A_576 = arith.constant 80 : index
      %get3A_577 = tpu.vector_load %arg6[%get3A_575, %get3A_576] {strides = array<i32>} : memref<320x128xi32, #tpu.memory_space<vmem>>, vector<1x16xi32>,
      %get3A_578 = vector.shape_cast %get3A_577 : vector<1x16xi32> to vector<16xi32>
      %swap3A_579 = arith.constant 80 : index
      %swap3A_580 = tpu.vector_load %arg7[%swap3A_579] {strides = array<i32>} : memref<256xi32, #tpu.memory_space<vmem>>, vector<16xi32>,
      %swap3A_581 = vector.shape_cast %swap3A_580 : vector<16xi32> to vector<16xi32>
      %swap3A_582 = vector.shape_cast %get3A_578 : vector<16xi32> to vector<16xi32>
      tpu.vector_store %arg7[%swap3A_579], %swap3A_582 {strides = array<i32>} : memref<256xi32, #tpu.memory_space<vmem>>, vector<16xi32>,
      %add3A_583 = arith.constant 0 : i32
      %add3A_584 = arith.addi %add3A_522, %add3A_583 : i32
      %get3A_585 = arith.index_cast %add3A_584 : i32 to index
      %get3A_586 = arith.constant 96 : index
      %get3A_587 = tpu.vector_load %arg6[%get3A_585, %get3A_586] {strides = array<i32>} : memref<320x128xi32, #tpu.memory_space<vmem>>, vector<1x16xi32>,
      %get3A_588 = vector.shape_cast %get3A_587 : vector<1x16xi32> to vector<16xi32>
      %swap3A_589 = arith.constant 96 : index
      %swap3A_590 = tpu.vector_load %arg7[%swap3A_589] {strides = array<i32>} : memref<256xi32, #tpu.memory_space<vmem>>, vector<16xi32>,
      %swap3A_591 = vector.shape_cast %swap3A_590 : vector<16xi32> to vector<16xi32>
      %swap3A_592 = vector.shape_cast %get3A_588 : vector<16xi32> to vector<16xi32>
      tpu.vector_store %arg7[%swap3A_589], %swap3A_592 {strides = array<i32>} : memref<256xi32, #tpu.memory_space<vmem>>, vector<16xi32>,
      %add3A_593 = arith.constant 0 : i32
      %add3A_594 = arith.addi %add3A_522, %add3A_593 : i32
      %get3A_595 = arith.index_cast %add3A_594 : i32 to index
      %get3A_596 = arith.constant 112 : index
      %get3A_597 = tpu.vector_load %arg6[%get3A_595, %get3A_596] {strides = array<i32>} : memref<320x128xi32, #tpu.memory_space<vmem>>, vector<1x16xi32>,
      %get3A_598 = vector.shape_cast %get3A_597 : vector<1x16xi32> to vector<16xi32>
      %swap3A_599 = arith.constant 112 : index
      %swap3A_600 = tpu.vector_load %arg7[%swap3A_599] {strides = array<i32>} : memref<256xi32, #tpu.memory_space<vmem>>, vector<16xi32>,
      %swap3A_601 = vector.shape_cast %swap3A_600 : vector<16xi32> to vector<16xi32>
      %swap3A_602 = vector.shape_cast %get3A_598 : vector<16xi32> to vector<16xi32>
      tpu.vector_store %arg7[%swap3A_599], %swap3A_602 {strides = array<i32>} : memref<256xi32, #tpu.memory_space<vmem>>, vector<16xi32>,
      %add3A_603 = arith.constant 1 : i32
      %add3A_604 = arith.addi %add3A_522, %add3A_603 : i32
      %get3A_605 = arith.index_cast %add3A_604 : i32 to index
      %get3A_606 = arith.constant 0 : index
      %get3A_607 = tpu.vector_load %arg6[%get3A_605, %get3A_606] {strides = array<i32>} : memref<320x128xi32, #tpu.memory_space<vmem>>, vector<1x16xi32>,
      %get3A_608 = vector.shape_cast %get3A_607 : vector<1x16xi32> to vector<16xi32>
      %swap3A_609 = arith.constant 128 : index
      %swap3A_610 = tpu.vector_load %arg7[%swap3A_609] {strides = array<i32>} : memref<256xi32, #tpu.memory_space<vmem>>, vector<16xi32>,
      %swap3A_611 = vector.shape_cast %swap3A_610 : vector<16xi32> to vector<16xi32>
      %swap3A_612 = vector.shape_cast %get3A_608 : vector<16xi32> to vector<16xi32>
      tpu.vector_store %arg7[%swap3A_609], %swap3A_612 {strides = array<i32>} : memref<256xi32, #tpu.memory_space<vmem>>, vector<16xi32>,
      %add3A_613 = arith.constant 1 : i32
      %add3A_614 = arith.addi %add3A_522, %add3A_613 : i32
      %get3A_615 = arith.index_cast %add3A_614 : i32 to index
      %get3A_616 = arith.constant 16 : index
      %get3A_617 = tpu.vector_load %arg6[%get3A_615, %get3A_616] {strides = array<i32>} : memref<320x128xi32, #tpu.memory_space<vmem>>, vector<1x16xi32>,
      %get3A_618 = vector.shape_cast %get3A_617 : vector<1x16xi32> to vector<16xi32>
      %swap3A_619 = arith.constant 144 : index
      %swap3A_620 = tpu.vector_load %arg7[%swap3A_619] {strides = array<i32>} : memref<256xi32, #tpu.memory_space<vmem>>, vector<16xi32>,
      %swap3A_621 = vector.shape_cast %swap3A_620 : vector<16xi32> to vector<16xi32>
      %swap3A_622 = vector.shape_cast %get3A_618 : vector<16xi32> to vector<16xi32>
      tpu.vector_store %arg7[%swap3A_619], %swap3A_622 {strides = array<i32>} : memref<256xi32, #tpu.memory_space<vmem>>, vector<16xi32>,
      %add3A_623 = arith.constant 1 : i32
      %add3A_624 = arith.addi %add3A_522, %add3A_623 : i32
      %get3A_625 = arith.index_cast %add3A_624 : i32 to index
      %get3A_626 = arith.constant 32 : index
      %get3A_627 = tpu.vector_load %arg6[%get3A_625, %get3A_626] {strides = array<i32>} : memref<320x128xi32, #tpu.memory_space<vmem>>, vector<1x16xi32>,
      %get3A_628 = vector.shape_cast %get3A_627 : vector<1x16xi32> to vector<16xi32>
      %swap3A_629 = arith.constant 160 : index
      %swap3A_630 = tpu.vector_load %arg7[%swap3A_629] {strides = array<i32>} : memref<256xi32, #tpu.memory_space<vmem>>, vector<16xi32>,
      %swap3A_631 = vector.shape_cast %swap3A_630 : vector<16xi32> to vector<16xi32>
      %swap3A_632 = vector.shape_cast %get3A_628 : vector<16xi32> to vector<16xi32>
      tpu.vector_store %arg7[%swap3A_629], %swap3A_632 {strides = array<i32>} : memref<256xi32, #tpu.memory_space<vmem>>, vector<16xi32>,
      %add3A_633 = arith.constant 1 : i32
      %add3A_634 = arith.addi %add3A_522, %add3A_633 : i32
      %get3A_635 = arith.index_cast %add3A_634 : i32 to index
      %get3A_636 = arith.constant 48 : index
      %get3A_637 = tpu.vector_load %arg6[%get3A_635, %get3A_636] {strides = array<i32>} : memref<320x128xi32, #tpu.memory_space<vmem>>, vector<1x16xi32>,
      %get3A_638 = vector.shape_cast %get3A_637 : vector<1x16xi32> to vector<16xi32>
      %swap3A_639 = arith.constant 176 : index
      %swap3A_640 = tpu.vector_load %arg7[%swap3A_639] {strides = array<i32>} : memref<256xi32, #tpu.memory_space<vmem>>, vector<16xi32>,
      %swap3A_641 = vector.shape_cast %swap3A_640 : vector<16xi32> to vector<16xi32>
      %swap3A_642 = vector.shape_cast %get3A_638 : vector<16xi32> to vector<16xi32>
      tpu.vector_store %arg7[%swap3A_639], %swap3A_642 {strides = array<i32>} : memref<256xi32, #tpu.memory_space<vmem>>, vector<16xi32>,
      %add3A_643 = arith.constant 1 : i32
      %add3A_644 = arith.addi %add3A_522, %add3A_643 : i32
      %get3A_645 = arith.index_cast %add3A_644 : i32 to index
      %get3A_646 = arith.constant 64 : index
      %get3A_647 = tpu.vector_load %arg6[%get3A_645, %get3A_646] {strides = array<i32>} : memref<320x128xi32, #tpu.memory_space<vmem>>, vector<1x16xi32>,
      %get3A_648 = vector.shape_cast %get3A_647 : vector<1x16xi32> to vector<16xi32>
      %swap3A_649 = arith.constant 192 : index
      %swap3A_650 = tpu.vector_load %arg7[%swap3A_649] {strides = array<i32>} : memref<256xi32, #tpu.memory_space<vmem>>, vector<16xi32>,
      %swap3A_651 = vector.shape_cast %swap3A_650 : vector<16xi32> to vector<16xi32>
      %swap3A_652 = vector.shape_cast %get3A_648 : vector<16xi32> to vector<16xi32>
      tpu.vector_store %arg7[%swap3A_649], %swap3A_652 {strides = array<i32>} : memref<256xi32, #tpu.memory_space<vmem>>, vector<16xi32>,
      %add3A_653 = arith.constant 1 : i32
      %add3A_654 = arith.addi %add3A_522, %add3A_653 : i32
      %get3A_655 = arith.index_cast %add3A_654 : i32 to index
      %get3A_656 = arith.constant 80 : index
      %get3A_657 = tpu.vector_load %arg6[%get3A_655, %get3A_656] {strides = array<i32>} : memref<320x128xi32, #tpu.memory_space<vmem>>, vector<1x16xi32>,
      %get3A_658 = vector.shape_cast %get3A_657 : vector<1x16xi32> to vector<16xi32>
      %swap3A_659 = arith.constant 208 : index
      %swap3A_660 = tpu.vector_load %arg7[%swap3A_659] {strides = array<i32>} : memref<256xi32, #tpu.memory_space<vmem>>, vector<16xi32>,
      %swap3A_661 = vector.shape_cast %swap3A_660 : vector<16xi32> to vector<16xi32>
      %swap3A_662 = vector.shape_cast %get3A_658 : vector<16xi32> to vector<16xi32>
      tpu.vector_store %arg7[%swap3A_659], %swap3A_662 {strides = array<i32>} : memref<256xi32, #tpu.memory_space<vmem>>, vector<16xi32>,
      %add3A_663 = arith.constant 1 : i32
      %add3A_664 = arith.addi %add3A_522, %add3A_663 : i32
      %get3A_665 = arith.index_cast %add3A_664 : i32 to index
      %get3A_666 = arith.constant 96 : index
      %get3A_667 = tpu.vector_load %arg6[%get3A_665, %get3A_666] {strides = array<i32>} : memref<320x128xi32, #tpu.memory_space<vmem>>, vector<1x16xi32>,
      %get3A_668 = vector.shape_cast %get3A_667 : vector<1x16xi32> to vector<16xi32>
      %swap3A_669 = arith.constant 224 : index
      %swap3A_670 = tpu.vector_load %arg7[%swap3A_669] {strides = array<i32>} : memref<256xi32, #tpu.memory_space<vmem>>, vector<16xi32>,
      %swap3A_671 = vector.shape_cast %swap3A_670 : vector<16xi32> to vector<16xi32>
      %swap3A_672 = vector.shape_cast %get3A_668 : vector<16xi32> to vector<16xi32>
      tpu.vector_store %arg7[%swap3A_669], %swap3A_672 {strides = array<i32>} : memref<256xi32, #tpu.memory_space<vmem>>, vector<16xi32>,
      %add3A_673 = arith.constant 1 : i32
      %add3A_674 = arith.addi %add3A_522, %add3A_673 : i32
      %get3A_675 = arith.index_cast %add3A_674 : i32 to index
      %get3A_676 = arith.constant 112 : index
      %get3A_677 = tpu.vector_load %arg6[%get3A_675, %get3A_676] {strides = array<i32>} : memref<320x128xi32, #tpu.memory_space<vmem>>, vector<1x16xi32>,
      %get3A_678 = vector.shape_cast %get3A_677 : vector<1x16xi32> to vector<16xi32>
      %swap3A_679 = arith.constant 240 : index
      %swap3A_680 = tpu.vector_load %arg7[%swap3A_679] {strides = array<i32>} : memref<256xi32, #tpu.memory_space<vmem>>, vector<16xi32>,
      %swap3A_681 = vector.shape_cast %swap3A_680 : vector<16xi32> to vector<16xi32>
      %swap3A_682 = vector.shape_cast %get3A_678 : vector<16xi32> to vector<16xi32>
      tpu.vector_store %arg7[%swap3A_679], %swap3A_682 {strides = array<i32>} : memref<256xi32, #tpu.memory_space<vmem>>, vector<16xi32>,
      %dma_start3A_683 = arith.constant 0 : i32
      %dma_start3A_684 = arith.constant 0 : i32
      %dma_start3A_685 = tpu.memref_slice %arg12[%dma_start3A_683, %dma_start3A_684] : memref<10112x16xf32, #tpu.memory_space<vmem_shared>> -> memref<10112x16xf32, #tpu.memory_space<vmem_shared>>
      tpu.enqueue_indirect_dma source(%arg9 : memref<256x16xf32, #tpu.memory_space<vmem>>) target(%dma_start3A_685 : memref<10112x16xf32, #tpu.memory_space<vmem_shared>>) offsets(%arg7 : memref<256xi32, #tpu.memory_space<vmem>>) semaphore(%arg10 : memref<!tpu.dma_semaphore, #tpu.memory_space<semaphore_mem>>) {add = true}
      %dma_wait3A_686 = arith.constant 0 : i32
      %dma_wait3A_687 = arith.constant 0 : i32
      %dma_wait3A_688 = tpu.memref_slice %arg12[%dma_wait3A_686, %dma_wait3A_687] : memref<10112x16xf32, #tpu.memory_space<vmem_shared>> -> memref<10112x16xf32, #tpu.memory_space<vmem_shared>>
      tpu.wait_indirect_dma semaphore(%arg11 : memref<!tpu.dma_semaphore, #tpu.memory_space<semaphore_mem>>) src(%arg9 : memref<256x16xf32, #tpu.memory_space<vmem>>) dst(%dma_wait3A_688 : memref<10112x16xf32, #tpu.memory_space<vmem_shared>>)
      %add3A_689 = arith.constant 1 : i32
      %add3A_690 = arith.addi %mul3A_514, %add3A_689 : i32
      %mul3A_691 = arith.constant 2 : i32
      %mul3A_692 = arith.muli %mul3A_691, %add3A_690 : i32
      %mul3A_693 = arith.constant 158 : i32
      %mul3A_694 = arith.muli %arg0, %mul3A_693 : i32
      %add3A_695 = arith.addi %mul3A_692, %mul3A_694 : i32
      %add3A_696 = arith.constant 0 : i32
      %add3A_697 = arith.addi %add3A_695, %add3A_696 : i32
      %get3A_698 = arith.index_cast %add3A_697 : i32 to index
      %get3A_699 = arith.constant 0 : index
      %get3A_700 = tpu.vector_load %arg6[%get3A_698, %get3A_699] {strides = array<i32>} : memref<320x128xi32, #tpu.memory_space<vmem>>, vector<1x16xi32>,
      %get3A_701 = vector.shape_cast %get3A_700 : vector<1x16xi32> to vector<16xi32>
      %swap3A_702 = arith.constant 0 : index
      %swap3A_703 = tpu.vector_load %arg8[%swap3A_702] {strides = array<i32>} : memref<256xi32, #tpu.memory_space<vmem>>, vector<16xi32>,
      %swap3A_704 = vector.shape_cast %swap3A_703 : vector<16xi32> to vector<16xi32>
      %swap3A_705 = vector.shape_cast %get3A_701 : vector<16xi32> to vector<16xi32>
      tpu.vector_store %arg8[%swap3A_702], %swap3A_705 {strides = array<i32>} : memref<256xi32, #tpu.memory_space<vmem>>, vector<16xi32>,
      %add3A_706 = arith.constant 0 : i32
      %add3A_707 = arith.addi %add3A_695, %add3A_706 : i32
      %get3A_708 = arith.index_cast %add3A_707 : i32 to index
      %get3A_709 = arith.constant 16 : index
      %get3A_710 = tpu.vector_load %arg6[%get3A_708, %get3A_709] {strides = array<i32>} : memref<320x128xi32, #tpu.memory_space<vmem>>, vector<1x16xi32>,
      %get3A_711 = vector.shape_cast %get3A_710 : vector<1x16xi32> to vector<16xi32>
      %swap3A_712 = arith.constant 16 : index
      %swap3A_713 = tpu.vector_load %arg8[%swap3A_712] {strides = array<i32>} : memref<256xi32, #tpu.memory_space<vmem>>, vector<16xi32>,
      %swap3A_714 = vector.shape_cast %swap3A_713 : vector<16xi32> to vector<16xi32>
      %swap3A_715 = vector.shape_cast %get3A_711 : vector<16xi32> to vector<16xi32>
      tpu.vector_store %arg8[%swap3A_712], %swap3A_715 {strides = array<i32>} : memref<256xi32, #tpu.memory_space<vmem>>, vector<16xi32>,
      %add3A_716 = arith.constant 0 : i32
      %add3A_717 = arith.addi %add3A_695, %add3A_716 : i32
      %get3A_718 = arith.index_cast %add3A_717 : i32 to index
      %get3A_719 = arith.constant 32 : index
      %get3A_720 = tpu.vector_load %arg6[%get3A_718, %get3A_719] {strides = array<i32>} : memref<320x128xi32, #tpu.memory_space<vmem>>, vector<1x16xi32>,
      %get3A_721 = vector.shape_cast %get3A_720 : vector<1x16xi32> to vector<16xi32>
      %swap3A_722 = arith.constant 32 : index
      %swap3A_723 = tpu.vector_load %arg8[%swap3A_722] {strides = array<i32>} : memref<256xi32, #tpu.memory_space<vmem>>, vector<16xi32>,
      %swap3A_724 = vector.shape_cast %swap3A_723 : vector<16xi32> to vector<16xi32>
      %swap3A_725 = vector.shape_cast %get3A_721 : vector<16xi32> to vector<16xi32>
      tpu.vector_store %arg8[%swap3A_722], %swap3A_725 {strides = array<i32>} : memref<256xi32, #tpu.memory_space<vmem>>, vector<16xi32>,
      %add3A_726 = arith.constant 0 : i32
      %add3A_727 = arith.addi %add3A_695, %add3A_726 : i32
      %get3A_728 = arith.index_cast %add3A_727 : i32 to index
      %get3A_729 = arith.constant 48 : index
      %get3A_730 = tpu.vector_load %arg6[%get3A_728, %get3A_729] {strides = array<i32>} : memref<320x128xi32, #tpu.memory_space<vmem>>, vector<1x16xi32>,
      %get3A_731 = vector.shape_cast %get3A_730 : vector<1x16xi32> to vector<16xi32>
      %swap3A_732 = arith.constant 48 : index
      %swap3A_733 = tpu.vector_load %arg8[%swap3A_732] {strides = array<i32>} : memref<256xi32, #tpu.memory_space<vmem>>, vector<16xi32>,
      %swap3A_734 = vector.shape_cast %swap3A_733 : vector<16xi32> to vector<16xi32>
      %swap3A_735 = vector.shape_cast %get3A_731 : vector<16xi32> to vector<16xi32>
      tpu.vector_store %arg8[%swap3A_732], %swap3A_735 {strides = array<i32>} : memref<256xi32, #tpu.memory_space<vmem>>, vector<16xi32>,
      %add3A_736 = arith.constant 0 : i32
      %add3A_737 = arith.addi %add3A_695, %add3A_736 : i32
      %get3A_738 = arith.index_cast %add3A_737 : i32 to index
      %get3A_739 = arith.constant 64 : index
      %get3A_740 = tpu.vector_load %arg6[%get3A_738, %get3A_739] {strides = array<i32>} : memref<320x128xi32, #tpu.memory_space<vmem>>, vector<1x16xi32>,
      %get3A_741 = vector.shape_cast %get3A_740 : vector<1x16xi32> to vector<16xi32>
      %swap3A_742 = arith.constant 64 : index
      %swap3A_743 = tpu.vector_load %arg8[%swap3A_742] {strides = array<i32>} : memref<256xi32, #tpu.memory_space<vmem>>, vector<16xi32>,
      %swap3A_744 = vector.shape_cast %swap3A_743 : vector<16xi32> to vector<16xi32>
      %swap3A_745 = vector.shape_cast %get3A_741 : vector<16xi32> to vector<16xi32>
      tpu.vector_store %arg8[%swap3A_742], %swap3A_745 {strides = array<i32>} : memref<256xi32, #tpu.memory_space<vmem>>, vector<16xi32>,
      %add3A_746 = arith.constant 0 : i32
      %add3A_747 = arith.addi %add3A_695, %add3A_746 : i32
      %get3A_748 = arith.index_cast %add3A_747 : i32 to index
      %get3A_749 = arith.constant 80 : index
      %get3A_750 = tpu.vector_load %arg6[%get3A_748, %get3A_749] {strides = array<i32>} : memref<320x128xi32, #tpu.memory_space<vmem>>, vector<1x16xi32>,
      %get3A_751 = vector.shape_cast %get3A_750 : vector<1x16xi32> to vector<16xi32>
      %swap3A_752 = arith.constant 80 : index
      %swap3A_753 = tpu.vector_load %arg8[%swap3A_752] {strides = array<i32>} : memref<256xi32, #tpu.memory_space<vmem>>, vector<16xi32>,
      %swap3A_754 = vector.shape_cast %swap3A_753 : vector<16xi32> to vector<16xi32>
      %swap3A_755 = vector.shape_cast %get3A_751 : vector<16xi32> to vector<16xi32>
      tpu.vector_store %arg8[%swap3A_752], %swap3A_755 {strides = array<i32>} : memref<256xi32, #tpu.memory_space<vmem>>, vector<16xi32>,
      %add3A_756 = arith.constant 0 : i32
      %add3A_757 = arith.addi %add3A_695, %add3A_756 : i32
      %get3A_758 = arith.index_cast %add3A_757 : i32 to index
      %get3A_759 = arith.constant 96 : index
      %get3A_760 = tpu.vector_load %arg6[%get3A_758, %get3A_759] {strides = array<i32>} : memref<320x128xi32, #tpu.memory_space<vmem>>, vector<1x16xi32>,
      %get3A_761 = vector.shape_cast %get3A_760 : vector<1x16xi32> to vector<16xi32>
      %swap3A_762 = arith.constant 96 : index
      %swap3A_763 = tpu.vector_load %arg8[%swap3A_762] {strides = array<i32>} : memref<256xi32, #tpu.memory_space<vmem>>, vector<16xi32>,
      %swap3A_764 = vector.shape_cast %swap3A_763 : vector<16xi32> to vector<16xi32>
      %swap3A_765 = vector.shape_cast %get3A_761 : vector<16xi32> to vector<16xi32>
      tpu.vector_store %arg8[%swap3A_762], %swap3A_765 {strides = array<i32>} : memref<256xi32, #tpu.memory_space<vmem>>, vector<16xi32>,
      %add3A_766 = arith.constant 0 : i32
      %add3A_767 = arith.addi %add3A_695, %add3A_766 : i32
      %get3A_768 = arith.index_cast %add3A_767 : i32 to index
      %get3A_769 = arith.constant 112 : index
      %get3A_770 = tpu.vector_load %arg6[%get3A_768, %get3A_769] {strides = array<i32>} : memref<320x128xi32, #tpu.memory_space<vmem>>, vector<1x16xi32>,
      %get3A_771 = vector.shape_cast %get3A_770 : vector<1x16xi32> to vector<16xi32>
      %swap3A_772 = arith.constant 112 : index
      %swap3A_773 = tpu.vector_load %arg8[%swap3A_772] {strides = array<i32>} : memref<256xi32, #tpu.memory_space<vmem>>, vector<16xi32>,
      %swap3A_774 = vector.shape_cast %swap3A_773 : vector<16xi32> to vector<16xi32>
      %swap3A_775 = vector.shape_cast %get3A_771 : vector<16xi32> to vector<16xi32>
      tpu.vector_store %arg8[%swap3A_772], %swap3A_775 {strides = array<i32>} : memref<256xi32, #tpu.memory_space<vmem>>, vector<16xi32>,
      %add3A_776 = arith.constant 1 : i32
      %add3A_777 = arith.addi %add3A_695, %add3A_776 : i32
      %get3A_778 = arith.index_cast %add3A_777 : i32 to index
      %get3A_779 = arith.constant 0 : index
      %get3A_780 = tpu.vector_load %arg6[%get3A_778, %get3A_779] {strides = array<i32>} : memref<320x128xi32, #tpu.memory_space<vmem>>, vector<1x16xi32>,
      %get3A_781 = vector.shape_cast %get3A_780 : vector<1x16xi32> to vector<16xi32>
      %swap3A_782 = arith.constant 128 : index
      %swap3A_783 = tpu.vector_load %arg8[%swap3A_782] {strides = array<i32>} : memref<256xi32, #tpu.memory_space<vmem>>, vector<16xi32>,
      %swap3A_784 = vector.shape_cast %swap3A_783 : vector<16xi32> to vector<16xi32>
      %swap3A_785 = vector.shape_cast %get3A_781 : vector<16xi32> to vector<16xi32>
      tpu.vector_store %arg8[%swap3A_782], %swap3A_785 {strides = array<i32>} : memref<256xi32, #tpu.memory_space<vmem>>, vector<16xi32>,
      %add3A_786 = arith.constant 1 : i32
      %add3A_787 = arith.addi %add3A_695, %add3A_786 : i32
      %get3A_788 = arith.index_cast %add3A_787 : i32 to index
      %get3A_789 = arith.constant 16 : index
      %get3A_790 = tpu.vector_load %arg6[%get3A_788, %get3A_789] {strides = array<i32>} : memref<320x128xi32, #tpu.memory_space<vmem>>, vector<1x16xi32>,
      %get3A_791 = vector.shape_cast %get3A_790 : vector<1x16xi32> to vector<16xi32>
      %swap3A_792 = arith.constant 144 : index
      %swap3A_793 = tpu.vector_load %arg8[%swap3A_792] {strides = array<i32>} : memref<256xi32, #tpu.memory_space<vmem>>, vector<16xi32>,
      %swap3A_794 = vector.shape_cast %swap3A_793 : vector<16xi32> to vector<16xi32>
      %swap3A_795 = vector.shape_cast %get3A_791 : vector<16xi32> to vector<16xi32>
      tpu.vector_store %arg8[%swap3A_792], %swap3A_795 {strides = array<i32>} : memref<256xi32, #tpu.memory_space<vmem>>, vector<16xi32>,
      %add3A_796 = arith.constant 1 : i32
      %add3A_797 = arith.addi %add3A_695, %add3A_796 : i32
      %get3A_798 = arith.index_cast %add3A_797 : i32 to index
      %get3A_799 = arith.constant 32 : index
      %get3A_800 = tpu.vector_load %arg6[%get3A_798, %get3A_799] {strides = array<i32>} : memref<320x128xi32, #tpu.memory_space<vmem>>, vector<1x16xi32>,
      %get3A_801 = vector.shape_cast %get3A_800 : vector<1x16xi32> to vector<16xi32>
      %swap3A_802 = arith.constant 160 : index
      %swap3A_803 = tpu.vector_load %arg8[%swap3A_802] {strides = array<i32>} : memref<256xi32, #tpu.memory_space<vmem>>, vector<16xi32>,
      %swap3A_804 = vector.shape_cast %swap3A_803 : vector<16xi32> to vector<16xi32>
      %swap3A_805 = vector.shape_cast %get3A_801 : vector<16xi32> to vector<16xi32>
      tpu.vector_store %arg8[%swap3A_802], %swap3A_805 {strides = array<i32>} : memref<256xi32, #tpu.memory_space<vmem>>, vector<16xi32>,
      %add3A_806 = arith.constant 1 : i32
      %add3A_807 = arith.addi %add3A_695, %add3A_806 : i32
      %get3A_808 = arith.index_cast %add3A_807 : i32 to index
      %get3A_809 = arith.constant 48 : index
      %get3A_810 = tpu.vector_load %arg6[%get3A_808, %get3A_809] {strides = array<i32>} : memref<320x128xi32, #tpu.memory_space<vmem>>, vector<1x16xi32>,
      %get3A_811 = vector.shape_cast %get3A_810 : vector<1x16xi32> to vector<16xi32>
      %swap3A_812 = arith.constant 176 : index
      %swap3A_813 = tpu.vector_load %arg8[%swap3A_812] {strides = array<i32>} : memref<256xi32, #tpu.memory_space<vmem>>, vector<16xi32>,
      %swap3A_814 = vector.shape_cast %swap3A_813 : vector<16xi32> to vector<16xi32>
      %swap3A_815 = vector.shape_cast %get3A_811 : vector<16xi32> to vector<16xi32>
      tpu.vector_store %arg8[%swap3A_812], %swap3A_815 {strides = array<i32>} : memref<256xi32, #tpu.memory_space<vmem>>, vector<16xi32>,
      %add3A_816 = arith.constant 1 : i32
      %add3A_817 = arith.addi %add3A_695, %add3A_816 : i32
      %get3A_818 = arith.index_cast %add3A_817 : i32 to index
      %get3A_819 = arith.constant 64 : index
      %get3A_820 = tpu.vector_load %arg6[%get3A_818, %get3A_819] {strides = array<i32>} : memref<320x128xi32, #tpu.memory_space<vmem>>, vector<1x16xi32>,
      %get3A_821 = vector.shape_cast %get3A_820 : vector<1x16xi32> to vector<16xi32>
      %swap3A_822 = arith.constant 192 : index
      %swap3A_823 = tpu.vector_load %arg8[%swap3A_822] {strides = array<i32>} : memref<256xi32, #tpu.memory_space<vmem>>, vector<16xi32>,
      %swap3A_824 = vector.shape_cast %swap3A_823 : vector<16xi32> to vector<16xi32>
      %swap3A_825 = vector.shape_cast %get3A_821 : vector<16xi32> to vector<16xi32>
      tpu.vector_store %arg8[%swap3A_822], %swap3A_825 {strides = array<i32>} : memref<256xi32, #tpu.memory_space<vmem>>, vector<16xi32>,
      %add3A_826 = arith.constant 1 : i32
      %add3A_827 = arith.addi %add3A_695, %add3A_826 : i32
      %get3A_828 = arith.index_cast %add3A_827 : i32 to index
      %get3A_829 = arith.constant 80 : index
      %get3A_830 = tpu.vector_load %arg6[%get3A_828, %get3A_829] {strides = array<i32>} : memref<320x128xi32, #tpu.memory_space<vmem>>, vector<1x16xi32>,
      %get3A_831 = vector.shape_cast %get3A_830 : vector<1x16xi32> to vector<16xi32>
      %swap3A_832 = arith.constant 208 : index
      %swap3A_833 = tpu.vector_load %arg8[%swap3A_832] {strides = array<i32>} : memref<256xi32, #tpu.memory_space<vmem>>, vector<16xi32>,
      %swap3A_834 = vector.shape_cast %swap3A_833 : vector<16xi32> to vector<16xi32>
      %swap3A_835 = vector.shape_cast %get3A_831 : vector<16xi32> to vector<16xi32>
      tpu.vector_store %arg8[%swap3A_832], %swap3A_835 {strides = array<i32>} : memref<256xi32, #tpu.memory_space<vmem>>, vector<16xi32>,
      %add3A_836 = arith.constant 1 : i32
      %add3A_837 = arith.addi %add3A_695, %add3A_836 : i32
      %get3A_838 = arith.index_cast %add3A_837 : i32 to index
      %get3A_839 = arith.constant 96 : index
      %get3A_840 = tpu.vector_load %arg6[%get3A_838, %get3A_839] {strides = array<i32>} : memref<320x128xi32, #tpu.memory_space<vmem>>, vector<1x16xi32>,
      %get3A_841 = vector.shape_cast %get3A_840 : vector<1x16xi32> to vector<16xi32>
      %swap3A_842 = arith.constant 224 : index
      %swap3A_843 = tpu.vector_load %arg8[%swap3A_842] {strides = array<i32>} : memref<256xi32, #tpu.memory_space<vmem>>, vector<16xi32>,
      %swap3A_844 = vector.shape_cast %swap3A_843 : vector<16xi32> to vector<16xi32>
      %swap3A_845 = vector.shape_cast %get3A_841 : vector<16xi32> to vector<16xi32>
      tpu.vector_store %arg8[%swap3A_842], %swap3A_845 {strides = array<i32>} : memref<256xi32, #tpu.memory_space<vmem>>, vector<16xi32>,
      %add3A_846 = arith.constant 1 : i32
      %add3A_847 = arith.addi %add3A_695, %add3A_846 : i32
      %get3A_848 = arith.index_cast %add3A_847 : i32 to index
      %get3A_849 = arith.constant 112 : index
      %get3A_850 = tpu.vector_load %arg6[%get3A_848, %get3A_849] {strides = array<i32>} : memref<320x128xi32, #tpu.memory_space<vmem>>, vector<1x16xi32>,
      %get3A_851 = vector.shape_cast %get3A_850 : vector<1x16xi32> to vector<16xi32>
      %swap3A_852 = arith.constant 240 : index
      %swap3A_853 = tpu.vector_load %arg8[%swap3A_852] {strides = array<i32>} : memref<256xi32, #tpu.memory_space<vmem>>, vector<16xi32>,
      %swap3A_854 = vector.shape_cast %swap3A_853 : vector<16xi32> to vector<16xi32>
      %swap3A_855 = vector.shape_cast %get3A_851 : vector<16xi32> to vector<16xi32>
      tpu.vector_store %arg8[%swap3A_852], %swap3A_855 {strides = array<i32>} : memref<256xi32, #tpu.memory_space<vmem>>, vector<16xi32>,
      %dma_start3A_856 = arith.constant 0 : i32
      %dma_start3A_857 = arith.constant 0 : i32
      %dma_start3A_858 = tpu.memref_slice %arg12[%dma_start3A_856, %dma_start3A_857] : memref<10112x16xf32, #tpu.memory_space<vmem_shared>> -> memref<10112x16xf32, #tpu.memory_space<vmem_shared>>
      tpu.enqueue_indirect_dma source(%arg9 : memref<256x16xf32, #tpu.memory_space<vmem>>) target(%dma_start3A_858 : memref<10112x16xf32, #tpu.memory_space<vmem_shared>>) offsets(%arg8 : memref<256xi32, #tpu.memory_space<vmem>>) semaphore(%arg11 : memref<!tpu.dma_semaphore, #tpu.memory_space<semaphore_mem>>) {add = true}
    }
    %scan3A_335 = arith.constant 38 : i32
    %dma_wait3A = arith.constant 0 : i32
    %dma_wait3A_336 = arith.constant 0 : i32
    %dma_wait3A_337 = tpu.memref_slice %arg12[%dma_wait3A, %dma_wait3A_336] : memref<10112x16xf32, #tpu.memory_space<vmem_shared>> -> memref<10112x16xf32, #tpu.memory_space<vmem_shared>>
    tpu.wait_indirect_dma semaphore(%arg10 : memref<!tpu.dma_semaphore, #tpu.memory_space<semaphore_mem>>) src(%arg9 : memref<256x16xf32, #tpu.memory_space<vmem>>) dst(%dma_wait3A_337 : memref<10112x16xf32, #tpu.memory_space<vmem_shared>>)
    %mul3A_338 = arith.constant 158 : i32
    %mul3A_339 = arith.muli %arg0, %mul3A_338 : i32
    %add3A_340 = arith.constant 156 : i32
    %add3A_341 = arith.addi %add3A_340, %mul3A_339 : i32
    %add3A_342 = arith.constant 0 : i32
    %add3A_343 = arith.addi %add3A_341, %add3A_342 : i32
    %get3A_344 = arith.index_cast %add3A_343 : i32 to index
    %get3A_345 = arith.constant 0 : index
    %get3A_346 = tpu.vector_load %arg6[%get3A_344, %get3A_345] {strides = array<i32>} : memref<320x128xi32, #tpu.memory_space<vmem>>, vector<1x16xi32>,
    %get3A_347 = vector.shape_cast %get3A_346 : vector<1x16xi32> to vector<16xi32>
    %swap3A_348 = arith.constant 0 : index
    %swap3A_349 = tpu.vector_load %arg7[%swap3A_348] {strides = array<i32>} : memref<256xi32, #tpu.memory_space<vmem>>, vector<16xi32>,
    %swap3A_350 = vector.shape_cast %swap3A_349 : vector<16xi32> to vector<16xi32>
    %swap3A_351 = vector.shape_cast %get3A_347 : vector<16xi32> to vector<16xi32>
    tpu.vector_store %arg7[%swap3A_348], %swap3A_351 {strides = array<i32>} : memref<256xi32, #tpu.memory_space<vmem>>, vector<16xi32>,
    %add3A_352 = arith.constant 0 : i32
    %add3A_353 = arith.addi %add3A_341, %add3A_352 : i32
    %get3A_354 = arith.index_cast %add3A_353 : i32 to index
    %get3A_355 = arith.constant 16 : index
    %get3A_356 = tpu.vector_load %arg6[%get3A_354, %get3A_355] {strides = array<i32>} : memref<320x128xi32, #tpu.memory_space<vmem>>, vector<1x16xi32>,
    %get3A_357 = vector.shape_cast %get3A_356 : vector<1x16xi32> to vector<16xi32>
    %swap3A_358 = arith.constant 16 : index
    %swap3A_359 = tpu.vector_load %arg7[%swap3A_358] {strides = array<i32>} : memref<256xi32, #tpu.memory_space<vmem>>, vector<16xi32>,
    %swap3A_360 = vector.shape_cast %swap3A_359 : vector<16xi32> to vector<16xi32>
    %swap3A_361 = vector.shape_cast %get3A_357 : vector<16xi32> to vector<16xi32>
    tpu.vector_store %arg7[%swap3A_358], %swap3A_361 {strides = array<i32>} : memref<256xi32, #tpu.memory_space<vmem>>, vector<16xi32>,
    %add3A_362 = arith.constant 0 : i32
    %add3A_363 = arith.addi %add3A_341, %add3A_362 : i32
    %get3A_364 = arith.index_cast %add3A_363 : i32 to index
    %get3A_365 = arith.constant 32 : index
    %get3A_366 = tpu.vector_load %arg6[%get3A_364, %get3A_365] {strides = array<i32>} : memref<320x128xi32, #tpu.memory_space<vmem>>, vector<1x16xi32>,
    %get3A_367 = vector.shape_cast %get3A_366 : vector<1x16xi32> to vector<16xi32>
    %swap3A_368 = arith.constant 32 : index
    %swap3A_369 = tpu.vector_load %arg7[%swap3A_368] {strides = array<i32>} : memref<256xi32, #tpu.memory_space<vmem>>, vector<16xi32>,
    %swap3A_370 = vector.shape_cast %swap3A_369 : vector<16xi32> to vector<16xi32>
    %swap3A_371 = vector.shape_cast %get3A_367 : vector<16xi32> to vector<16xi32>
    tpu.vector_store %arg7[%swap3A_368], %swap3A_371 {strides = array<i32>} : memref<256xi32, #tpu.memory_space<vmem>>, vector<16xi32>,
    %add3A_372 = arith.constant 0 : i32
    %add3A_373 = arith.addi %add3A_341, %add3A_372 : i32
    %get3A_374 = arith.index_cast %add3A_373 : i32 to index
    %get3A_375 = arith.constant 48 : index
    %get3A_376 = tpu.vector_load %arg6[%get3A_374, %get3A_375] {strides = array<i32>} : memref<320x128xi32, #tpu.memory_space<vmem>>, vector<1x16xi32>,
    %get3A_377 = vector.shape_cast %get3A_376 : vector<1x16xi32> to vector<16xi32>
    %swap3A_378 = arith.constant 48 : index
    %swap3A_379 = tpu.vector_load %arg7[%swap3A_378] {strides = array<i32>} : memref<256xi32, #tpu.memory_space<vmem>>, vector<16xi32>,
    %swap3A_380 = vector.shape_cast %swap3A_379 : vector<16xi32> to vector<16xi32>
    %swap3A_381 = vector.shape_cast %get3A_377 : vector<16xi32> to vector<16xi32>
    tpu.vector_store %arg7[%swap3A_378], %swap3A_381 {strides = array<i32>} : memref<256xi32, #tpu.memory_space<vmem>>, vector<16xi32>,
    %add3A_382 = arith.constant 0 : i32
    %add3A_383 = arith.addi %add3A_341, %add3A_382 : i32
    %get3A_384 = arith.index_cast %add3A_383 : i32 to index
    %get3A_385 = arith.constant 64 : index
    %get3A_386 = tpu.vector_load %arg6[%get3A_384, %get3A_385] {strides = array<i32>} : memref<320x128xi32, #tpu.memory_space<vmem>>, vector<1x16xi32>,
    %get3A_387 = vector.shape_cast %get3A_386 : vector<1x16xi32> to vector<16xi32>
    %swap3A_388 = arith.constant 64 : index
    %swap3A_389 = tpu.vector_load %arg7[%swap3A_388] {strides = array<i32>} : memref<256xi32, #tpu.memory_space<vmem>>, vector<16xi32>,
    %swap3A_390 = vector.shape_cast %swap3A_389 : vector<16xi32> to vector<16xi32>
    %swap3A_391 = vector.shape_cast %get3A_387 : vector<16xi32> to vector<16xi32>
    tpu.vector_store %arg7[%swap3A_388], %swap3A_391 {strides = array<i32>} : memref<256xi32, #tpu.memory_space<vmem>>, vector<16xi32>,
    %add3A_392 = arith.constant 0 : i32
    %add3A_393 = arith.addi %add3A_341, %add3A_392 : i32
    %get3A_394 = arith.index_cast %add3A_393 : i32 to index
    %get3A_395 = arith.constant 80 : index
    %get3A_396 = tpu.vector_load %arg6[%get3A_394, %get3A_395] {strides = array<i32>} : memref<320x128xi32, #tpu.memory_space<vmem>>, vector<1x16xi32>,
    %get3A_397 = vector.shape_cast %get3A_396 : vector<1x16xi32> to vector<16xi32>
    %swap3A_398 = arith.constant 80 : index
    %swap3A_399 = tpu.vector_load %arg7[%swap3A_398] {strides = array<i32>} : memref<256xi32, #tpu.memory_space<vmem>>, vector<16xi32>,
    %swap3A_400 = vector.shape_cast %swap3A_399 : vector<16xi32> to vector<16xi32>
    %swap3A_401 = vector.shape_cast %get3A_397 : vector<16xi32> to vector<16xi32>
    tpu.vector_store %arg7[%swap3A_398], %swap3A_401 {strides = array<i32>} : memref<256xi32, #tpu.memory_space<vmem>>, vector<16xi32>,
    %add3A_402 = arith.constant 0 : i32
    %add3A_403 = arith.addi %add3A_341, %add3A_402 : i32
    %get3A_404 = arith.index_cast %add3A_403 : i32 to index
    %get3A_405 = arith.constant 96 : index
    %get3A_406 = tpu.vector_load %arg6[%get3A_404, %get3A_405] {strides = array<i32>} : memref<320x128xi32, #tpu.memory_space<vmem>>, vector<1x16xi32>,
    %get3A_407 = vector.shape_cast %get3A_406 : vector<1x16xi32> to vector<16xi32>
    %swap3A_408 = arith.constant 96 : index
    %swap3A_409 = tpu.vector_load %arg7[%swap3A_408] {strides = array<i32>} : memref<256xi32, #tpu.memory_space<vmem>>, vector<16xi32>,
    %swap3A_410 = vector.shape_cast %swap3A_409 : vector<16xi32> to vector<16xi32>
    %swap3A_411 = vector.shape_cast %get3A_407 : vector<16xi32> to vector<16xi32>
    tpu.vector_store %arg7[%swap3A_408], %swap3A_411 {strides = array<i32>} : memref<256xi32, #tpu.memory_space<vmem>>, vector<16xi32>,
    %add3A_412 = arith.constant 0 : i32
    %add3A_413 = arith.addi %add3A_341, %add3A_412 : i32
    %get3A_414 = arith.index_cast %add3A_413 : i32 to index
    %get3A_415 = arith.constant 112 : index
    %get3A_416 = tpu.vector_load %arg6[%get3A_414, %get3A_415] {strides = array<i32>} : memref<320x128xi32, #tpu.memory_space<vmem>>, vector<1x16xi32>,
    %get3A_417 = vector.shape_cast %get3A_416 : vector<1x16xi32> to vector<16xi32>
    %swap3A_418 = arith.constant 112 : index
    %swap3A_419 = tpu.vector_load %arg7[%swap3A_418] {strides = array<i32>} : memref<256xi32, #tpu.memory_space<vmem>>, vector<16xi32>,
    %swap3A_420 = vector.shape_cast %swap3A_419 : vector<16xi32> to vector<16xi32>
    %swap3A_421 = vector.shape_cast %get3A_417 : vector<16xi32> to vector<16xi32>
    tpu.vector_store %arg7[%swap3A_418], %swap3A_421 {strides = array<i32>} : memref<256xi32, #tpu.memory_space<vmem>>, vector<16xi32>,
    %add3A_422 = arith.constant 1 : i32
    %add3A_423 = arith.addi %add3A_341, %add3A_422 : i32
    %get3A_424 = arith.index_cast %add3A_423 : i32 to index
    %get3A_425 = arith.constant 0 : index
    %get3A_426 = tpu.vector_load %arg6[%get3A_424, %get3A_425] {strides = array<i32>} : memref<320x128xi32, #tpu.memory_space<vmem>>, vector<1x16xi32>,
    %get3A_427 = vector.shape_cast %get3A_426 : vector<1x16xi32> to vector<16xi32>
    %swap3A_428 = arith.constant 128 : index
    %swap3A_429 = tpu.vector_load %arg7[%swap3A_428] {strides = array<i32>} : memref<256xi32, #tpu.memory_space<vmem>>, vector<16xi32>,
    %swap3A_430 = vector.shape_cast %swap3A_429 : vector<16xi32> to vector<16xi32>
    %swap3A_431 = vector.shape_cast %get3A_427 : vector<16xi32> to vector<16xi32>
    tpu.vector_store %arg7[%swap3A_428], %swap3A_431 {strides = array<i32>} : memref<256xi32, #tpu.memory_space<vmem>>, vector<16xi32>,
    %add3A_432 = arith.constant 1 : i32
    %add3A_433 = arith.addi %add3A_341, %add3A_432 : i32
    %get3A_434 = arith.index_cast %add3A_433 : i32 to index
    %get3A_435 = arith.constant 16 : index
    %get3A_436 = tpu.vector_load %arg6[%get3A_434, %get3A_435] {strides = array<i32>} : memref<320x128xi32, #tpu.memory_space<vmem>>, vector<1x16xi32>,
    %get3A_437 = vector.shape_cast %get3A_436 : vector<1x16xi32> to vector<16xi32>
    %swap3A_438 = arith.constant 144 : index
    %swap3A_439 = tpu.vector_load %arg7[%swap3A_438] {strides = array<i32>} : memref<256xi32, #tpu.memory_space<vmem>>, vector<16xi32>,
    %swap3A_440 = vector.shape_cast %swap3A_439 : vector<16xi32> to vector<16xi32>
    %swap3A_441 = vector.shape_cast %get3A_437 : vector<16xi32> to vector<16xi32>
    tpu.vector_store %arg7[%swap3A_438], %swap3A_441 {strides = array<i32>} : memref<256xi32, #tpu.memory_space<vmem>>, vector<16xi32>,
    %add3A_442 = arith.constant 1 : i32
    %add3A_443 = arith.addi %add3A_341, %add3A_442 : i32
    %get3A_444 = arith.index_cast %add3A_443 : i32 to index
    %get3A_445 = arith.constant 32 : index
    %get3A_446 = tpu.vector_load %arg6[%get3A_444, %get3A_445] {strides = array<i32>} : memref<320x128xi32, #tpu.memory_space<vmem>>, vector<1x16xi32>,
    %get3A_447 = vector.shape_cast %get3A_446 : vector<1x16xi32> to vector<16xi32>
    %swap3A_448 = arith.constant 160 : index
    %swap3A_449 = tpu.vector_load %arg7[%swap3A_448] {strides = array<i32>} : memref<256xi32, #tpu.memory_space<vmem>>, vector<16xi32>,
    %swap3A_450 = vector.shape_cast %swap3A_449 : vector<16xi32> to vector<16xi32>
    %swap3A_451 = vector.shape_cast %get3A_447 : vector<16xi32> to vector<16xi32>
    tpu.vector_store %arg7[%swap3A_448], %swap3A_451 {strides = array<i32>} : memref<256xi32, #tpu.memory_space<vmem>>, vector<16xi32>,
    %add3A_452 = arith.constant 1 : i32
    %add3A_453 = arith.addi %add3A_341, %add3A_452 : i32
    %get3A_454 = arith.index_cast %add3A_453 : i32 to index
    %get3A_455 = arith.constant 48 : index
    %get3A_456 = tpu.vector_load %arg6[%get3A_454, %get3A_455] {strides = array<i32>} : memref<320x128xi32, #tpu.memory_space<vmem>>, vector<1x16xi32>,
    %get3A_457 = vector.shape_cast %get3A_456 : vector<1x16xi32> to vector<16xi32>
    %swap3A_458 = arith.constant 176 : index
    %swap3A_459 = tpu.vector_load %arg7[%swap3A_458] {strides = array<i32>} : memref<256xi32, #tpu.memory_space<vmem>>, vector<16xi32>,
    %swap3A_460 = vector.shape_cast %swap3A_459 : vector<16xi32> to vector<16xi32>
    %swap3A_461 = vector.shape_cast %get3A_457 : vector<16xi32> to vector<16xi32>
    tpu.vector_store %arg7[%swap3A_458], %swap3A_461 {strides = array<i32>} : memref<256xi32, #tpu.memory_space<vmem>>, vector<16xi32>,
    %add3A_462 = arith.constant 1 : i32
    %add3A_463 = arith.addi %add3A_341, %add3A_462 : i32
    %get3A_464 = arith.index_cast %add3A_463 : i32 to index
    %get3A_465 = arith.constant 64 : index
    %get3A_466 = tpu.vector_load %arg6[%get3A_464, %get3A_465] {strides = array<i32>} : memref<320x128xi32, #tpu.memory_space<vmem>>, vector<1x16xi32>,
    %get3A_467 = vector.shape_cast %get3A_466 : vector<1x16xi32> to vector<16xi32>
    %swap3A_468 = arith.constant 192 : index
    %swap3A_469 = tpu.vector_load %arg7[%swap3A_468] {strides = array<i32>} : memref<256xi32, #tpu.memory_space<vmem>>, vector<16xi32>,
    %swap3A_470 = vector.shape_cast %swap3A_469 : vector<16xi32> to vector<16xi32>
    %swap3A_471 = vector.shape_cast %get3A_467 : vector<16xi32> to vector<16xi32>
    tpu.vector_store %arg7[%swap3A_468], %swap3A_471 {strides = array<i32>} : memref<256xi32, #tpu.memory_space<vmem>>, vector<16xi32>,
    %add3A_472 = arith.constant 1 : i32
    %add3A_473 = arith.addi %add3A_341, %add3A_472 : i32
    %get3A_474 = arith.index_cast %add3A_473 : i32 to index
    %get3A_475 = arith.constant 80 : index
    %get3A_476 = tpu.vector_load %arg6[%get3A_474, %get3A_475] {strides = array<i32>} : memref<320x128xi32, #tpu.memory_space<vmem>>, vector<1x16xi32>,
    %get3A_477 = vector.shape_cast %get3A_476 : vector<1x16xi32> to vector<16xi32>
    %swap3A_478 = arith.constant 208 : index
    %swap3A_479 = tpu.vector_load %arg7[%swap3A_478] {strides = array<i32>} : memref<256xi32, #tpu.memory_space<vmem>>, vector<16xi32>,
    %swap3A_480 = vector.shape_cast %swap3A_479 : vector<16xi32> to vector<16xi32>
    %swap3A_481 = vector.shape_cast %get3A_477 : vector<16xi32> to vector<16xi32>
    tpu.vector_store %arg7[%swap3A_478], %swap3A_481 {strides = array<i32>} : memref<256xi32, #tpu.memory_space<vmem>>, vector<16xi32>,
    %add3A_482 = arith.constant 1 : i32
    %add3A_483 = arith.addi %add3A_341, %add3A_482 : i32
    %get3A_484 = arith.index_cast %add3A_483 : i32 to index
    %get3A_485 = arith.constant 96 : index
    %get3A_486 = tpu.vector_load %arg6[%get3A_484, %get3A_485] {strides = array<i32>} : memref<320x128xi32, #tpu.memory_space<vmem>>, vector<1x16xi32>,
    %get3A_487 = vector.shape_cast %get3A_486 : vector<1x16xi32> to vector<16xi32>
    %swap3A_488 = arith.constant 224 : index
    %swap3A_489 = tpu.vector_load %arg7[%swap3A_488] {strides = array<i32>} : memref<256xi32, #tpu.memory_space<vmem>>, vector<16xi32>,
    %swap3A_490 = vector.shape_cast %swap3A_489 : vector<16xi32> to vector<16xi32>
    %swap3A_491 = vector.shape_cast %get3A_487 : vector<16xi32> to vector<16xi32>
    tpu.vector_store %arg7[%swap3A_488], %swap3A_491 {strides = array<i32>} : memref<256xi32, #tpu.memory_space<vmem>>, vector<16xi32>,
    %add3A_492 = arith.constant 1 : i32
    %add3A_493 = arith.addi %add3A_341, %add3A_492 : i32
    %get3A_494 = arith.index_cast %add3A_493 : i32 to index
    %get3A_495 = arith.constant 112 : index
    %get3A_496 = tpu.vector_load %arg6[%get3A_494, %get3A_495] {strides = array<i32>} : memref<320x128xi32, #tpu.memory_space<vmem>>, vector<1x16xi32>,
    %get3A_497 = vector.shape_cast %get3A_496 : vector<1x16xi32> to vector<16xi32>
    %swap3A_498 = arith.constant 240 : index
    %swap3A_499 = tpu.vector_load %arg7[%swap3A_498] {strides = array<i32>} : memref<256xi32, #tpu.memory_space<vmem>>, vector<16xi32>,
    %swap3A_500 = vector.shape_cast %swap3A_499 : vector<16xi32> to vector<16xi32>
    %swap3A_501 = vector.shape_cast %get3A_497 : vector<16xi32> to vector<16xi32>
    tpu.vector_store %arg7[%swap3A_498], %swap3A_501 {strides = array<i32>} : memref<256xi32, #tpu.memory_space<vmem>>, vector<16xi32>,
    %dma_start3A_502 = arith.constant 0 : i32
    %dma_start3A_503 = arith.constant 0 : i32
    %dma_start3A_504 = tpu.memref_slice %arg12[%dma_start3A_502, %dma_start3A_503] : memref<10112x16xf32, #tpu.memory_space<vmem_shared>> -> memref<10112x16xf32, #tpu.memory_space<vmem_shared>>
    tpu.enqueue_indirect_dma source(%arg9 : memref<256x16xf32, #tpu.memory_space<vmem>>) target(%dma_start3A_504 : memref<10112x16xf32, #tpu.memory_space<vmem_shared>>) offsets(%arg7 : memref<256xi32, #tpu.memory_space<vmem>>) semaphore(%arg10 : memref<!tpu.dma_semaphore, #tpu.memory_space<semaphore_mem>>) {add = true}
    %dma_wait3A_505 = arith.constant 0 : i32
    %dma_wait3A_506 = arith.constant 0 : i32
    %dma_wait3A_507 = tpu.memref_slice %arg12[%dma_wait3A_505, %dma_wait3A_506] : memref<10112x16xf32, #tpu.memory_space<vmem_shared>> -> memref<10112x16xf32, #tpu.memory_space<vmem_shared>>
    tpu.wait_indirect_dma semaphore(%arg10 : memref<!tpu.dma_semaphore, #tpu.memory_space<semaphore_mem>>) src(%arg9 : memref<256x16xf32, #tpu.memory_space<vmem>>) dst(%dma_wait3A_507 : memref<10112x16xf32, #tpu.memory_space<vmem_shared>>)
    %dma_wait3A_508 = arith.constant 0 : i32
    %dma_wait3A_509 = arith.constant 0 : i32
    %dma_wait3A_510 = tpu.memref_slice %arg12[%dma_wait3A_508, %dma_wait3A_509] : memref<10112x16xf32, #tpu.memory_space<vmem_shared>> -> memref<10112x16xf32, #tpu.memory_space<vmem_shared>>
    tpu.wait_indirect_dma semaphore(%arg11 : memref<!tpu.dma_semaphore, #tpu.memory_space<semaphore_mem>>) src(%arg9 : memref<256x16xf32, #tpu.memory_space<vmem>>) dst(%dma_wait3A_510 : memref<10112x16xf32, #tpu.memory_space<vmem_shared>>)
    %barrier3A_511 = arith.constant 0 : index
    tpu.barrier barrier_id(%barrier3A_511)
    "tpu.region"() ({
      %run_scoped3A = tpu.sem_alloc : memref<!tpu.dma_semaphore, #tpu.memory_space<semaphore_mem>>
      %dma_start3A_512 = arith.constant 0 : i32
      %dma_start3A_513 = tpu.memref_slice %arg5[%arg0, %mul3A_0, %dma_start3A_512] : memref<2x10112x16xf32, #tpu.memory_space<hbm>> -> memref<1x632x16xf32, #tpu.memory_space<hbm>>
      %dma_start3A_514 = tpu.memref_squeeze %dma_start3A_513 : memref<1x632x16xf32, #tpu.memory_space<hbm>> -> memref<632x16xf32, #tpu.memory_space<hbm>>
      %dma_start3A_515 = arith.constant 0 : i32
      %dma_start3A_516 = tpu.memref_slice %arg12[%mul3A_0, %dma_start3A_515] : memref<10112x16xf32, #tpu.memory_space<vmem_shared>> -> memref<632x16xf32, #tpu.memory_space<vmem_shared>>
      tpu.enqueue_dma source(%dma_start3A_516 : memref<632x16xf32, #tpu.memory_space<vmem_shared>>) target(%dma_start3A_514 : memref<632x16xf32, #tpu.memory_space<hbm>>) target_semaphore(%run_scoped3A : memref<!tpu.dma_semaphore, #tpu.memory_space<semaphore_mem>>)
      %dma_wait3A_517 = arith.constant 0 : i32
      %dma_wait3A_518 = tpu.memref_slice %arg5[%arg0, %mul3A_0, %dma_wait3A_517] : memref<2x10112x16xf32, #tpu.memory_space<hbm>> -> memref<1x632x16xf32, #tpu.memory_space<hbm>>
      %dma_wait3A_519 = tpu.memref_squeeze %dma_wait3A_518 : memref<1x632x16xf32, #tpu.memory_space<hbm>> -> memref<632x16xf32, #tpu.memory_space<hbm>>
      %dma_wait3A_520 = arith.constant 0 : i32
      %dma_wait3A_521 = tpu.memref_slice %arg12[%mul3A_0, %dma_wait3A_520] : memref<10112x16xf32, #tpu.memory_space<vmem_shared>> -> memref<632x16xf32, #tpu.memory_space<vmem_shared>>
      tpu.wait_dma2 semaphore(%run_scoped3A : memref<!tpu.dma_semaphore, #tpu.memory_space<semaphore_mem>>) src(%dma_wait3A_521 : memref<632x16xf32, #tpu.memory_space<vmem_shared>>) dst(%dma_wait3A_519 : memref<632x16xf32, #tpu.memory_space<hbm>>)
      tpu.yield
    }) : () -> ()
    return
  }
}

module attributes {stable_mosaic.version = 14 : i64} {
  func.func @_tc1_body(%arg0: memref<10000x128xf32, #tpu.memory_space<vmem>>, %arg1: memref<128x64xf32, #tpu.memory_space<vmem>>, %arg2: memref<2x10112x16xf32, #tpu.memory_space<vmem>>, %arg3: memref<2x10112x32xf32, #tpu.memory_space<vmem>>, %arg4: memref<10112x1xf32, #tpu.memory_space<vmem>>) attributes {dimension_semantics = [], scalar_prefetch = 0 : i64, scratch_operands = 0 : i64, tpu.core_type = #tpu.core_type<tc>} {
    %get3A = arith.constant 0 : index
    %get3A_0 = arith.constant 0 : index
    %get3A_1 = arith.constant 0 : index
    %get3A_2 = vector.load %arg2[%get3A, %get3A_0, %get3A_1] : memref<2x10112x16xf32, #tpu.memory_space<vmem>>, vector<1x10112x1xf32>
    %get3A_3 = vector.shape_cast %get3A_2 : vector<1x10112x1xf32> to vector<10112x1xf32>
    %get3A_4 = arith.constant 1 : index
    %get3A_5 = arith.constant 0 : index
    %get3A_6 = arith.constant 0 : index
    %get3A_7 = vector.load %arg2[%get3A_4, %get3A_5, %get3A_6] : memref<2x10112x16xf32, #tpu.memory_space<vmem>>, vector<1x10112x1xf32>
    %get3A_8 = vector.shape_cast %get3A_7 : vector<1x10112x1xf32> to vector<10112x1xf32>
    %add3A = arith.addf %get3A_3, %get3A_8 : vector<10112x1xf32>
    %add3A_9 = arith.constant 1.000000e+00 : f32
    %add3A_10 = vector.broadcast %add3A_9 : f32 to vector<10112x1xf32>
    %add3A_11 = arith.addf %add3A, %add3A_10 : vector<10112x1xf32>
    %jit3A = arith.constant 1.000000e+00 : f32
    %max3A = vector.broadcast %jit3A : f32 to vector<10112x1xf32>
    %max3A_12 = arith.maximumf %max3A, %add3A_11 : vector<10112x1xf32>
    %rsqrt3A = math.rsqrt %max3A_12 : vector<10112x1xf32>
    %swap3A = arith.constant 0 : index
    %swap3A_13 = arith.constant 0 : index
    %swap3A_14 = vector.load %arg4[%swap3A, %swap3A_13] : memref<10112x1xf32, #tpu.memory_space<vmem>>, vector<10112x1xf32>
    tpu.vector_store %arg4[%swap3A, %swap3A_13], %rsqrt3A {strides = array<i32>} : memref<10112x1xf32, #tpu.memory_space<vmem>>, vector<10112x1xf32>,
    %get3A_15 = arith.constant 0 : index
    %get3A_16 = arith.constant 0 : index
    %get3A_17 = vector.load %arg0[%get3A_15, %get3A_16] : memref<10000x128xf32, #tpu.memory_space<vmem>>, vector<10000x128xf32>
    %get3A_18 = arith.constant 0 : index
    %get3A_19 = arith.constant 0 : index
    %get3A_20 = vector.load %arg1[%get3A_18, %get3A_19] : memref<128x64xf32, #tpu.memory_space<vmem>>, vector<128x64xf32>
    %dot_general3A = arith.constant dense<0.000000e+00> : vector<10000x64xf32>
    %dot_general3A_21 = tpu.matmul %get3A_17, %get3A_20, %dot_general3A {dimension_numbers = #tpu.dot_dimension_numbers<[1], [0], [0], [1], [0, 0, 1, 1], [], []>, transpose_lhs_hint = false} : vector<10000x128xf32>, vector<128x64xf32>, vector<10000x64xf32> -> vector<10000x64xf32>
    %slice3A = vector.extract_strided_slice %rsqrt3A {offsets = [0, 0], sizes = [10000, 1], strides = [1, 1]} : vector<10112x1xf32> to vector<10000x1xf32>
    %mul3A = vector.broadcast %slice3A : vector<10000x1xf32> to vector<10000x64xf32>
    %mul3A_22 = arith.mulf %mul3A, %dot_general3A_21 : vector<10000x64xf32>
    %slice3A_23 = vector.extract_strided_slice %mul3A_22 {offsets = [0, 0], sizes = [10000, 32], strides = [1, 1]} : vector<10000x64xf32> to vector<10000x32xf32>
    %swap3A_24 = arith.constant 0 : index
    %swap3A_25 = arith.constant 0 : index
    %swap3A_26 = arith.constant 0 : index
    %swap3A_27 = vector.load %arg3[%swap3A_24, %swap3A_25, %swap3A_26] : memref<2x10112x32xf32, #tpu.memory_space<vmem>>, vector<1x10000x32xf32>
    %swap3A_28 = vector.shape_cast %swap3A_27 : vector<1x10000x32xf32> to vector<10000x32xf32>
    %swap3A_29 = vector.shape_cast %slice3A_23 : vector<10000x32xf32> to vector<1x10000x32xf32>
    tpu.vector_store %arg3[%swap3A_24, %swap3A_25, %swap3A_26], %swap3A_29 {strides = array<i32>} : memref<2x10112x32xf32, #tpu.memory_space<vmem>>, vector<1x10000x32xf32>,
    %slice3A_30 = vector.extract_strided_slice %mul3A_22 {offsets = [0, 32], sizes = [10000, 32], strides = [1, 1]} : vector<10000x64xf32> to vector<10000x32xf32>
    %swap3A_31 = arith.constant 1 : index
    %swap3A_32 = arith.constant 0 : index
    %swap3A_33 = arith.constant 0 : index
    %swap3A_34 = vector.load %arg3[%swap3A_31, %swap3A_32, %swap3A_33] : memref<2x10112x32xf32, #tpu.memory_space<vmem>>, vector<1x10000x32xf32>
    %swap3A_35 = vector.shape_cast %swap3A_34 : vector<1x10000x32xf32> to vector<10000x32xf32>
    %swap3A_36 = vector.shape_cast %slice3A_30 : vector<10000x32xf32> to vector<1x10000x32xf32>
    tpu.vector_store %arg3[%swap3A_31, %swap3A_32, %swap3A_33], %swap3A_36 {strides = array<i32>} : memref<2x10112x32xf32, #tpu.memory_space<vmem>>, vector<1x10000x32xf32>,
    %get3A_37 = arith.constant 5 : index
    %get3A_38 = arith.constant 0 : index
    %get3A_39 = vector.load %arg1[%get3A_37, %get3A_38] : memref<128x64xf32, #tpu.memory_space<vmem>>, vector<1x64xf32>
    %convert_element_type3A = arith.truncf %get3A_39 : vector<1x64xf32> to vector<1x64xbf16>
    %convert_element_type3A_40 = arith.extf %convert_element_type3A : vector<1x64xbf16> to vector<1x64xf32>
    %get3A_41 = arith.constant 127 : index
    %get3A_42 = arith.constant 0 : index
    %get3A_43 = vector.load %arg1[%get3A_41, %get3A_42] : memref<128x64xf32, #tpu.memory_space<vmem>>, vector<1x64xf32>
    %convert_element_type3A_44 = arith.truncf %get3A_43 : vector<1x64xf32> to vector<1x64xbf16>
    %convert_element_type3A_45 = arith.extf %convert_element_type3A_44 : vector<1x64xbf16> to vector<1x64xf32>
    %slice3A_46 = vector.extract_strided_slice %rsqrt3A {offsets = [10000, 0], sizes = [1, 1], strides = [1, 1]} : vector<10112x1xf32> to vector<1x1xf32>
    %add3A_47 = arith.addf %convert_element_type3A_40, %convert_element_type3A_45 : vector<1x64xf32>
    %mul3A_48 = vector.broadcast %slice3A_46 : vector<1x1xf32> to vector<1x64xf32>
    %mul3A_49 = arith.mulf %mul3A_48, %add3A_47 : vector<1x64xf32>
    %iota3A = tpu.iota {dimensions = array<i32: 0>} : vector<112x1xi32>
    %eq3A = arith.constant 0 : i32
    %eq3A_50 = vector.broadcast %eq3A : i32 to vector<112x1xi32>
    %eq3A_51 = arith.cmpi eq, %iota3A, %eq3A_50 : vector<112x1xi32>
    %convert_element_type3A_52 = arith.extui %eq3A_51 : vector<112x1xi1> to vector<112x1xi32>
    %convert_element_type3A_53 = arith.sitofp %convert_element_type3A_52 : vector<112x1xi32> to vector<112x1xf32>
    %slice3A_54 = vector.extract_strided_slice %mul3A_49 {offsets = [0, 0], sizes = [1, 32], strides = [1, 1]} : vector<1x64xf32> to vector<1x32xf32>
    %mul3A_55 = vector.broadcast %convert_element_type3A_53 : vector<112x1xf32> to vector<112x32xf32>
    %mul3A_56 = vector.broadcast %slice3A_54 : vector<1x32xf32> to vector<112x32xf32>
    %mul3A_57 = arith.mulf %mul3A_55, %mul3A_56 : vector<112x32xf32>
    %swap3A_58 = arith.constant 0 : index
    %swap3A_59 = arith.constant 10000 : index
    %swap3A_60 = arith.constant 0 : index
    %swap3A_61 = vector.load %arg3[%swap3A_58, %swap3A_59, %swap3A_60] : memref<2x10112x32xf32, #tpu.memory_space<vmem>>, vector<1x112x32xf32>
    %swap3A_62 = vector.shape_cast %swap3A_61 : vector<1x112x32xf32> to vector<112x32xf32>
    %swap3A_63 = vector.shape_cast %mul3A_57 : vector<112x32xf32> to vector<1x112x32xf32>
    tpu.vector_store %arg3[%swap3A_58, %swap3A_59, %swap3A_60], %swap3A_63 {strides = array<i32>} : memref<2x10112x32xf32, #tpu.memory_space<vmem>>, vector<1x112x32xf32>,
    %slice3A_64 = vector.extract_strided_slice %mul3A_49 {offsets = [0, 32], sizes = [1, 32], strides = [1, 1]} : vector<1x64xf32> to vector<1x32xf32>
    %mul3A_65 = vector.broadcast %convert_element_type3A_53 : vector<112x1xf32> to vector<112x32xf32>
    %mul3A_66 = vector.broadcast %slice3A_64 : vector<1x32xf32> to vector<112x32xf32>
    %mul3A_67 = arith.mulf %mul3A_65, %mul3A_66 : vector<112x32xf32>
    %swap3A_68 = arith.constant 1 : index
    %swap3A_69 = arith.constant 10000 : index
    %swap3A_70 = arith.constant 0 : index
    %swap3A_71 = vector.load %arg3[%swap3A_68, %swap3A_69, %swap3A_70] : memref<2x10112x32xf32, #tpu.memory_space<vmem>>, vector<1x112x32xf32>
    %swap3A_72 = vector.shape_cast %swap3A_71 : vector<1x112x32xf32> to vector<112x32xf32>
    %swap3A_73 = vector.shape_cast %mul3A_67 : vector<112x32xf32> to vector<1x112x32xf32>
    tpu.vector_store %arg3[%swap3A_68, %swap3A_69, %swap3A_70], %swap3A_73 {strides = array<i32>} : memref<2x10112x32xf32, #tpu.memory_space<vmem>>, vector<1x112x32xf32>,
    return
  }
}

module attributes {stable_mosaic.version = 14 : i64} {
  func.func @_tc2_body(%arg0: i32, %arg1: memref<2x1264x32xf32, #tpu.memory_space<vmem>>, %arg2: memref<2x1264x32xf32, #tpu.memory_space<vmem>>, %arg3: memref<1264x1xf32, #tpu.memory_space<vmem>>, %arg4: memref<1x64xf32, #tpu.memory_space<vmem>>, %arg5: memref<64x64xf32, #tpu.memory_space<vmem>>, %arg6: memref<2x1264x32xf32, #tpu.memory_space<vmem>>) attributes {dimension_semantics = [#tpu.dimension_semantics<arbitrary>], iteration_bounds = array<i64: 8>, scalar_prefetch = 0 : i64, scratch_operands = 0 : i64, tpu.core_type = #tpu.core_type<tc>, window_params = [{transform_indices = @transform_0, window_bounds = array<i64: 2, 1264, 32>}, {transform_indices = @transform_1, window_bounds = array<i64: 2, 1264, 32>}, {transform_indices = @transform_2, window_bounds = array<i64: 1264, 1>}, {pipeline_mode = #tpu.pipeline_mode<synchronous>, transform_indices = @transform_3, window_bounds = array<i64: 1, 64>}, {pipeline_mode = #tpu.pipeline_mode<synchronous>, transform_indices = @transform_4, window_bounds = array<i64: 64, 64>}, {transform_indices = @transform_5, window_bounds = array<i64: 2, 1264, 32>}]} {
    %get3A = arith.constant 0 : index
    %get3A_0 = arith.constant 0 : index
    %get3A_1 = vector.load %arg3[%get3A, %get3A_0] : memref<1264x1xf32, #tpu.memory_space<vmem>>, vector<1264x1xf32>
    %mul3A = arith.constant 1264 : i32
    %mul3A_2 = arith.muli %arg0, %mul3A : i32
    %iota3A = tpu.iota {dimensions = array<i32: 0>} : vector<1264x1xi32>
    %add3A = vector.broadcast %mul3A_2 : i32 to vector<1264x1xi32>
    %add3A_3 = arith.addi %add3A, %iota3A : vector<1264x1xi32>
    %le3A = arith.constant 10000 : i32
    %le3A_4 = vector.broadcast %le3A : i32 to vector<1264x1xi32>
    %le3A_5 = arith.cmpi sle, %add3A_3, %le3A_4 : vector<1264x1xi32>
    %convert_element_type3A = arith.extui %le3A_5 : vector<1264x1xi1> to vector<1264x1xi32>
    %convert_element_type3A_6 = arith.sitofp %convert_element_type3A : vector<1264x1xi32> to vector<1264x1xf32>
    %get3A_7 = arith.constant 0 : index
    %get3A_8 = arith.constant 0 : index
    %get3A_9 = arith.constant 0 : index
    %get3A_10 = vector.load %arg1[%get3A_7, %get3A_8, %get3A_9] : memref<2x1264x32xf32, #tpu.memory_space<vmem>>, vector<1x1264x32xf32>
    %get3A_11 = vector.shape_cast %get3A_10 : vector<1x1264x32xf32> to vector<1264x32xf32>
    %get3A_12 = arith.constant 0 : index
    %get3A_13 = arith.constant 0 : index
    %get3A_14 = arith.constant 0 : index
    %get3A_15 = vector.load %arg2[%get3A_12, %get3A_13, %get3A_14] : memref<2x1264x32xf32, #tpu.memory_space<vmem>>, vector<1x1264x32xf32>
    %get3A_16 = vector.shape_cast %get3A_15 : vector<1x1264x32xf32> to vector<1264x32xf32>
    %add3A_17 = arith.addf %get3A_11, %get3A_16 : vector<1264x32xf32>
    %mul3A_18 = vector.broadcast %get3A_1 : vector<1264x1xf32> to vector<1264x32xf32>
    %mul3A_19 = arith.mulf %mul3A_18, %add3A_17 : vector<1264x32xf32>
    %get3A_20 = arith.constant 0 : index
    %get3A_21 = arith.constant 0 : index
    %get3A_22 = vector.load %arg4[%get3A_20, %get3A_21] : memref<1x64xf32, #tpu.memory_space<vmem>>, vector<1x32xf32>
    %add3A_23 = vector.broadcast %get3A_22 : vector<1x32xf32> to vector<1264x32xf32>
    %add3A_24 = arith.addf %mul3A_19, %add3A_23 : vector<1264x32xf32>
    %max3A = arith.constant 0.000000e+00 : f32
    %max3A_25 = vector.broadcast %max3A : f32 to vector<1264x32xf32>
    %max3A_26 = arith.maximumf %add3A_24, %max3A_25 : vector<1264x32xf32>
    %mul3A_27 = vector.broadcast %convert_element_type3A_6 : vector<1264x1xf32> to vector<1264x32xf32>
    %mul3A_28 = arith.mulf %max3A_26, %mul3A_27 : vector<1264x32xf32>
    %get3A_29 = arith.constant 1 : index
    %get3A_30 = arith.constant 0 : index
    %get3A_31 = arith.constant 0 : index
    %get3A_32 = vector.load %arg1[%get3A_29, %get3A_30, %get3A_31] : memref<2x1264x32xf32, #tpu.memory_space<vmem>>, vector<1x1264x32xf32>
    %get3A_33 = vector.shape_cast %get3A_32 : vector<1x1264x32xf32> to vector<1264x32xf32>
    %get3A_34 = arith.constant 1 : index
    %get3A_35 = arith.constant 0 : index
    %get3A_36 = arith.constant 0 : index
    %get3A_37 = vector.load %arg2[%get3A_34, %get3A_35, %get3A_36] : memref<2x1264x32xf32, #tpu.memory_space<vmem>>, vector<1x1264x32xf32>
    %get3A_38 = vector.shape_cast %get3A_37 : vector<1x1264x32xf32> to vector<1264x32xf32>
    %add3A_39 = arith.addf %get3A_33, %get3A_38 : vector<1264x32xf32>
    %mul3A_40 = vector.broadcast %get3A_1 : vector<1264x1xf32> to vector<1264x32xf32>
    %mul3A_41 = arith.mulf %mul3A_40, %add3A_39 : vector<1264x32xf32>
    %get3A_42 = arith.constant 0 : index
    %get3A_43 = arith.constant 32 : index
    %get3A_44 = vector.load %arg4[%get3A_42, %get3A_43] : memref<1x64xf32, #tpu.memory_space<vmem>>, vector<1x32xf32>
    %add3A_45 = vector.broadcast %get3A_44 : vector<1x32xf32> to vector<1264x32xf32>
    %add3A_46 = arith.addf %mul3A_41, %add3A_45 : vector<1264x32xf32>
    %max3A_47 = arith.constant 0.000000e+00 : f32
    %max3A_48 = vector.broadcast %max3A_47 : f32 to vector<1264x32xf32>
    %max3A_49 = arith.maximumf %add3A_46, %max3A_48 : vector<1264x32xf32>
    %mul3A_50 = vector.broadcast %convert_element_type3A_6 : vector<1264x1xf32> to vector<1264x32xf32>
    %mul3A_51 = arith.mulf %max3A_49, %mul3A_50 : vector<1264x32xf32>
    %get3A_52 = arith.constant 0 : index
    %get3A_53 = arith.constant 0 : index
    %get3A_54 = vector.load %arg5[%get3A_52, %get3A_53] : memref<64x64xf32, #tpu.memory_space<vmem>>, vector<32x64xf32>
    %dot_general3A = arith.constant dense<0.000000e+00> : vector<1264x64xf32>
    %dot_general3A_55 = tpu.matmul %mul3A_28, %get3A_54, %dot_general3A {dimension_numbers = #tpu.dot_dimension_numbers<[1], [0], [0], [1], [0, 0, 1, 1], [], []>, transpose_lhs_hint = false} : vector<1264x32xf32>, vector<32x64xf32>, vector<1264x64xf32> -> vector<1264x64xf32>
    %get3A_56 = arith.constant 32 : index
    %get3A_57 = arith.constant 0 : index
    %get3A_58 = vector.load %arg5[%get3A_56, %get3A_57] : memref<64x64xf32, #tpu.memory_space<vmem>>, vector<32x64xf32>
    %dot_general3A_59 = arith.constant dense<0.000000e+00> : vector<1264x64xf32>
    %dot_general3A_60 = tpu.matmul %mul3A_51, %get3A_58, %dot_general3A_59 {dimension_numbers = #tpu.dot_dimension_numbers<[1], [0], [0], [1], [0, 0, 1, 1], [], []>, transpose_lhs_hint = false} : vector<1264x32xf32>, vector<32x64xf32>, vector<1264x64xf32> -> vector<1264x64xf32>
    %add3A_61 = arith.addf %dot_general3A_55, %dot_general3A_60 : vector<1264x64xf32>
    %mul3A_62 = vector.broadcast %get3A_1 : vector<1264x1xf32> to vector<1264x64xf32>
    %mul3A_63 = arith.mulf %mul3A_62, %add3A_61 : vector<1264x64xf32>
    %slice3A = vector.extract_strided_slice %mul3A_63 {offsets = [0, 0], sizes = [1264, 32], strides = [1, 1]} : vector<1264x64xf32> to vector<1264x32xf32>
    %swap3A = arith.constant 0 : index
    %swap3A_64 = arith.constant 0 : index
    %swap3A_65 = arith.constant 0 : index
    %swap3A_66 = vector.load %arg6[%swap3A, %swap3A_64, %swap3A_65] : memref<2x1264x32xf32, #tpu.memory_space<vmem>>, vector<1x1264x32xf32>
    %swap3A_67 = vector.shape_cast %swap3A_66 : vector<1x1264x32xf32> to vector<1264x32xf32>
    %swap3A_68 = vector.shape_cast %slice3A : vector<1264x32xf32> to vector<1x1264x32xf32>
    tpu.vector_store %arg6[%swap3A, %swap3A_64, %swap3A_65], %swap3A_68 {strides = array<i32>} : memref<2x1264x32xf32, #tpu.memory_space<vmem>>, vector<1x1264x32xf32>,
    %slice3A_69 = vector.extract_strided_slice %mul3A_63 {offsets = [0, 32], sizes = [1264, 32], strides = [1, 1]} : vector<1264x64xf32> to vector<1264x32xf32>
    %swap3A_70 = arith.constant 1 : index
    %swap3A_71 = arith.constant 0 : index
    %swap3A_72 = arith.constant 0 : index
    %swap3A_73 = vector.load %arg6[%swap3A_70, %swap3A_71, %swap3A_72] : memref<2x1264x32xf32, #tpu.memory_space<vmem>>, vector<1x1264x32xf32>
    %swap3A_74 = vector.shape_cast %swap3A_73 : vector<1x1264x32xf32> to vector<1264x32xf32>
    %swap3A_75 = vector.shape_cast %slice3A_69 : vector<1264x32xf32> to vector<1x1264x32xf32>
    tpu.vector_store %arg6[%swap3A_70, %swap3A_71, %swap3A_72], %swap3A_75 {strides = array<i32>} : memref<2x1264x32xf32, #tpu.memory_space<vmem>>, vector<1x1264x32xf32>,
    return
  }
  func.func @transform_0(%arg0: i32) -> (i32, i32, i32) {
    %c0_i32 = arith.constant 0 : i32
    %c0_i32_0 = arith.constant 0 : i32
    %c0_i32_1 = arith.constant 0 : i32
    return %c0_i32, %arg0, %c0_i32_0 : i32, i32, i32
  }
  func.func @transform_1(%arg0: i32) -> (i32, i32, i32) {
    %c0_i32 = arith.constant 0 : i32
    %c0_i32_0 = arith.constant 0 : i32
    %c0_i32_1 = arith.constant 0 : i32
    return %c0_i32, %arg0, %c0_i32_0 : i32, i32, i32
  }
  func.func @transform_2(%arg0: i32) -> (i32, i32) {
    %c0_i32 = arith.constant 0 : i32
    %c0_i32_0 = arith.constant 0 : i32
    return %arg0, %c0_i32 : i32, i32
  }
  func.func @transform_3(%arg0: i32) -> (i32, i32) {
    %c0_i32 = arith.constant 0 : i32
    %c0_i32_0 = arith.constant 0 : i32
    %c0_i32_1 = arith.constant 0 : i32
    return %c0_i32, %c0_i32_0 : i32, i32
  }
  func.func @transform_4(%arg0: i32) -> (i32, i32) {
    %c0_i32 = arith.constant 0 : i32
    %c0_i32_0 = arith.constant 0 : i32
    %c0_i32_1 = arith.constant 0 : i32
    return %c0_i32, %c0_i32_0 : i32, i32
  }
  func.func @transform_5(%arg0: i32) -> (i32, i32, i32) {
    %c0_i32 = arith.constant 0 : i32
    %c0_i32_0 = arith.constant 0 : i32
    %c0_i32_1 = arith.constant 0 : i32
    return %c0_i32, %arg0, %c0_i32_0 : i32, i32, i32
  }
}

module attributes {stable_mosaic.version = 14 : i64} {
  func.func @_tc3_body(%arg0: i32, %arg1: memref<2x1264x32xf32, #tpu.memory_space<vmem>>, %arg2: memref<2x1264x32xf32, #tpu.memory_space<vmem>>, %arg3: memref<1264x1xf32, #tpu.memory_space<vmem>>, %arg4: memref<1x64xf32, #tpu.memory_space<vmem>>, %arg5: memref<1264x64xf32, #tpu.memory_space<vmem>>) attributes {dimension_semantics = [#tpu.dimension_semantics<arbitrary>], iteration_bounds = array<i64: 8>, scalar_prefetch = 0 : i64, scratch_operands = 0 : i64, tpu.core_type = #tpu.core_type<tc>, window_params = [{transform_indices = @transform_0, window_bounds = array<i64: 2, 1264, 32>}, {transform_indices = @transform_1, window_bounds = array<i64: 2, 1264, 32>}, {transform_indices = @transform_2, window_bounds = array<i64: 1264, 1>}, {pipeline_mode = #tpu.pipeline_mode<synchronous>, transform_indices = @transform_3, window_bounds = array<i64: 1, 64>}, {transform_indices = @transform_4, window_bounds = array<i64: 1264, 64>}]} {
    %get3A = arith.constant 0 : index
    %get3A_0 = arith.constant 0 : index
    %get3A_1 = vector.load %arg3[%get3A, %get3A_0] : memref<1264x1xf32, #tpu.memory_space<vmem>>, vector<1264x1xf32>
    %mul3A = arith.constant 1264 : i32
    %mul3A_2 = arith.muli %arg0, %mul3A : i32
    %iota3A = tpu.iota {dimensions = array<i32: 0>} : vector<1264x1xi32>
    %add3A = vector.broadcast %mul3A_2 : i32 to vector<1264x1xi32>
    %add3A_3 = arith.addi %add3A, %iota3A : vector<1264x1xi32>
    %le3A = arith.constant 10000 : i32
    %le3A_4 = vector.broadcast %le3A : i32 to vector<1264x1xi32>
    %le3A_5 = arith.cmpi sle, %add3A_3, %le3A_4 : vector<1264x1xi32>
    %convert_element_type3A = arith.extui %le3A_5 : vector<1264x1xi1> to vector<1264x1xi32>
    %convert_element_type3A_6 = arith.sitofp %convert_element_type3A : vector<1264x1xi32> to vector<1264x1xf32>
    %get3A_7 = arith.constant 0 : index
    %get3A_8 = arith.constant 0 : index
    %get3A_9 = arith.constant 0 : index
    %get3A_10 = vector.load %arg1[%get3A_7, %get3A_8, %get3A_9] : memref<2x1264x32xf32, #tpu.memory_space<vmem>>, vector<1x1264x32xf32>
    %get3A_11 = vector.shape_cast %get3A_10 : vector<1x1264x32xf32> to vector<1264x32xf32>
    %get3A_12 = arith.constant 0 : index
    %get3A_13 = arith.constant 0 : index
    %get3A_14 = arith.constant 0 : index
    %get3A_15 = vector.load %arg2[%get3A_12, %get3A_13, %get3A_14] : memref<2x1264x32xf32, #tpu.memory_space<vmem>>, vector<1x1264x32xf32>
    %get3A_16 = vector.shape_cast %get3A_15 : vector<1x1264x32xf32> to vector<1264x32xf32>
    %add3A_17 = arith.addf %get3A_11, %get3A_16 : vector<1264x32xf32>
    %mul3A_18 = vector.broadcast %get3A_1 : vector<1264x1xf32> to vector<1264x32xf32>
    %mul3A_19 = arith.mulf %mul3A_18, %add3A_17 : vector<1264x32xf32>
    %get3A_20 = arith.constant 0 : index
    %get3A_21 = arith.constant 0 : index
    %get3A_22 = vector.load %arg4[%get3A_20, %get3A_21] : memref<1x64xf32, #tpu.memory_space<vmem>>, vector<1x32xf32>
    %add3A_23 = vector.broadcast %get3A_22 : vector<1x32xf32> to vector<1264x32xf32>
    %add3A_24 = arith.addf %mul3A_19, %add3A_23 : vector<1264x32xf32>
    %mul3A_25 = vector.broadcast %convert_element_type3A_6 : vector<1264x1xf32> to vector<1264x32xf32>
    %mul3A_26 = arith.mulf %add3A_24, %mul3A_25 : vector<1264x32xf32>
    %swap3A = arith.constant 0 : index
    %swap3A_27 = arith.constant 0 : index
    %swap3A_28 = vector.load %arg5[%swap3A, %swap3A_27] : memref<1264x64xf32, #tpu.memory_space<vmem>>, vector<1264x32xf32>
    tpu.vector_store %arg5[%swap3A, %swap3A_27], %mul3A_26 {strides = array<i32>} : memref<1264x64xf32, #tpu.memory_space<vmem>>, vector<1264x32xf32>,
    %get3A_29 = arith.constant 1 : index
    %get3A_30 = arith.constant 0 : index
    %get3A_31 = arith.constant 0 : index
    %get3A_32 = vector.load %arg1[%get3A_29, %get3A_30, %get3A_31] : memref<2x1264x32xf32, #tpu.memory_space<vmem>>, vector<1x1264x32xf32>
    %get3A_33 = vector.shape_cast %get3A_32 : vector<1x1264x32xf32> to vector<1264x32xf32>
    %get3A_34 = arith.constant 1 : index
    %get3A_35 = arith.constant 0 : index
    %get3A_36 = arith.constant 0 : index
    %get3A_37 = vector.load %arg2[%get3A_34, %get3A_35, %get3A_36] : memref<2x1264x32xf32, #tpu.memory_space<vmem>>, vector<1x1264x32xf32>
    %get3A_38 = vector.shape_cast %get3A_37 : vector<1x1264x32xf32> to vector<1264x32xf32>
    %add3A_39 = arith.addf %get3A_33, %get3A_38 : vector<1264x32xf32>
    %mul3A_40 = vector.broadcast %get3A_1 : vector<1264x1xf32> to vector<1264x32xf32>
    %mul3A_41 = arith.mulf %mul3A_40, %add3A_39 : vector<1264x32xf32>
    %get3A_42 = arith.constant 0 : index
    %get3A_43 = arith.constant 32 : index
    %get3A_44 = vector.load %arg4[%get3A_42, %get3A_43] : memref<1x64xf32, #tpu.memory_space<vmem>>, vector<1x32xf32>
    %add3A_45 = vector.broadcast %get3A_44 : vector<1x32xf32> to vector<1264x32xf32>
    %add3A_46 = arith.addf %mul3A_41, %add3A_45 : vector<1264x32xf32>
    %mul3A_47 = vector.broadcast %convert_element_type3A_6 : vector<1264x1xf32> to vector<1264x32xf32>
    %mul3A_48 = arith.mulf %add3A_46, %mul3A_47 : vector<1264x32xf32>
    %swap3A_49 = arith.constant 0 : index
    %swap3A_50 = arith.constant 32 : index
    %swap3A_51 = vector.load %arg5[%swap3A_49, %swap3A_50] : memref<1264x64xf32, #tpu.memory_space<vmem>>, vector<1264x32xf32>
    tpu.vector_store %arg5[%swap3A_49, %swap3A_50], %mul3A_48 {strides = array<i32>} : memref<1264x64xf32, #tpu.memory_space<vmem>>, vector<1264x32xf32>,
    return
  }
  func.func @transform_0(%arg0: i32) -> (i32, i32, i32) {
    %c0_i32 = arith.constant 0 : i32
    %c0_i32_0 = arith.constant 0 : i32
    %c0_i32_1 = arith.constant 0 : i32
    return %c0_i32, %arg0, %c0_i32_0 : i32, i32, i32
  }
  func.func @transform_1(%arg0: i32) -> (i32, i32, i32) {
    %c0_i32 = arith.constant 0 : i32
    %c0_i32_0 = arith.constant 0 : i32
    %c0_i32_1 = arith.constant 0 : i32
    return %c0_i32, %arg0, %c0_i32_0 : i32, i32, i32
  }
  func.func @transform_2(%arg0: i32) -> (i32, i32) {
    %c0_i32 = arith.constant 0 : i32
    %c0_i32_0 = arith.constant 0 : i32
    return %arg0, %c0_i32 : i32, i32
  }
  func.func @transform_3(%arg0: i32) -> (i32, i32) {
    %c0_i32 = arith.constant 0 : i32
    %c0_i32_0 = arith.constant 0 : i32
    %c0_i32_1 = arith.constant 0 : i32
    return %c0_i32, %c0_i32_0 : i32, i32
  }
  func.func @transform_4(%arg0: i32) -> (i32, i32) {
    %c0_i32 = arith.constant 0 : i32
    %c0_i32_0 = arith.constant 0 : i32
    return %arg0, %c0_i32 : i32, i32
  }
}

module attributes {stable_mosaic.version = 14 : i64} {
  func.func @_tc4_body(%arg0: memref<10112x64xf32, #tpu.memory_space<vmem>>, %arg1: memref<4096x64xf32, #tpu.memory_space<vmem>>, %arg2: memref<4096x1xf32, #tpu.memory_space<vmem>>, %arg3: memref<4096x1xf32, #tpu.memory_space<vmem>>, %arg4: memref<258x64xf32, #tpu.memory_space<vmem>>, %arg5: memref<1x64xf32, #tpu.memory_space<vmem>>, %arg6: memref<64x64xf32, #tpu.memory_space<vmem>>, %arg7: memref<1x64xf32, #tpu.memory_space<vmem>>, %arg8: memref<64x1xf32, #tpu.memory_space<vmem>>, %arg9: memref<1x1xf32, #tpu.memory_space<vmem>>, %arg10: memref<4096x258xf32, #tpu.memory_space<vmem>>, %arg11: memref<4096x1xf32, #tpu.memory_space<vmem>>, %arg12: memref<4096x1xf32, #tpu.memory_space<vmem>>) attributes {dimension_semantics = [], scalar_prefetch = 0 : i64, scratch_operands = 0 : i64, tpu.core_type = #tpu.core_type<tc>} {
    %get3A = arith.constant 10000 : index
    %get3A_0 = arith.constant 0 : index
    %get3A_1 = vector.load %arg0[%get3A, %get3A_0] : memref<10112x64xf32, #tpu.memory_space<vmem>>, vector<1x64xf32>
    %get3A_2 = arith.constant 0 : index
    %get3A_3 = arith.constant 0 : index
    %get3A_4 = vector.load %arg1[%get3A_2, %get3A_3] : memref<4096x64xf32, #tpu.memory_space<vmem>>, vector<4096x64xf32>
    %broadcast_in_dim3A = vector.shape_cast %get3A_1 : vector<1x64xf32> to vector<1x64xf32>
    %broadcast_in_dim3A_5 = vector.broadcast %broadcast_in_dim3A : vector<1x64xf32> to vector<4096x64xf32>
    %sub3A = arith.subf %broadcast_in_dim3A_5, %get3A_4 : vector<4096x64xf32>
    %abs3A = math.absf %sub3A : vector<4096x64xf32>
    %mul3A = arith.mulf %broadcast_in_dim3A_5, %get3A_4 : vector<4096x64xf32>
    %get3A_6 = arith.constant 0 : index
    %get3A_7 = arith.constant 0 : index
    %get3A_8 = vector.load %arg2[%get3A_6, %get3A_7] : memref<4096x1xf32, #tpu.memory_space<vmem>>, vector<4096x1xf32>
    %mul3A_9 = arith.constant 1.000000e+00 : f32
    %mul3A_10 = vector.broadcast %mul3A_9 : f32 to vector<4096x1xf32>
    %mul3A_11 = arith.mulf %get3A_8, %mul3A_10 : vector<4096x1xf32>
    %get3A_12 = arith.constant 0 : index
    %get3A_13 = arith.constant 0 : index
    %get3A_14 = vector.load %arg3[%get3A_12, %get3A_13] : memref<4096x1xf32, #tpu.memory_space<vmem>>, vector<4096x1xf32>
    %concatenate3A = tpu.concatenate %broadcast_in_dim3A_5, %get3A_4, %abs3A, %mul3A, %mul3A_11, %get3A_14 in 1 : vector<4096x64xf32>, vector<4096x64xf32>, vector<4096x64xf32>, vector<4096x64xf32>, vector<4096x1xf32>, vector<4096x1xf32> -> vector<4096x258xf32>
    %swap3A = arith.constant 0 : index
    %swap3A_15 = arith.constant 0 : index
    %swap3A_16 = vector.load %arg10[%swap3A, %swap3A_15] : memref<4096x258xf32, #tpu.memory_space<vmem>>, vector<4096x258xf32>
    tpu.vector_store %arg10[%swap3A, %swap3A_15], %concatenate3A {strides = array<i32>} : memref<4096x258xf32, #tpu.memory_space<vmem>>, vector<4096x258xf32>,
    %get3A_17 = arith.constant 0 : index
    %get3A_18 = arith.constant 0 : index
    %get3A_19 = vector.load %arg4[%get3A_17, %get3A_18] : memref<258x64xf32, #tpu.memory_space<vmem>>, vector<64x64xf32>
    %get3A_20 = arith.constant 64 : index
    %get3A_21 = arith.constant 0 : index
    %get3A_22 = vector.load %arg4[%get3A_20, %get3A_21] : memref<258x64xf32, #tpu.memory_space<vmem>>, vector<64x64xf32>
    %get3A_23 = arith.constant 128 : index
    %get3A_24 = arith.constant 0 : index
    %get3A_25 = vector.load %arg4[%get3A_23, %get3A_24] : memref<258x64xf32, #tpu.memory_space<vmem>>, vector<64x64xf32>
    %get3A_26 = arith.constant 192 : index
    %get3A_27 = arith.constant 0 : index
    %get3A_28 = vector.load %arg4[%get3A_26, %get3A_27] : memref<258x64xf32, #tpu.memory_space<vmem>>, vector<64x64xf32>
    %get3A_29 = arith.constant 256 : index
    %get3A_30 = arith.constant 0 : index
    %get3A_31 = vector.load %arg4[%get3A_29, %get3A_30] : memref<258x64xf32, #tpu.memory_space<vmem>>, vector<1x64xf32>
    %get3A_32 = arith.constant 257 : index
    %get3A_33 = arith.constant 0 : index
    %get3A_34 = vector.load %arg4[%get3A_32, %get3A_33] : memref<258x64xf32, #tpu.memory_space<vmem>>, vector<1x64xf32>
    %get3A_35 = arith.constant 0 : index
    %get3A_36 = arith.constant 0 : index
    %get3A_37 = vector.load %arg5[%get3A_35, %get3A_36] : memref<1x64xf32, #tpu.memory_space<vmem>>, vector<1x64xf32>
    %dot_general3A = arith.constant dense<0.000000e+00> : vector<1x64xf32>
    %dot_general3A_38 = tpu.matmul %get3A_1, %get3A_19, %dot_general3A {dimension_numbers = #tpu.dot_dimension_numbers<[1], [0], [0], [1], [0, 0, 1, 1], [], []>, transpose_lhs_hint = false} : vector<1x64xf32>, vector<64x64xf32>, vector<1x64xf32> -> vector<1x64xf32>
    %add3A = arith.addf %get3A_37, %dot_general3A_38 : vector<1x64xf32>
    %dot_general3A_39 = arith.constant dense<0.000000e+00> : vector<4096x64xf32>
    %dot_general3A_40 = tpu.matmul %get3A_4, %get3A_22, %dot_general3A_39 {dimension_numbers = #tpu.dot_dimension_numbers<[1], [0], [0], [1], [0, 0, 1, 1], [], []>, transpose_lhs_hint = false} : vector<4096x64xf32>, vector<64x64xf32>, vector<4096x64xf32> -> vector<4096x64xf32>
    %dot_general3A_41 = arith.constant dense<0.000000e+00> : vector<4096x64xf32>
    %dot_general3A_42 = tpu.matmul %abs3A, %get3A_25, %dot_general3A_41 {dimension_numbers = #tpu.dot_dimension_numbers<[1], [0], [0], [1], [0, 0, 1, 1], [], []>, transpose_lhs_hint = false} : vector<4096x64xf32>, vector<64x64xf32>, vector<4096x64xf32> -> vector<4096x64xf32>
    %add3A_43 = arith.addf %dot_general3A_40, %dot_general3A_42 : vector<4096x64xf32>
    %dot_general3A_44 = arith.constant dense<0.000000e+00> : vector<4096x64xf32>
    %dot_general3A_45 = tpu.matmul %mul3A, %get3A_28, %dot_general3A_44 {dimension_numbers = #tpu.dot_dimension_numbers<[1], [0], [0], [1], [0, 0, 1, 1], [], []>, transpose_lhs_hint = false} : vector<4096x64xf32>, vector<64x64xf32>, vector<4096x64xf32> -> vector<4096x64xf32>
    %add3A_46 = arith.addf %add3A_43, %dot_general3A_45 : vector<4096x64xf32>
    %convert_element_type3A = arith.truncf %mul3A_11 : vector<4096x1xf32> to vector<4096x1xbf16>
    %convert_element_type3A_47 = arith.extf %convert_element_type3A : vector<4096x1xbf16> to vector<4096x1xf32>
    %convert_element_type3A_48 = arith.truncf %get3A_31 : vector<1x64xf32> to vector<1x64xbf16>
    %convert_element_type3A_49 = arith.extf %convert_element_type3A_48 : vector<1x64xbf16> to vector<1x64xf32>
    %mul3A_50 = vector.broadcast %convert_element_type3A_47 : vector<4096x1xf32> to vector<4096x64xf32>
    %mul3A_51 = vector.broadcast %convert_element_type3A_49 : vector<1x64xf32> to vector<4096x64xf32>
    %mul3A_52 = arith.mulf %mul3A_50, %mul3A_51 : vector<4096x64xf32>
    %add3A_53 = arith.addf %add3A_46, %mul3A_52 : vector<4096x64xf32>
    %convert_element_type3A_54 = arith.truncf %get3A_14 : vector<4096x1xf32> to vector<4096x1xbf16>
    %convert_element_type3A_55 = arith.extf %convert_element_type3A_54 : vector<4096x1xbf16> to vector<4096x1xf32>
    %convert_element_type3A_56 = arith.truncf %get3A_34 : vector<1x64xf32> to vector<1x64xbf16>
    %convert_element_type3A_57 = arith.extf %convert_element_type3A_56 : vector<1x64xbf16> to vector<1x64xf32>
    %mul3A_58 = vector.broadcast %convert_element_type3A_55 : vector<4096x1xf32> to vector<4096x64xf32>
    %mul3A_59 = vector.broadcast %convert_element_type3A_57 : vector<1x64xf32> to vector<4096x64xf32>
    %mul3A_60 = arith.mulf %mul3A_58, %mul3A_59 : vector<4096x64xf32>
    %add3A_61 = arith.addf %add3A_53, %mul3A_60 : vector<4096x64xf32>
    %add3A_62 = vector.broadcast %add3A : vector<1x64xf32> to vector<4096x64xf32>
    %add3A_63 = arith.addf %add3A_61, %add3A_62 : vector<4096x64xf32>
    %gt3A = arith.constant 0.000000e+00 : f32
    %gt3A_64 = vector.broadcast %gt3A : f32 to vector<4096x64xf32>
    %gt3A_65 = arith.cmpf ogt, %add3A_63, %gt3A_64 : vector<4096x64xf32>
    %exp3A = math.exp %add3A_63 : vector<4096x64xf32>
    %sub3A_66 = arith.constant 1.000000e+00 : f32
    %sub3A_67 = vector.broadcast %sub3A_66 : f32 to vector<4096x64xf32>
    %sub3A_68 = arith.subf %exp3A, %sub3A_67 : vector<4096x64xf32>
    %select_n3A = arith.select %gt3A_65, %add3A_63, %sub3A_68 : vector<4096x64xi1>, vector<4096x64xf32>
    %get3A_69 = arith.constant 0 : index
    %get3A_70 = arith.constant 0 : index
    %get3A_71 = vector.load %arg6[%get3A_69, %get3A_70] : memref<64x64xf32, #tpu.memory_space<vmem>>, vector<64x64xf32>
    %dot_general3A_72 = arith.constant dense<0.000000e+00> : vector<4096x64xf32>
    %dot_general3A_73 = tpu.matmul %select_n3A, %get3A_71, %dot_general3A_72 {dimension_numbers = #tpu.dot_dimension_numbers<[1], [0], [0], [1], [0, 0, 1, 1], [], []>, transpose_lhs_hint = false} : vector<4096x64xf32>, vector<64x64xf32>, vector<4096x64xf32> -> vector<4096x64xf32>
    %get3A_74 = arith.constant 0 : index
    %get3A_75 = arith.constant 0 : index
    %get3A_76 = vector.load %arg7[%get3A_74, %get3A_75] : memref<1x64xf32, #tpu.memory_space<vmem>>, vector<1x64xf32>
    %add3A_77 = vector.broadcast %get3A_76 : vector<1x64xf32> to vector<4096x64xf32>
    %add3A_78 = arith.addf %dot_general3A_73, %add3A_77 : vector<4096x64xf32>
    %gt3A_79 = arith.constant 0.000000e+00 : f32
    %gt3A_80 = vector.broadcast %gt3A_79 : f32 to vector<4096x64xf32>
    %gt3A_81 = arith.cmpf ogt, %add3A_78, %gt3A_80 : vector<4096x64xf32>
    %exp3A_82 = math.exp %add3A_78 : vector<4096x64xf32>
    %sub3A_83 = arith.constant 1.000000e+00 : f32
    %sub3A_84 = vector.broadcast %sub3A_83 : f32 to vector<4096x64xf32>
    %sub3A_85 = arith.subf %exp3A_82, %sub3A_84 : vector<4096x64xf32>
    %select_n3A_86 = arith.select %gt3A_81, %add3A_78, %sub3A_85 : vector<4096x64xi1>, vector<4096x64xf32>
    %get3A_87 = arith.constant 0 : index
    %get3A_88 = arith.constant 0 : index
    %get3A_89 = vector.load %arg8[%get3A_87, %get3A_88] : memref<64x1xf32, #tpu.memory_space<vmem>>, vector<64x1xf32>
    %dot_general3A_90 = arith.constant dense<0.000000e+00> : vector<4096x1xf32>
    %dot_general3A_91 = tpu.matmul %select_n3A_86, %get3A_89, %dot_general3A_90 {dimension_numbers = #tpu.dot_dimension_numbers<[1], [0], [0], [1], [0, 0, 1, 1], [], []>, transpose_lhs_hint = false} : vector<4096x64xf32>, vector<64x1xf32>, vector<4096x1xf32> -> vector<4096x1xf32>
    %get3A_92 = arith.constant 0 : index
    %get3A_93 = arith.constant 0 : index
    %get3A_94 = vector.load %arg9[%get3A_92, %get3A_93] : memref<1x1xf32, #tpu.memory_space<vmem>>, vector<1x1xf32>
    %get3A_95 = vector.extract %get3A_94[0, 0] : f32 from vector<1x1xf32>
    %add3A_96 = vector.broadcast %get3A_95 : f32 to vector<4096x1xf32>
    %add3A_97 = arith.addf %dot_general3A_91, %add3A_96 : vector<4096x1xf32>
    %swap3A_98 = arith.constant 0 : index
    %swap3A_99 = arith.constant 0 : index
    %swap3A_100 = vector.load %arg11[%swap3A_98, %swap3A_99] : memref<4096x1xf32, #tpu.memory_space<vmem>>, vector<4096x1xf32>
    tpu.vector_store %arg11[%swap3A_98, %swap3A_99], %add3A_97 {strides = array<i32>} : memref<4096x1xf32, #tpu.memory_space<vmem>>, vector<4096x1xf32>,
    %reduce_max3A = vector.shape_cast %add3A_97 : vector<4096x1xf32> to vector<1x4096x1xf32>
    %reduce_max3A_101 = arith.constant dense<0xFF800000> : vector<1xf32>
    %reduce_max3A_102 = vector.multi_reduction <maximumf>, %reduce_max3A, %reduce_max3A_101 [1, 2] : vector<1x4096x1xf32> to vector<1xf32>
    %reduce_max3A_103 = vector.shape_cast %reduce_max3A_102 : vector<1xf32> to vector<1x1x1xf32>
    %reduce_max3A_104 = vector.extract %reduce_max3A_103[0, 0, 0] : f32 from vector<1x1x1xf32>
    %sub3A_105 = vector.broadcast %reduce_max3A_104 : f32 to vector<4096x1xf32>
    %sub3A_106 = arith.subf %add3A_97, %sub3A_105 : vector<4096x1xf32>
    %exp3A_107 = math.exp %sub3A_106 : vector<4096x1xf32>
    %reduce_sum3A = vector.shape_cast %exp3A_107 : vector<4096x1xf32> to vector<1x4096x1xf32>
    %reduce_sum3A_108 = arith.constant dense<0.000000e+00> : vector<1xf32>
    %reduce_sum3A_109 = vector.multi_reduction <add>, %reduce_sum3A, %reduce_sum3A_108 [1, 2] : vector<1x4096x1xf32> to vector<1xf32>
    %reduce_sum3A_110 = vector.shape_cast %reduce_sum3A_109 : vector<1xf32> to vector<1x1x1xf32>
    %reduce_sum3A_111 = vector.extract %reduce_sum3A_110[0, 0, 0] : f32 from vector<1x1x1xf32>
    %div3A = vector.broadcast %reduce_sum3A_111 : f32 to vector<4096x1xf32>
    %div3A_112 = arith.divf %exp3A_107, %div3A : vector<4096x1xf32>
    %swap3A_113 = arith.constant 0 : index
    %swap3A_114 = arith.constant 0 : index
    %swap3A_115 = vector.load %arg12[%swap3A_113, %swap3A_114] : memref<4096x1xf32, #tpu.memory_space<vmem>>, vector<4096x1xf32>
    tpu.vector_store %arg12[%swap3A_113, %swap3A_114], %div3A_112 {strides = array<i32>} : memref<4096x1xf32, #tpu.memory_space<vmem>>, vector<4096x1xf32>,
    return
  }
}

</mosaic_0001>

<sc_bundles>
// kernel: kernel.10.cloned.1.call-start
scs
__scs_entry_jumppad:
0x0: {  	(pc) =	sbr.rel $0x88, $3  }
0x1: {  	(tag) =	ssettag $0x0;
	lr =	simm.s32 $0x1  }
0x2: {  	[smem:$0x3F92] =	sst lr;
	_ =	strace $0xD0000000  }
0x3: {  	_ = 	snop  }
0x4: {  	_ = 	snop  }
0x5: {  	_ = 	snop  }
0x6: {  	_ = 	snop  }
0x7: {  	_ = 	snop  }
__scs_overlays_trampoline_lowered:
0x8: {  	[smem:$0x3FA1] =	sst s0  }
0x9: {  	[smem:$0x3FA2] =	sst s1  }
0xa: {  	[smem:$0x3FA3] =	sst s2  }
0xb: {  	[smem:$0x3FA4] =	sst s3  }
0xc: {  	[smem:$0x3FA5] =	sst s4  }
0xd: {  	[smem:$0x3FA6] =	sst s5  }
0xe: {  	[smem:$0x3FA7] =	sst s6  }
0xf: {  	[smem:$0x3FA8] =	sst s7  }
0x10: {  	[smem:$0x3FA9] =	sst s8  }
0x11: {  	[smem:$0x3FAA] =	sst s9;
	s0 =	simm.s32 @!p0 $0x0  }
0x12: {  	s1 =	sld [smem:$0x3F90];
	s0 =	simm.s32 @p0 $0x1  }
0x13: {  	[smem:$0x3FAB] =	sst s0;
	s0 =	simm.s32 @!p1 $0x0  }
0x14: {  	s2 =	sld [smem:$0x3F8F];
	s0 =	simm.s32 @p1 $0x1  }
0x15: {  	[smem:$0x3FAC] =	sst s0;
	s0 =	simm.s32 @!p2 $0x0  }
0x16: {  	s3 =	sld [smem:$0x3FDB];
	s0 =	simm.s32 @p2 $0x1  }
0x17: {  	s4 =	simm.s32 $0x1BF5;
	[smem:$0x3FAE] =	sst s0  }
0x18: {  	s0 =	sld [smem:$0x3F91];
	_ =	swait.ge [sflag:s4], $0x0  }
0x19: {  	s7 =	sld [smem:$0x3F92]  }
0x1a: {  	s8 =	sadd.s32 $0xFFFFE003, lr  }
0x1b: {  	s9 =	sadd.s32 $0xFFFFFEF7, lr;
	s5 =	simm.s32 $0xFFFFFFFF;
	p2 =	slt.u32 s8, $0xFFFFF086  }
0x1c: {  	p1 =	slt.u32 s9, $0xF7A;
	s5 =	simm.s32 @!p2 $0x0  }
0x1d: {  	s5 =	simm.s32 @p1 $0x1;
	p0 =	seq.s32 s7, s2  }
0x1e: {  	s7 =	smul.u32 @!p0 $0xF7A, s2;
	p2 =	seq.s32 @!p0 s5, $0x0  }
0x1f: {  	s9 =	smul.u32 $0xF7A, s1;
	s8 =	simm.s32 @!p0 $0x1BF5;
	p2 =	por !p2, p0  }
0x20: {  	[sflag:s8] =	ssyncset.s32 @!p0 $0xFFFFF086;
	s6 =	sadd.s32 @!p0 s3, s7;
	s7 =	simm.s32 @!p0 $0x108  }
0x21: {  	s3 =	sadd.s32 s3, s9;
	s6 =	sadd.s32 @!p0 $0x88, s6;
	s7 =	simm.s32 @p2 $0x1082  }
0x22: {  	[simem:s7], [sflag:s8] =	dma.local @!p0 [hbm:s6], $0xF7A  }
0x23: {  	s9 =	sor.u32 $0xD0000000, s2;
	s6 =	simm.s32 $0x108;
	_ =	swait.ge @!p0 [sflag:s8], $0x0  }
0x24: {  	s3 =	sadd.s32 $0x88, s3;
	s6 =	simm.s32 @!p1 $0x1082;
	[sflag:s4] =	ssyncset.s32 $0xFFFFF086  }
0x25: {  	[simem:s6], [sflag:s4] =	dma.local [hbm:s3], $0xF7A  }
0x26: {  	[smem:$0x3F92] =	sst s1;
	(tag) =	ssettag s2;
	_ =	strace s9  }
0x27: {  	s1 =	sld [smem:$0x3FA2]  }
0x28: {  	s2 =	sld [smem:$0x3FA3]  }
0x29: {  	s4 =	sld [smem:$0x3FA5]  }
0x2a: {  	p0 =	seq.s32 s5, $0x0;
	s5 =	sld [smem:$0x3FA6]  }
0x2b: {  	s6 =	sld [smem:$0x3FA7]  }
0x2c: {  	s7 =	sld [smem:$0x3FA8]  }
0x2d: {  	s3 =	simm.s32 $0x108;
	s8 =	sld [smem:$0x3FA9]  }
0x2e: {  	s3 =	simm.s32 @!p0 $0x1082;
	s9 =	sld [smem:$0x3FAA]  }
0x2f: {  	lr =	sadd.s32 s0, s3;
	s0 =	sld [smem:$0x3FA1]  }
0x30: {  	s3 =	sld [smem:$0x3FA4]  }
0x31: {  	[smem:$0x3FAD] =	sst s10  }
0x32: {  	s10 =	sld [smem:$0x3FAB];
	_ =	sdelay $0x3  }
0x33: {  	p0 =	seq.s32 s10, $0x1;
	s10 =	sld [smem:$0x3FAD];
	_ =	sdelay $0x3  }
0x34: {  	[smem:$0x3FAD] =	sst s10  }
0x35: {  	s10 =	sld [smem:$0x3FAC];
	_ =	sdelay $0x3  }
0x36: {  	p1 =	seq.s32 s10, $0x1;
	s10 =	sld [smem:$0x3FAD];
	_ =	sdelay $0x3  }
0x37: {  	[smem:$0x3FAD] =	sst s10  }
0x38: {  	s10 =	sld [smem:$0x3FAE]  }
0x39: {  	_ = 	snop;
	(pc) =	sbr.ind lr, $3  }
0x3a: {  	_ = 	snop  }
0x3b: {  	_ = 	snop  }
0x3c: {  	p2 =	seq.s32 s10, $0x1;
	s10 =	sld [smem:$0x3FAD]  }
0x3d: {  	_ =	shalt  }
0x3e: {  	_ =	shalt  }
0x3f: {  	_ =	shalt  }
0x40: {  	_ =	shalt  }
0x41: {  	_ =	shalt  }
0x42: {  	_ =	shalt  }
0x43: {  	_ =	shalt  }
0x44: {  	_ =	shalt  }
0x45: {  	_ =	shalt  }
0x46: {  	_ =	shalt  }
0x47: {  	_ =	shalt  }
0x48: {  	_ =	shalt  }
0x49: {  	_ =	shalt  }
0x4a: {  	_ =	shalt  }
0x4b: {  	_ =	shalt  }
0x4c: {  	_ =	shalt  }
0x4d: {  	_ =	shalt  }
0x4e: {  	_ =	shalt  }
0x4f: {  	_ =	shalt  }
0x50: {  	_ =	shalt  }
0x51: {  	_ =	shalt  }
0x52: {  	_ =	shalt  }
0x53: {  	_ =	shalt  }
0x54: {  	_ =	shalt  }
0x55: {  	_ =	shalt  }
0x56: {  	_ =	shalt  }
0x57: {  	_ =	shalt  }
0x58: {  	_ =	shalt  }
0x59: {  	_ =	shalt  }
0x5a: {  	_ =	shalt  }
0x5b: {  	_ =	shalt  }
0x5c: {  	_ =	shalt  }
0x5d: {  	_ =	shalt  }
0x5e: {  	_ =	shalt  }
0x5f: {  	_ =	shalt  }
0x60: {  	_ =	shalt  }
0x61: {  	_ =	shalt  }
0x62: {  	_ =	shalt  }
0x63: {  	_ =	shalt  }
0x64: {  	_ =	shalt  }
0x65: {  	_ =	shalt  }
0x66: {  	_ =	shalt  }
0x67: {  	_ =	shalt  }
0x68: {  	_ =	shalt  }
0x69: {  	_ =	shalt  }
0x6a: {  	_ =	shalt  }
0x6b: {  	_ =	shalt  }
0x6c: {  	_ =	shalt  }
0x6d: {  	_ =	shalt  }
0x6e: {  	_ =	shalt  }
0x6f: {  	_ =	shalt  }
0x70: {  	_ =	shalt  }
0x71: {  	_ =	shalt  }
0x72: {  	_ =	shalt  }
0x73: {  	_ =	shalt  }
0x74: {  	_ =	shalt  }
0x75: {  	_ =	shalt  }
0x76: {  	_ =	shalt  }
0x77: {  	_ =	shalt  }
0x78: {  	_ =	shalt  }
0x79: {  	_ =	shalt  }
0x7a: {  	_ =	shalt  }
0x7b: {  	_ =	shalt  }
0x7c: {  	_ =	shalt  }
0x7d: {  	_ =	shalt  }
0x7e: {  	_ =	shalt  }
0x7f: {  	_ =	shalt  }
0x80: {  	_ =	shalt  }
0x81: {  	_ =	shalt  }
0x82: {  	_ =	shalt  }
0x83: {  	_ =	shalt  }
0x84: {  	_ =	shalt  }
0x85: {  	_ =	shalt  }
0x86: {  	_ =	shalt  }
0x87: {  	_ =	shalt  }
.Lfunc_end0:
.L_simem_size_0:
called_computation_lowered:
.L_overlay_start_0:
0x88: {  	s2 =	sld [smem:$0x3FD9]  }
0x89: {  	s3 =	sld [smem:$0x3FFE];
	_ =	sdelay $0x1  }
0x8a: {  	s1 =	srdreg.scid  }
0x8b: {  	s0 =	sand.u32 $0x1, s1  }
0x8c: {  	s14 =	sshll.u32 s0, $0xA;
	s2 =	sadd.s32 s3, s2  }
0x8d: {  	s2 =	sadd.s32 s2, s14  }
0x8e: {  	[smem:$0x3FB9] =	sst s2  }
0x8f: {  	_ = 	snop  }
0x90: {  	s2 =	sld [smem:$0x3FD0];
	_ =	sdelay $0x2  }
0x91: {  	s15 =	simm.s32 $0xA;
	s4 =	simm.s32 $0x10  }
0x92: {  	[smem:s4], [sflag:s15] =	dma.local [hbm:s2], $0x1  }
0x93: {  	_ =	swait.eq [sflag:s15], $0x1  }
0x94: {  	[sflag:s15] =	ssyncset.done $0x0  }
0x95: {  	s16 =	sld [smem:$0x11];
	[sflag:s15] =	ssyncadd.s32 $0xFFFFFFFF  }
0x96: {  	s17 =	sld [smem:$0x13];
	(tm) =	ssettm $0x1  }
0x97: {  	s18 =	sld [smem:$0x3FFB];
	_ =	sdelay $0x3  }
0x98: {  	_ =	strace s18  }
0x99: {  	s4 =	sld [smem:$0x3FFC];
	_ =	sdelay $0x3  }
0x9a: {  	_ =	strace s4  }
0x9b: {  	s4 =	sld [smem:$0x3FFD];
	_ =	sdelay $0x3  }
0x9c: {  	_ =	strace s4  }
0x9d: {  	_ =	strace $0x8FFFFFFF  }
0x9e: {  	s19 =	sld [smem:$0x3FDB];
	_ =	sdelay $0x1  }
0x9f: {  	s5 =	simm.s32 $_scs_section_size  }
0xa0: {  	s6 =	simm.s32 $_size__tile_overlayer_lowered;
	s7 =	simm.s32 $_tile_overlayer_lowered  }
0xa1: {  	s22 =	simm.s32 $0x1BFF;
	s21 =	sshll.u32 s7, $0x1;
	s4 =	sadd.s32 s5, s19  }
0xa2: {  	s8 =	simm.s32 $0x0;
	s20 =	sshll.u32 s6, $0x1;
	s6 =	sadd.s32 s21, s4  }
0xa3: {  	[timem:s8], [sflag:s22] =	dma.local [hbm:s6], s20  }
0xa4: {  	_ =	swait.ge [sflag:s22], s20  }
0xa5: {  	s5 =	ssub.s32 $0x0, s20;
	[sflag:s22] =	ssyncset.done $0x0  }
0xa6: {  	[sflag:s22] =	ssyncadd.s32 s5;
	_ =	sdelay $0x1  }
0xa7: {  	s23 =	simm.s32 $0x1B8B  }
0xa8: {  	_ =	swait.ge [sflag:s23], $0x1  }
0xa9: {  	[sflag:s23] =	ssyncset.done $0x0  }
0xaa: {  	s25 =	simm.s32 $0x1B8E;
	s24 =	sld [smem:$0x3FFE];
	[sflag:s23] =	ssyncadd.s32 $0xFFFFFFFF  }
0xab: {  	s26 =	simm.s32 $execute0_lowered;
	[smem:$0x3FD2] =	sst s25  }
0xac: {  	s6 =	sshll.u32 s26, $0x1;
	_ =	strace $0x80000046;
	[dreg:$0x1] =	wrdreg $0xFFFFFFFF  }
0xad: {  	s28 =	simm.s32 $_size_execute0_lowered;
	s4 =	sadd.s32 s4, s6;
	[dreg:$0x0] =	wrdreg $0x0  }
0xae: {  	s6 =	sshll.u32 s28, $0x1;
	[dreg:$0x2] =	wrdreg s4  }
0xaf: {  	[dreg:$0x3] =	wrdreg s6  }
0xb0: {  	[dreg:$0x4] =	wrdreg $0xC0  }
0xb1: {  	_ =	task [dreg:s8], $0x5FFFF  }
0xb2: {  	[dreg:$0x1] =	wrdreg $0xFFFFFFFF  }
0xb3: {  	[dreg:$0x0] =	wrdreg $0x60  }
0xb4: {  	[dreg:$0x2] =	wrdreg s24  }
0xb5: {  	[dreg:$0x3] =	wrdreg s16  }
0xb6: {  	[dreg:$0x4] =	wrdreg s17  }
0xb7: {  	[dreg:$0x5] =	wrdreg $0xB2000  }
0xb8: {  	[dreg:$0x6] =	wrdreg $0x9  }
0xb9: {  	_ =	task.clear_ibuf [dreg:s8], $0x7FFFF;
	_ =	strace $0x90000046  }
0xba: {  	s29 =	simm.s32 $0x9;
	_ =	strace $0x80000048  }
0xbb: {  	_ =	swait.ge [sflag:s29], $0x1  }
0xbc: {  	[sflag:s29] =	ssyncadd.s32 $0xFFFFFFFF  }
0xbd: {  	_ =	strace $0x90000048  }
0xbe: {  	_ =	sfence  }
0xbf: {  	s30 =	sld [smem:$0x0];
	_ =	sdelay $0x2  }
0xc0: {  	s31 =	sshll.u32 s1, $0xD;
	s1 =	sshrl.u32 s1, $0x2  }
0xc1: {  	s3 =	sand.u32 $0x4000, s31;
	s1 =	sadd.s32 s1, s30  }
0xc2: {  	s0 =	sor.u32 s3, s0;
	s1 =	sshll.u32 s1, $0x11  }
0xc3: {  	s0 =	sor.u32 s1, s0  }
0xc4: {  	s0 =	sadd.s32 $0x8F2B, s0  }
0xc5: {  	[sflag:s0] =	ssyncadd.remote.s32 $0x1  }
0xc6: {  	_ =	sfence.sel $0xFFFF  }
0xc7: {  	[dreg:$0x0] =	wrdreg $0xFFFFFFFF;
	(pc) =	sbr.abs _section_cstart, $3  }
0xc8: {  	[dreg:$0x1] =	wrdreg $0xFFFFFFFF  }
0xc9: {  	_ =	task.clear_ibuf [dreg:s8], $0x2FFFF;
	_ =	strace $0x9FFFFFFF  }
0xca: {  	(tm) =	ssettm $0x7FFFFFFF  }
0xcb: {  	_ =	shalt  }
tec
execute0_lowered:
.L_overlay_start_1:
0x0: {  	(tag) =	ssettag $0x1  }
0x1: {  	s5 =	rddreg [dreg:$0x0]  }
0x2: {  	s1 =	rddreg [dreg:$0x1]  }
0x3: {  	s8 =	rddreg [dreg:$0x2]  }
0x4: {  	s3 =	rddreg [dreg:$0x3]  }
0x5: {  	s0 =	rddreg [dreg:$0x4];
	s4 =	simm.s32 $0x0;
	s2 =	stileid.u32  }
0x6: {  	s7 =	srdreg.scid;
	s14 =	simm.s32 $0x100;
	s15 =	simm.s32 $0xA000  }
0x7: {  	s16 =	simm.s32 $0xA100;
	s17 =	simm.s32 $0x1;
	s18 =	simm.s32 $0x2  }
0x8: {  	s19 =	simm.s32 $0x0;
	[smem:$0x7FF] =	sst s4;
	s6 =	smul.u32 $0x2780, s2  }
0x9: {  	s9 =	smul.u32 $0x1400, s2;
	s7 =	sand.u32 $0x1, s7;
	s31 =	sshll.u32 s2, $0x6  }
0xa: {  	_ =	strace $0x80000047;
	s11 =	ssub.s32 $0x2, s7;
	s12 =	smul.u32 $0x27800, s7  }
0xb: {  	s7 =	smul.u32 $0x13C00, s7;
	s10 =	sshrl.u32 s6, $0x3;
	s9 =	sadd.s32 s9, s5  }
0xc: {  	s29 =	sshrl.u32 s11, $0x1;
	s13 =	sadd.s32 s6, s3;
	s10 =	sadd.s32 s10, s5  }
0xd: {  	s11 =	ssub.s32 s11, s29;
	s12 =	sadd.s32 s6, s12;
	s5 =	sadd.s32 $0x3000, s9  }
0xe: {  	s7 =	sshrl.u32 s7, $0x2;
	s13 =	sshrl.u32 s13, $0x3;
	s30 =	sshrl.u32 s12, $0x3  }
0xf: {  	s6 =	sadd.s32 $0x17000, s10;
	s9 =	smax.u32 s11, $0x1;
	s10 =	simm.s32 $0x3  }
0x10: {  	s11 =	simm.s32 $0xA200;
	s12 =	sor.u32 $0x1C03, s31;
	v0 =	vmov s7;
	s8 =	sadd.s32 s8, s30  }
.LBB2_1:
0x11: {  	[tilespmem:s4], [sflag:$0x3] =	stream.linear.gather [hbm4b:s5+s4], $0xA000, $0x38;
	[tilespmem:$0xD980] =	vst v63  }
0x12: {  	_ =	swait.ge [sflag:s10], $0xA000  }
0x13: {  	[sflag:s10] =	ssyncset.done $0x0  }
0x14: {  	[sflag:s10] =	ssyncadd.s32 $0xFFFF6000  }
0x15: {  	[tilespmem:s11], [sflag:$0x3] =	stream.linear.gather [hbm4b:s1+s4], $0x1000, $0x38;
	[tilespmem:$0xD980] =	vst v63  }
0x16: {  	_ =	swait.ge [sflag:s10], $0x1000  }
0x17: {  	[sflag:s10] =	ssyncset.done $0x0  }
0x18: {  	[sflag:s10] =	ssyncadd.s32 $0xFFFFF000  }
0x19: {  	[spmem:s13], [sflag:s12] =	dma.local [hbm:s6], $0x4F0  }
0x1a: {  	_ =	swait.ge [sflag:s10], $0x4F0  }
0x1b: {  	[sflag:s10] =	ssyncset.done $0x0  }
0x1c: {  	[sflag:s10] =	ssyncadd.s32 $0xFFFFFB10  }
0x1d: {  	[bflag:$0x0] =	sbarrier.arrive $0xFFFF  }
0x1e: {  	v1 =	vld [tilespmem:s7+$0x0];
	_ =	sdelay $0x4  }
0x1f: {  	[tilespmem:$0xA000] =	vst v1  }
0x20: {  	v1 =	vld [tilespmem:s7+$0x10];
	_ =	sdelay $0x4  }
0x21: {  	[tilespmem:$0xA010] =	vst v1  }
0x22: {  	v1 =	vld [tilespmem:s7+$0x20];
	_ =	sdelay $0x4  }
0x23: {  	[tilespmem:$0xA020] =	vst v1  }
0x24: {  	v1 =	vld [tilespmem:s7+$0x30];
	_ =	sdelay $0x4  }
0x25: {  	[tilespmem:$0xA030] =	vst v1  }
0x26: {  	v1 =	vld [tilespmem:s7+$0x40];
	_ =	sdelay $0x4  }
0x27: {  	[tilespmem:$0xA040] =	vst v1  }
0x28: {  	v1 =	vld [tilespmem:s7+$0x50];
	_ =	sdelay $0x4  }
0x29: {  	[tilespmem:$0xA050] =	vst v1  }
0x2a: {  	v1 =	vld [tilespmem:s7+$0x60];
	_ =	sdelay $0x4  }
0x2b: {  	[tilespmem:$0xA060] =	vst v1  }
0x2c: {  	v1 =	vld [tilespmem:s7+$0x70];
	_ =	sdelay $0x4  }
0x2d: {  	[tilespmem:$0xA070] =	vst v1  }
0x2e: {  	v1 =	vld [tilespmem:s7+$0x80];
	_ =	sdelay $0x4  }
0x2f: {  	[tilespmem:$0xA080] =	vst v1  }
0x30: {  	v1 =	vld [tilespmem:s7+$0x90];
	_ =	sdelay $0x4  }
0x31: {  	[tilespmem:$0xA090] =	vst v1  }
0x32: {  	v1 =	vld [tilespmem:s7+$0xA0];
	_ =	sdelay $0x4  }
0x33: {  	[tilespmem:$0xA0A0] =	vst v1  }
0x34: {  	v1 =	vld [tilespmem:s7+$0xB0];
	_ =	sdelay $0x4  }
0x35: {  	[tilespmem:$0xA0B0] =	vst v1  }
0x36: {  	v1 =	vld [tilespmem:s7+$0xC0];
	_ =	sdelay $0x4  }
0x37: {  	[tilespmem:$0xA0C0] =	vst v1  }
0x38: {  	v1 =	vld [tilespmem:s7+$0xD0];
	_ =	sdelay $0x4  }
0x39: {  	[tilespmem:$0xA0D0] =	vst v1  }
0x3a: {  	v1 =	vld [tilespmem:s7+$0xE0];
	_ =	sdelay $0x4  }
0x3b: {  	[tilespmem:$0xA0E0] =	vst v1  }
0x3c: {  	v1 =	vld [tilespmem:s7+$0xF0];
	_ =	sdelay $0x4  }
0x3d: {  	[tilespmem:$0xA0F0] =	vst v1  }
0x3e: {  	[spmem:s3] =	stream.indirect.scatter.add.f32 [tilespmem:s11], [sflag:$0x1], $0x10, s15, s14, $0xb8;
	[tilespmem:$0xD980] =	vst v63  }
0x3f: {  	v1 =	vld [tilespmem:s7+$0x100];
	_ =	sdelay $0x4  }
0x40: {  	[tilespmem:$0xA100] =	vst v1  }
0x41: {  	v1 =	vld [tilespmem:s7+$0x110];
	_ =	sdelay $0x4  }
0x42: {  	[tilespmem:$0xA110] =	vst v1  }
0x43: {  	v1 =	vld [tilespmem:s7+$0x120];
	_ =	sdelay $0x4  }
0x44: {  	[tilespmem:$0xA120] =	vst v1  }
0x45: {  	v1 =	vld [tilespmem:s7+$0x130];
	_ =	sdelay $0x4  }
0x46: {  	[tilespmem:$0xA130] =	vst v1  }
0x47: {  	v1 =	vld [tilespmem:s7+$0x140];
	_ =	sdelay $0x4  }
0x48: {  	[tilespmem:$0xA140] =	vst v1  }
0x49: {  	v1 =	vld [tilespmem:s7+$0x150];
	_ =	sdelay $0x4  }
0x4a: {  	[tilespmem:$0xA150] =	vst v1  }
0x4b: {  	v1 =	vld [tilespmem:s7+$0x160];
	_ =	sdelay $0x4  }
0x4c: {  	[tilespmem:$0xA160] =	vst v1  }
0x4d: {  	v1 =	vld [tilespmem:s7+$0x170];
	_ =	sdelay $0x4  }
0x4e: {  	[tilespmem:$0xA170] =	vst v1  }
0x4f: {  	v1 =	vld [tilespmem:s7+$0x180];
	_ =	sdelay $0x4  }
0x50: {  	[tilespmem:$0xA180] =	vst v1  }
0x51: {  	v1 =	vld [tilespmem:s7+$0x190];
	_ =	sdelay $0x4  }
0x52: {  	[tilespmem:$0xA190] =	vst v1  }
0x53: {  	v1 =	vld [tilespmem:s7+$0x1A0];
	_ =	sdelay $0x4  }
0x54: {  	[tilespmem:$0xA1A0] =	vst v1  }
0x55: {  	v1 =	vld [tilespmem:s7+$0x1B0];
	_ =	sdelay $0x4  }
0x56: {  	[tilespmem:$0xA1B0] =	vst v1  }
0x57: {  	v1 =	vld [tilespmem:s7+$0x1C0];
	_ =	sdelay $0x4  }
0x58: {  	[tilespmem:$0xA1C0] =	vst v1  }
0x59: {  	v1 =	vld [tilespmem:s7+$0x1D0];
	_ =	sdelay $0x4  }
0x5a: {  	[tilespmem:$0xA1D0] =	vst v1  }
0x5b: {  	v1 =	vld [tilespmem:s7+$0x1E0];
	_ =	sdelay $0x4  }
0x5c: {  	[tilespmem:$0xA1E0] =	vst v1  }
0x5d: {  	v1 =	vld [tilespmem:s7+$0x1F0];
	_ =	sdelay $0x4  }
0x5e: {  	[tilespmem:$0xA1F0] =	vst v1  }
0x5f: {  	[spmem:s3] =	stream.indirect.scatter.add.f32 [tilespmem:s11], [sflag:$0x2], $0x10, s16, s14, $0xb8;
	[tilespmem:$0xD980] =	vst v63  }
0x60: {  	_ =	swait.ge [sflag:s17], $0x1000  }
0x61: {  	[sflag:s17] =	ssyncset.done $0x0  }
0x62: {  	s20 =	simm.s32 $0x3F0;
	[sflag:s17] =	ssyncadd.s32 $0xFFFFF000  }
0x63: {  	v1 =	vld.idx.msk [tilespmem:v0+s20+$0xFFFFFE10 ss:$0x1], $0xffff;
	_ =	sdelay $0x4  }
0x64: {  	[tilespmem:$0xA000] =	vst v1  }
0x65: {  	v1 =	vld.idx.msk [tilespmem:v0+s20+$0xFFFFFE20 ss:$0x1], $0xffff;
	_ =	sdelay $0x4  }
0x66: {  	[tilespmem:$0xA010] =	vst v1  }
0x67: {  	v1 =	vld.idx.msk [tilespmem:v0+s20+$0xFFFFFE30 ss:$0x1], $0xffff;
	_ =	sdelay $0x4  }
0x68: {  	[tilespmem:$0xA020] =	vst v1  }
0x69: {  	v1 =	vld.idx.msk [tilespmem:v0+s20+$0xFFFFFE40 ss:$0x1], $0xffff;
	_ =	sdelay $0x4  }
0x6a: {  	[tilespmem:$0xA030] =	vst v1  }
0x6b: {  	v1 =	vld.idx.msk [tilespmem:v0+s20+$0xFFFFFE50 ss:$0x1], $0xffff;
	_ =	sdelay $0x4  }
0x6c: {  	[tilespmem:$0xA040] =	vst v1  }
0x6d: {  	v1 =	vld.idx.msk [tilespmem:v0+s20+$0xFFFFFE60 ss:$0x1], $0xffff;
	_ =	sdelay $0x4  }
0x6e: {  	[tilespmem:$0xA050] =	vst v1  }
0x6f: {  	v1 =	vld.idx.msk [tilespmem:v0+s20+$0xFFFFFE70 ss:$0x1], $0xffff;
	_ =	sdelay $0x4  }
0x70: {  	[tilespmem:$0xA060] =	vst v1  }
0x71: {  	v1 =	vld.idx.msk [tilespmem:v0+s20+$0xFFFFFE80 ss:$0x1], $0xffff;
	_ =	sdelay $0x4  }
0x72: {  	[tilespmem:$0xA070] =	vst v1  }
0x73: {  	v1 =	vld.idx.msk [tilespmem:v0+s20+$0xFFFFFE90 ss:$0x1], $0xffff;
	_ =	sdelay $0x4  }
0x74: {  	[tilespmem:$0xA080] =	vst v1  }
0x75: {  	v1 =	vld.idx.msk [tilespmem:v0+s20+$0xFFFFFEA0 ss:$0x1], $0xffff;
	_ =	sdelay $0x4  }
0x76: {  	[tilespmem:$0xA090] =	vst v1  }
0x77: {  	v1 =	vld.idx.msk [tilespmem:v0+s20+$0xFFFFFEB0 ss:$0x1], $0xffff;
	_ =	sdelay $0x4  }
0x78: {  	[tilespmem:$0xA0A0] =	vst v1  }
0x79: {  	v1 =	vld.idx.msk [tilespmem:v0+s20+$0xFFFFFEC0 ss:$0x1], $0xffff;
	_ =	sdelay $0x4  }
0x7a: {  	[tilespmem:$0xA0B0] =	vst v1  }
0x7b: {  	v1 =	vld.idx.msk [tilespmem:v0+s20+$0xFFFFFED0 ss:$0x1], $0xffff;
	_ =	sdelay $0x4  }
0x7c: {  	[tilespmem:$0xA0C0] =	vst v1  }
0x7d: {  	v1 =	vld.idx.msk [tilespmem:v0+s20+$0xFFFFFEE0 ss:$0x1], $0xffff;
	_ =	sdelay $0x4  }
0x7e: {  	[tilespmem:$0xA0D0] =	vst v1  }
0x7f: {  	v1 =	vld.idx.msk [tilespmem:v0+s20+$0xFFFFFEF0 ss:$0x1], $0xffff;
	_ =	sdelay $0x4  }
0x80: {  	[tilespmem:$0xA0E0] =	vst v1  }
0x81: {  	v1 =	vld.idx.msk [tilespmem:v0+s20+$0xFFFFFF00 ss:$0x1], $0xffff;
	_ =	sdelay $0x4  }
0x82: {  	[tilespmem:$0xA0F0] =	vst v1  }
0x83: {  	[spmem:s3] =	stream.indirect.scatter.add.f32 [tilespmem:s11], [sflag:$0x1], $0x10, s15, s14, $0xb8;
	[tilespmem:$0xD980] =	vst v63  }
0x84: {  	_ =	swait.ge [sflag:s18], $0x1000  }
0x85: {  	[sflag:s18] =	ssyncset.done $0x0  }
0x86: {  	[sflag:s18] =	ssyncadd.s32 $0xFFFFF000  }
0x87: {  	v1 =	vld.idx.msk [tilespmem:v0+s20+$0xFFFFFF10 ss:$0x1], $0xffff;
	_ =	sdelay $0x4  }
0x88: {  	[tilespmem:$0xA100] =	vst v1  }
0x89: {  	v1 =	vld.idx.msk [tilespmem:v0+s20+$0xFFFFFF20 ss:$0x1], $0xffff;
	_ =	sdelay $0x4  }
0x8a: {  	[tilespmem:$0xA110] =	vst v1  }
0x8b: {  	v1 =	vld.idx.msk [tilespmem:v0+s20+$0xFFFFFF30 ss:$0x1], $0xffff;
	_ =	sdelay $0x4  }
0x8c: {  	[tilespmem:$0xA120] =	vst v1  }
0x8d: {  	v1 =	vld.idx.msk [tilespmem:v0+s20+$0xFFFFFF40 ss:$0x1], $0xffff;
	_ =	sdelay $0x4  }
0x8e: {  	[tilespmem:$0xA130] =	vst v1  }
0x8f: {  	v1 =	vld.idx.msk [tilespmem:v0+s20+$0xFFFFFF50 ss:$0x1], $0xffff;
	_ =	sdelay $0x4  }
0x90: {  	[tilespmem:$0xA140] =	vst v1  }
0x91: {  	v1 =	vld.idx.msk [tilespmem:v0+s20+$0xFFFFFF60 ss:$0x1], $0xffff;
	_ =	sdelay $0x4  }
0x92: {  	[tilespmem:$0xA150] =	vst v1  }
0x93: {  	v1 =	vld.idx.msk [tilespmem:v0+s20+$0xFFFFFF70 ss:$0x1], $0xffff;
	_ =	sdelay $0x4  }
0x94: {  	[tilespmem:$0xA160] =	vst v1  }
0x95: {  	v1 =	vld.idx.msk [tilespmem:v0+s20+$0xFFFFFF80 ss:$0x1], $0xffff;
	_ =	sdelay $0x4  }
0x96: {  	[tilespmem:$0xA170] =	vst v1  }
0x97: {  	v1 =	vld.idx.msk [tilespmem:v0+s20+$0xFFFFFF90 ss:$0x1], $0xffff;
	_ =	sdelay $0x4  }
0x98: {  	[tilespmem:$0xA180] =	vst v1  }
0x99: {  	v1 =	vld.idx.msk [tilespmem:v0+s20+$0xFFFFFFA0 ss:$0x1], $0xffff;
	_ =	sdelay $0x4  }
0x9a: {  	[tilespmem:$0xA190] =	vst v1  }
0x9b: {  	v1 =	vld.idx.msk [tilespmem:v0+s20+$0xFFFFFFB0 ss:$0x1], $0xffff;
	_ =	sdelay $0x4  }
0x9c: {  	[tilespmem:$0xA1A0] =	vst v1  }
0x9d: {  	v1 =	vld.idx.msk [tilespmem:v0+s20+$0xFFFFFFC0 ss:$0x1], $0xffff;
	_ =	sdelay $0x4  }
0x9e: {  	[tilespmem:$0xA1B0] =	vst v1  }
0x9f: {  	v1 =	vld.idx.msk [tilespmem:v0+s20+$0xFFFFFFD0 ss:$0x1], $0xffff;
	_ =	sdelay $0x4  }
0xa0: {  	[tilespmem:$0xA1C0] =	vst v1  }
0xa1: {  	v1 =	vld.idx.msk [tilespmem:v0+s20+$0xFFFFFFE0 ss:$0x1], $0xffff;
	_ =	sdelay $0x4  }
0xa2: {  	[tilespmem:$0xA1D0] =	vst v1  }
0xa3: {  	v1 =	vld.idx.msk [tilespmem:v0+s20+$0xFFFFFFF0 ss:$0x1], $0xffff;
	_ =	sdelay $0x4  }
0xa4: {  	[tilespmem:$0xA1E0] =	vst v1  }
0xa5: {  	v1 =	vld.idx.msk [tilespmem:v0+s20+$0x0 ss:$0x1], $0xffff;
	_ =	sdelay $0x4  }
0xa6: {  	s20 =	simm.s32 $0x17C0;
	[tilespmem:$0xA1F0] =	vst v1  }
.LBB2_2:
0xa7: {  	[spmem:s3] =	stream.indirect.scatter.add.f32 [tilespmem:s11], [sflag:$0x2], $0x10, s16, s14, $0xb8;
	[tilespmem:$0xD980] =	vst v63  }
0xa8: {  	s21 =	smov.u32 s20  }
0xa9: {  	p0 =	sne.s32 s20, $0x137C0;
	s20 =	sadd.s32 $0x800, s20;
	_ =	swait.ge [sflag:s17], $0x1000  }
0xaa: {  	[sflag:s17] =	ssyncset.done $0x0  }
0xab: {  	s21 =	sshra.s32 s21, $0x2;
	[sflag:s17] =	ssyncadd.s32 $0xFFFFF000  }
0xac: {  	v1 =	vld.idx.msk [tilespmem:v0+s21+$0xFFFFFE10 ss:$0x1], $0xffff;
	_ =	sdelay $0x5  }
0xad: {  	[tilespmem:$0xA000] =	vst v1  }
0xae: {  	v1 =	vld.idx.msk [tilespmem:v0+s21+$0xFFFFFE20 ss:$0x1], $0xffff;
	_ =	sdelay $0x5  }
0xaf: {  	[tilespmem:$0xA010] =	vst v1  }
0xb0: {  	v1 =	vld.idx.msk [tilespmem:v0+s21+$0xFFFFFE30 ss:$0x1], $0xffff;
	_ =	sdelay $0x5  }
0xb1: {  	[tilespmem:$0xA020] =	vst v1  }
0xb2: {  	v1 =	vld.idx.msk [tilespmem:v0+s21+$0xFFFFFE40 ss:$0x1], $0xffff;
	_ =	sdelay $0x5  }
0xb3: {  	[tilespmem:$0xA030] =	vst v1  }
0xb4: {  	v1 =	vld.idx.msk [tilespmem:v0+s21+$0xFFFFFE50 ss:$0x1], $0xffff;
	_ =	sdelay $0x5  }
0xb5: {  	[tilespmem:$0xA040] =	vst v1  }
0xb6: {  	v1 =	vld.idx.msk [tilespmem:v0+s21+$0xFFFFFE60 ss:$0x1], $0xffff;
	_ =	sdelay $0x5  }
0xb7: {  	[tilespmem:$0xA050] =	vst v1  }
0xb8: {  	v1 =	vld.idx.msk [tilespmem:v0+s21+$0xFFFFFE70 ss:$0x1], $0xffff;
	_ =	sdelay $0x5  }
0xb9: {  	[tilespmem:$0xA060] =	vst v1  }
0xba: {  	v1 =	vld.idx.msk [tilespmem:v0+s21+$0xFFFFFE80 ss:$0x1], $0xffff;
	_ =	sdelay $0x5  }
0xbb: {  	[tilespmem:$0xA070] =	vst v1  }
0xbc: {  	v1 =	vld.idx.msk [tilespmem:v0+s21+$0xFFFFFE90 ss:$0x1], $0xffff;
	_ =	sdelay $0x5  }
0xbd: {  	[tilespmem:$0xA080] =	vst v1  }
0xbe: {  	v1 =	vld.idx.msk [tilespmem:v0+s21+$0xFFFFFEA0 ss:$0x1], $0xffff;
	_ =	sdelay $0x5  }
0xbf: {  	[tilespmem:$0xA090] =	vst v1  }
0xc0: {  	v1 =	vld.idx.msk [tilespmem:v0+s21+$0xFFFFFEB0 ss:$0x1], $0xffff;
	_ =	sdelay $0x5  }
0xc1: {  	[tilespmem:$0xA0A0] =	vst v1  }
0xc2: {  	v1 =	vld.idx.msk [tilespmem:v0+s21+$0xFFFFFEC0 ss:$0x1], $0xffff;
	_ =	sdelay $0x5  }
0xc3: {  	[tilespmem:$0xA0B0] =	vst v1  }
0xc4: {  	v1 =	vld.idx.msk [tilespmem:v0+s21+$0xFFFFFED0 ss:$0x1], $0xffff;
	_ =	sdelay $0x5  }
0xc5: {  	[tilespmem:$0xA0C0] =	vst v1  }
0xc6: {  	v1 =	vld.idx.msk [tilespmem:v0+s21+$0xFFFFFEE0 ss:$0x1], $0xffff;
	_ =	sdelay $0x5  }
0xc7: {  	[tilespmem:$0xA0D0] =	vst v1  }
0xc8: {  	v1 =	vld.idx.msk [tilespmem:v0+s21+$0xFFFFFEF0 ss:$0x1], $0xffff;
	_ =	sdelay $0x5  }
0xc9: {  	[tilespmem:$0xA0E0] =	vst v1  }
0xca: {  	v1 =	vld.idx.msk [tilespmem:v0+s21+$0xFFFFFF00 ss:$0x1], $0xffff;
	_ =	sdelay $0x5  }
0xcb: {  	[tilespmem:$0xA0F0] =	vst v1  }
0xcc: {  	[spmem:s3] =	stream.indirect.scatter.add.f32 [tilespmem:s11], [sflag:$0x1], $0x10, s15, s14, $0xb8;
	[tilespmem:$0xD980] =	vst v63  }
0xcd: {  	_ =	swait.ge [sflag:s18], $0x1000  }
0xce: {  	[sflag:s18] =	ssyncset.done $0x0  }
0xcf: {  	[sflag:s18] =	ssyncadd.s32 $0xFFFFF000  }
0xd0: {  	v1 =	vld.idx.msk [tilespmem:v0+s21+$0xFFFFFF10 ss:$0x1], $0xffff;
	_ =	sdelay $0x5  }
0xd1: {  	[tilespmem:$0xA100] =	vst v1  }
0xd2: {  	v1 =	vld.idx.msk [tilespmem:v0+s21+$0xFFFFFF20 ss:$0x1], $0xffff;
	_ =	sdelay $0x5  }
0xd3: {  	[tilespmem:$0xA110] =	vst v1  }
0xd4: {  	v1 =	vld.idx.msk [tilespmem:v0+s21+$0xFFFFFF30 ss:$0x1], $0xffff;
	_ =	sdelay $0x5  }
0xd5: {  	[tilespmem:$0xA120] =	vst v1  }
0xd6: {  	v1 =	vld.idx.msk [tilespmem:v0+s21+$0xFFFFFF40 ss:$0x1], $0xffff;
	_ =	sdelay $0x5  }
0xd7: {  	[tilespmem:$0xA130] =	vst v1  }
0xd8: {  	v1 =	vld.idx.msk [tilespmem:v0+s21+$0xFFFFFF50 ss:$0x1], $0xffff;
	_ =	sdelay $0x5  }
0xd9: {  	[tilespmem:$0xA140] =	vst v1  }
0xda: {  	v1 =	vld.idx.msk [tilespmem:v0+s21+$0xFFFFFF60 ss:$0x1], $0xffff;
	_ =	sdelay $0x5  }
0xdb: {  	[tilespmem:$0xA150] =	vst v1  }
0xdc: {  	v1 =	vld.idx.msk [tilespmem:v0+s21+$0xFFFFFF70 ss:$0x1], $0xffff;
	_ =	sdelay $0x5  }
0xdd: {  	[tilespmem:$0xA160] =	vst v1  }
0xde: {  	v1 =	vld.idx.msk [tilespmem:v0+s21+$0xFFFFFF80 ss:$0x1], $0xffff;
	_ =	sdelay $0x5  }
0xdf: {  	[tilespmem:$0xA170] =	vst v1  }
0xe0: {  	v1 =	vld.idx.msk [tilespmem:v0+s21+$0xFFFFFF90 ss:$0x1], $0xffff;
	_ =	sdelay $0x5  }
0xe1: {  	[tilespmem:$0xA180] =	vst v1  }
0xe2: {  	v1 =	vld.idx.msk [tilespmem:v0+s21+$0xFFFFFFA0 ss:$0x1], $0xffff;
	_ =	sdelay $0x5  }
0xe3: {  	[tilespmem:$0xA190] =	vst v1  }
0xe4: {  	v1 =	vld.idx.msk [tilespmem:v0+s21+$0xFFFFFFB0 ss:$0x1], $0xffff;
	_ =	sdelay $0x5  }
0xe5: {  	[tilespmem:$0xA1A0] =	vst v1  }
0xe6: {  	v1 =	vld.idx.msk [tilespmem:v0+s21+$0xFFFFFFC0 ss:$0x1], $0xffff;
	_ =	sdelay $0x5  }
0xe7: {  	[tilespmem:$0xA1B0] =	vst v1  }
0xe8: {  	v1 =	vld.idx.msk [tilespmem:v0+s21+$0xFFFFFFD0 ss:$0x1], $0xffff;
	_ =	sdelay $0x5  }
0xe9: {  	[tilespmem:$0xA1C0] =	vst v1  }
0xea: {  	v1 =	vld.idx.msk [tilespmem:v0+s21+$0xFFFFFFE0 ss:$0x1], $0xffff;
	_ =	sdelay $0x5  }
0xeb: {  	[tilespmem:$0xA1D0] =	vst v1  }
0xec: {  	v1 =	vld.idx.msk [tilespmem:v0+s21+$0xFFFFFFF0 ss:$0x1], $0xffff;
	_ =	sdelay $0x5  }
0xed: {  	[tilespmem:$0xA1E0] =	vst v1  }
0xee: {  	v1 =	vld.idx.msk [tilespmem:v0+s21+$0x0 ss:$0x1], $0xffff;
	_ =	sdelay $0x1  }
.Ltmp0:
0xef: {  	(pc) =	sbr.rel @p0 .LBB2_2-.Ltmp0, $2  }
0xf0: {  	_ =	sdelay $0x2  }
0xf1: {  	[tilespmem:$0xA1F0] =	vst v1  }
0xf2: {  	[spmem:s3] =	stream.indirect.scatter.add.f32 [tilespmem:s11], [sflag:$0x2], $0x10, s16, s14, $0xb8;
	[tilespmem:$0xD980] =	vst v63  }
0xf3: {  	_ =	swait.ge [sflag:s17], $0x1000  }
0xf4: {  	[sflag:s17] =	ssyncset.done $0x0  }
0xf5: {  	[sflag:s17] =	ssyncadd.s32 $0xFFFFF000  }
0xf6: {  	v1 =	vld [tilespmem:s7+$0x4E00];
	_ =	sdelay $0x4  }
0xf7: {  	[tilespmem:$0xA000] =	vst v1  }
0xf8: {  	v1 =	vld [tilespmem:s7+$0x4E10];
	_ =	sdelay $0x4  }
0xf9: {  	[tilespmem:$0xA010] =	vst v1  }
0xfa: {  	v1 =	vld [tilespmem:s7+$0x4E20];
	_ =	sdelay $0x4  }
0xfb: {  	[tilespmem:$0xA020] =	vst v1  }
0xfc: {  	v1 =	vld [tilespmem:s7+$0x4E30];
	_ =	sdelay $0x4  }
0xfd: {  	[tilespmem:$0xA030] =	vst v1  }
0xfe: {  	v1 =	vld [tilespmem:s7+$0x4E40];
	_ =	sdelay $0x4  }
0xff: {  	[tilespmem:$0xA040] =	vst v1  }
0x100: {  	v1 =	vld [tilespmem:s7+$0x4E50];
	_ =	sdelay $0x4  }
0x101: {  	[tilespmem:$0xA050] =	vst v1  }
0x102: {  	v1 =	vld [tilespmem:s7+$0x4E60];
	_ =	sdelay $0x4  }
0x103: {  	[tilespmem:$0xA060] =	vst v1  }
0x104: {  	v1 =	vld [tilespmem:s7+$0x4E70];
	_ =	sdelay $0x4  }
0x105: {  	[tilespmem:$0xA070] =	vst v1  }
0x106: {  	v1 =	vld [tilespmem:s7+$0x4E80];
	_ =	sdelay $0x4  }
0x107: {  	[tilespmem:$0xA080] =	vst v1  }
0x108: {  	v1 =	vld [tilespmem:s7+$0x4E90];
	_ =	sdelay $0x4  }
0x109: {  	[tilespmem:$0xA090] =	vst v1  }
0x10a: {  	v1 =	vld [tilespmem:s7+$0x4EA0];
	_ =	sdelay $0x4  }
0x10b: {  	[tilespmem:$0xA0A0] =	vst v1  }
0x10c: {  	v1 =	vld [tilespmem:s7+$0x4EB0];
	_ =	sdelay $0x4  }
0x10d: {  	[tilespmem:$0xA0B0] =	vst v1  }
0x10e: {  	v1 =	vld [tilespmem:s7+$0x4EC0];
	_ =	sdelay $0x4  }
0x10f: {  	[tilespmem:$0xA0C0] =	vst v1  }
0x110: {  	v1 =	vld [tilespmem:s7+$0x4ED0];
	_ =	sdelay $0x4  }
0x111: {  	[tilespmem:$0xA0D0] =	vst v1  }
0x112: {  	v1 =	vld [tilespmem:s7+$0x4EE0];
	_ =	sdelay $0x4  }
0x113: {  	[tilespmem:$0xA0E0] =	vst v1  }
0x114: {  	v1 =	vld [tilespmem:s7+$0x4EF0];
	_ =	sdelay $0x4  }
0x115: {  	[tilespmem:$0xA0F0] =	vst v1  }
0x116: {  	[spmem:s3] =	stream.indirect.scatter.add.f32 [tilespmem:s11], [sflag:$0x1], $0x10, s15, s14, $0xb8;
	[tilespmem:$0xD980] =	vst v63  }
0x117: {  	_ =	swait.ge [sflag:s17], $0x1000  }
0x118: {  	[sflag:s17] =	ssyncset.done $0x0  }
0x119: {  	[sflag:s17] =	ssyncadd.s32 $0xFFFFF000  }
0x11a: {  	_ =	swait.ge [sflag:s18], $0x1000  }
0x11b: {  	s19 =	sadd.s32 $0x1, s19;
	[sflag:s18] =	ssyncset.done $0x0  }
0x11c: {  	p0 =	sne.s32 s19, s9;
	[sflag:s18] =	ssyncadd.s32 $0xFFFFF000  }
.Ltmp1:
0x11d: {  	[bflag:$0x0] =	sbarrier.arrive $0xFFFF;
	(pc) =	sbr.rel @p0 .LBB2_1-.Ltmp1, $4  }
0x11e: {  	[hbm:s8], [sflag:s12] =	dma.local [spmem:s13], $0x4F0  }
0x11f: {  	_ =	swait.ge [sflag:s10], $0x4F0  }
0x120: {  	[sflag:s10] =	ssyncset.done $0x0  }
0x121: {  	[sflag:s10] =	ssyncadd.s32 $0xFFFFFB10  }
0x122: {  	_ =	sfence.sel $0x180000  }
0x123: {  	[bflag:$0x0] =	sbarrier.arrive $0xFFFF  }
0x124: {  	p0 =	sne.s32 s2, $0x0;
	_ =	strace $0x90000047  }
0x125: {  	s0 =	sadd.s32 @!p0 $0x100000, s0;
	[bflag:$0x2] =	sbarrier.arrive $0xFFFF  }
0x126: {  	[sflag:s0] =	ssyncadd.tile.s32 @!p0 $0x1;
	_ =	shalt  }
.Lfunc_end2:
_tile_overlayer_lowered:
.L_overlay_start_2:
0x127: {  	(tag) =	ssettag $0x2  }
0x128: {  	s0 =	rddreg [dreg:$0x0];
	s2 =	stileid.u32  }
0x129: {  	s1 =	rddreg [dreg:$0x1];
	p0 =	sne.s32 s2, $0x0  }
0x12a: {  	s3 =	rddreg [dreg:$0x2];
	[bflag:$0x3] =	sbarrier.arrive $0xFFFF;
	s2 =	simm.s32 @!p0 $0x1C03  }
0x12b: {  	[timem:s3], [sflag:s2] =	dma.local @!p0 [hbm:s0], s1  }
0x12c: {  	s0 =	simm.s32 @!p0 $0x3  }
0x12d: {  	_ =	swait.ge @!p0 [sflag:s0], s1  }
0x12e: {  	s1 =	ssub.s32 @!p0 $0x0, s1;
	[sflag:s0] =	ssyncset.done @!p0 $0x0  }
0x12f: {  	[sflag:s0] =	ssyncadd.s32 @!p0 s1  }
0x130: {  	[bflag:$0x3] =	sbarrier.arrive $0xFFFF  }
0x131: {  	_ =	shalt  }

// kernel: kernel.13.cloned.1.call-start
scs
__scs_entry_jumppad:
0x0: {  	(pc) =	sbr.rel $0x88, $3  }
0x1: {  	(tag) =	ssettag $0x0;
	lr =	simm.s32 $0x1  }
0x2: {  	[smem:$0x3F92] =	sst lr;
	_ =	strace $0xD0000000  }
0x3: {  	_ = 	snop  }
0x4: {  	_ = 	snop  }
0x5: {  	_ = 	snop  }
0x6: {  	_ = 	snop  }
0x7: {  	_ = 	snop  }
__scs_overlays_trampoline_lowered:
0x8: {  	[smem:$0x3FA1] =	sst s0  }
0x9: {  	[smem:$0x3FA2] =	sst s1  }
0xa: {  	[smem:$0x3FA3] =	sst s2  }
0xb: {  	[smem:$0x3FA4] =	sst s3  }
0xc: {  	[smem:$0x3FA5] =	sst s4  }
0xd: {  	[smem:$0x3FA6] =	sst s5  }
0xe: {  	[smem:$0x3FA7] =	sst s6  }
0xf: {  	[smem:$0x3FA8] =	sst s7  }
0x10: {  	[smem:$0x3FA9] =	sst s8  }
0x11: {  	[smem:$0x3FAA] =	sst s9;
	s0 =	simm.s32 @!p0 $0x0  }
0x12: {  	s1 =	sld [smem:$0x3F90];
	s0 =	simm.s32 @p0 $0x1  }
0x13: {  	[smem:$0x3FAB] =	sst s0;
	s0 =	simm.s32 @!p1 $0x0  }
0x14: {  	s2 =	sld [smem:$0x3F8F];
	s0 =	simm.s32 @p1 $0x1  }
0x15: {  	[smem:$0x3FAC] =	sst s0;
	s0 =	simm.s32 @!p2 $0x0  }
0x16: {  	s3 =	sld [smem:$0x3FDB];
	s0 =	simm.s32 @p2 $0x1  }
0x17: {  	s4 =	simm.s32 $0x1BF5;
	[smem:$0x3FAE] =	sst s0  }
0x18: {  	s0 =	sld [smem:$0x3F91];
	_ =	swait.ge [sflag:s4], $0x0  }
0x19: {  	s7 =	sld [smem:$0x3F92]  }
0x1a: {  	s8 =	sadd.s32 $0xFFFFE003, lr  }
0x1b: {  	s9 =	sadd.s32 $0xFFFFFEF7, lr;
	s5 =	simm.s32 $0xFFFFFFFF;
	p2 =	slt.u32 s8, $0xFFFFF086  }
0x1c: {  	p1 =	slt.u32 s9, $0xF7A;
	s5 =	simm.s32 @!p2 $0x0  }
0x1d: {  	s5 =	simm.s32 @p1 $0x1;
	p0 =	seq.s32 s7, s2  }
0x1e: {  	s7 =	smul.u32 @!p0 $0xF7A, s2;
	p2 =	seq.s32 @!p0 s5, $0x0  }
0x1f: {  	s9 =	smul.u32 $0xF7A, s1;
	s8 =	simm.s32 @!p0 $0x1BF5;
	p2 =	por !p2, p0  }
0x20: {  	[sflag:s8] =	ssyncset.s32 @!p0 $0xFFFFF086;
	s6 =	sadd.s32 @!p0 s3, s7;
	s7 =	simm.s32 @!p0 $0x108  }
0x21: {  	s3 =	sadd.s32 s3, s9;
	s6 =	sadd.s32 @!p0 $0x88, s6;
	s7 =	simm.s32 @p2 $0x1082  }
0x22: {  	[simem:s7], [sflag:s8] =	dma.local @!p0 [hbm:s6], $0xF7A  }
0x23: {  	s9 =	sor.u32 $0xD0000000, s2;
	s6 =	simm.s32 $0x108;
	_ =	swait.ge @!p0 [sflag:s8], $0x0  }
0x24: {  	s3 =	sadd.s32 $0x88, s3;
	s6 =	simm.s32 @!p1 $0x1082;
	[sflag:s4] =	ssyncset.s32 $0xFFFFF086  }
0x25: {  	[simem:s6], [sflag:s4] =	dma.local [hbm:s3], $0xF7A  }
0x26: {  	[smem:$0x3F92] =	sst s1;
	(tag) =	ssettag s2;
	_ =	strace s9  }
0x27: {  	s1 =	sld [smem:$0x3FA2]  }
0x28: {  	s2 =	sld [smem:$0x3FA3]  }
0x29: {  	s4 =	sld [smem:$0x3FA5]  }
0x2a: {  	p0 =	seq.s32 s5, $0x0;
	s5 =	sld [smem:$0x3FA6]  }
0x2b: {  	s6 =	sld [smem:$0x3FA7]  }
0x2c: {  	s7 =	sld [smem:$0x3FA8]  }
0x2d: {  	s3 =	simm.s32 $0x108;
	s8 =	sld [smem:$0x3FA9]  }
0x2e: {  	s3 =	simm.s32 @!p0 $0x1082;
	s9 =	sld [smem:$0x3FAA]  }
0x2f: {  	lr =	sadd.s32 s0, s3;
	s0 =	sld [smem:$0x3FA1]  }
0x30: {  	s3 =	sld [smem:$0x3FA4]  }
0x31: {  	[smem:$0x3FAD] =	sst s10  }
0x32: {  	s10 =	sld [smem:$0x3FAB];
	_ =	sdelay $0x3  }
0x33: {  	p0 =	seq.s32 s10, $0x1;
	s10 =	sld [smem:$0x3FAD];
	_ =	sdelay $0x3  }
0x34: {  	[smem:$0x3FAD] =	sst s10  }
0x35: {  	s10 =	sld [smem:$0x3FAC];
	_ =	sdelay $0x3  }
0x36: {  	p1 =	seq.s32 s10, $0x1;
	s10 =	sld [smem:$0x3FAD];
	_ =	sdelay $0x3  }
0x37: {  	[smem:$0x3FAD] =	sst s10  }
0x38: {  	s10 =	sld [smem:$0x3FAE]  }
0x39: {  	_ = 	snop;
	(pc) =	sbr.ind lr, $3  }
0x3a: {  	_ = 	snop  }
0x3b: {  	_ = 	snop  }
0x3c: {  	p2 =	seq.s32 s10, $0x1;
	s10 =	sld [smem:$0x3FAD]  }
0x3d: {  	_ =	shalt  }
0x3e: {  	_ =	shalt  }
0x3f: {  	_ =	shalt  }
0x40: {  	_ =	shalt  }
0x41: {  	_ =	shalt  }
0x42: {  	_ =	shalt  }
0x43: {  	_ =	shalt  }
0x44: {  	_ =	shalt  }
0x45: {  	_ =	shalt  }
0x46: {  	_ =	shalt  }
0x47: {  	_ =	shalt  }
0x48: {  	_ =	shalt  }
0x49: {  	_ =	shalt  }
0x4a: {  	_ =	shalt  }
0x4b: {  	_ =	shalt  }
0x4c: {  	_ =	shalt  }
0x4d: {  	_ =	shalt  }
0x4e: {  	_ =	shalt  }
0x4f: {  	_ =	shalt  }
0x50: {  	_ =	shalt  }
0x51: {  	_ =	shalt  }
0x52: {  	_ =	shalt  }
0x53: {  	_ =	shalt  }
0x54: {  	_ =	shalt  }
0x55: {  	_ =	shalt  }
0x56: {  	_ =	shalt  }
0x57: {  	_ =	shalt  }
0x58: {  	_ =	shalt  }
0x59: {  	_ =	shalt  }
0x5a: {  	_ =	shalt  }
0x5b: {  	_ =	shalt  }
0x5c: {  	_ =	shalt  }
0x5d: {  	_ =	shalt  }
0x5e: {  	_ =	shalt  }
0x5f: {  	_ =	shalt  }
0x60: {  	_ =	shalt  }
0x61: {  	_ =	shalt  }
0x62: {  	_ =	shalt  }
0x63: {  	_ =	shalt  }
0x64: {  	_ =	shalt  }
0x65: {  	_ =	shalt  }
0x66: {  	_ =	shalt  }
0x67: {  	_ =	shalt  }
0x68: {  	_ =	shalt  }
0x69: {  	_ =	shalt  }
0x6a: {  	_ =	shalt  }
0x6b: {  	_ =	shalt  }
0x6c: {  	_ =	shalt  }
0x6d: {  	_ =	shalt  }
0x6e: {  	_ =	shalt  }
0x6f: {  	_ =	shalt  }
0x70: {  	_ =	shalt  }
0x71: {  	_ =	shalt  }
0x72: {  	_ =	shalt  }
0x73: {  	_ =	shalt  }
0x74: {  	_ =	shalt  }
0x75: {  	_ =	shalt  }
0x76: {  	_ =	shalt  }
0x77: {  	_ =	shalt  }
0x78: {  	_ =	shalt  }
0x79: {  	_ =	shalt  }
0x7a: {  	_ =	shalt  }
0x7b: {  	_ =	shalt  }
0x7c: {  	_ =	shalt  }
0x7d: {  	_ =	shalt  }
0x7e: {  	_ =	shalt  }
0x7f: {  	_ =	shalt  }
0x80: {  	_ =	shalt  }
0x81: {  	_ =	shalt  }
0x82: {  	_ =	shalt  }
0x83: {  	_ =	shalt  }
0x84: {  	_ =	shalt  }
0x85: {  	_ =	shalt  }
0x86: {  	_ =	shalt  }
0x87: {  	_ =	shalt  }
.Lfunc_end0:
.L_simem_size_0:
called_computation.1_lowered:
.L_overlay_start_0:
0x88: {  	s2 =	sld [smem:$0x3FD9]  }
0x89: {  	s3 =	sld [smem:$0x3FFE];
	_ =	sdelay $0x1  }
0x8a: {  	s1 =	srdreg.scid  }
0x8b: {  	s0 =	sand.u32 $0x1, s1  }
0x8c: {  	s14 =	sshll.u32 s0, $0xA;
	s2 =	sadd.s32 s3, s2  }
0x8d: {  	s2 =	sadd.s32 s2, s14  }
0x8e: {  	[smem:$0x3FB9] =	sst s2  }
0x8f: {  	_ = 	snop  }
0x90: {  	s2 =	sld [smem:$0x3FD0];
	_ =	sdelay $0x2  }
0x91: {  	s15 =	simm.s32 $0xA;
	s4 =	simm.s32 $0x10  }
0x92: {  	[smem:s4], [sflag:s15] =	dma.local [hbm:s2], $0x1  }
0x93: {  	_ =	swait.eq [sflag:s15], $0x1  }
0x94: {  	[sflag:s15] =	ssyncset.done $0x0  }
0x95: {  	s16 =	sld [smem:$0x12];
	[sflag:s15] =	ssyncadd.s32 $0xFFFFFFFF  }
0x96: {  	s17 =	sld [smem:$0x13];
	(tm) =	ssettm $0x1  }
0x97: {  	s18 =	sld [smem:$0x3FFB];
	_ =	sdelay $0x3  }
0x98: {  	_ =	strace s18  }
0x99: {  	s4 =	sld [smem:$0x3FFC];
	_ =	sdelay $0x3  }
0x9a: {  	_ =	strace s4  }
0x9b: {  	s4 =	sld [smem:$0x3FFD];
	_ =	sdelay $0x3  }
0x9c: {  	_ =	strace s4  }
0x9d: {  	_ =	strace $0x8FFFFFFF  }
0x9e: {  	s19 =	sld [smem:$0x3FDB];
	_ =	sdelay $0x1  }
0x9f: {  	s5 =	simm.s32 $_scs_section_size  }
0xa0: {  	s6 =	simm.s32 $_size__tile_overlayer_lowered;
	s7 =	simm.s32 $_tile_overlayer_lowered  }
0xa1: {  	s22 =	simm.s32 $0x1BFF;
	s21 =	sshll.u32 s7, $0x1;
	s4 =	sadd.s32 s5, s19  }
0xa2: {  	s8 =	simm.s32 $0x0;
	s20 =	sshll.u32 s6, $0x1;
	s6 =	sadd.s32 s21, s4  }
0xa3: {  	[timem:s8], [sflag:s22] =	dma.local [hbm:s6], s20  }
0xa4: {  	_ =	swait.ge [sflag:s22], s20  }
0xa5: {  	s5 =	ssub.s32 $0x0, s20;
	[sflag:s22] =	ssyncset.done $0x0  }
0xa6: {  	[sflag:s22] =	ssyncadd.s32 s5;
	_ =	sdelay $0x1  }
0xa7: {  	s23 =	simm.s32 $0x1B8B  }
0xa8: {  	_ =	swait.ge [sflag:s23], $0x1  }
0xa9: {  	[sflag:s23] =	ssyncset.done $0x0  }
0xaa: {  	s25 =	simm.s32 $0x1B8E;
	s24 =	sld [smem:$0x3FFE];
	[sflag:s23] =	ssyncadd.s32 $0xFFFFFFFF  }
0xab: {  	s26 =	simm.s32 $execute0_lowered;
	[smem:$0x3FD2] =	sst s25  }
0xac: {  	s6 =	sshll.u32 s26, $0x1;
	_ =	strace $0x80000049;
	[dreg:$0x1] =	wrdreg $0xFFFFFFFF  }
0xad: {  	s28 =	simm.s32 $_size_execute0_lowered;
	s4 =	sadd.s32 s4, s6;
	[dreg:$0x0] =	wrdreg $0x0  }
0xae: {  	s6 =	sshll.u32 s28, $0x1;
	[dreg:$0x2] =	wrdreg s4  }
0xaf: {  	[dreg:$0x3] =	wrdreg s6  }
0xb0: {  	[dreg:$0x4] =	wrdreg $0xC0  }
0xb1: {  	_ =	task [dreg:s8], $0x5FFFF  }
0xb2: {  	[dreg:$0x1] =	wrdreg $0xFFFFFFFF  }
0xb3: {  	[dreg:$0x0] =	wrdreg $0x60  }
0xb4: {  	[dreg:$0x2] =	wrdreg s16  }
0xb5: {  	[dreg:$0x3] =	wrdreg s24  }
0xb6: {  	[dreg:$0x4] =	wrdreg s17  }
0xb7: {  	[dreg:$0x5] =	wrdreg $0x160800  }
0xb8: {  	[dreg:$0x6] =	wrdreg $0x1AF800  }
0xb9: {  	[dreg:$0x7] =	wrdreg $0x9  }
0xba: {  	_ =	task.clear_ibuf [dreg:s8], $0x8FFFF;
	_ =	strace $0x90000049  }
0xbb: {  	s29 =	simm.s32 $0x9;
	_ =	strace $0x8000004B  }
0xbc: {  	_ =	swait.ge [sflag:s29], $0x1  }
0xbd: {  	[sflag:s29] =	ssyncadd.s32 $0xFFFFFFFF  }
0xbe: {  	_ =	strace $0x9000004B  }
0xbf: {  	_ =	sfence  }
0xc0: {  	s30 =	sld [smem:$0x0];
	_ =	sdelay $0x2  }
0xc1: {  	s31 =	sshll.u32 s1, $0xD;
	s1 =	sshrl.u32 s1, $0x2  }
0xc2: {  	s3 =	sand.u32 $0x4000, s31;
	s1 =	sadd.s32 s1, s30  }
0xc3: {  	s0 =	sor.u32 s3, s0;
	s1 =	sshll.u32 s1, $0x11  }
0xc4: {  	s0 =	sor.u32 s1, s0  }
0xc5: {  	s0 =	sadd.s32 $0x8F2B, s0  }
0xc6: {  	[sflag:s0] =	ssyncadd.remote.s32 $0x1  }
0xc7: {  	_ =	sfence.sel $0xFFFF  }
0xc8: {  	[dreg:$0x0] =	wrdreg $0xFFFFFFFF;
	(pc) =	sbr.abs _section_cstart, $3  }
0xc9: {  	[dreg:$0x1] =	wrdreg $0xFFFFFFFF  }
0xca: {  	_ =	task.clear_ibuf [dreg:s8], $0x2FFFF;
	_ =	strace $0x9FFFFFFF  }
0xcb: {  	(tm) =	ssettm $0x7FFFFFFF  }
tec
execute0_lowered:
.L_overlay_start_1:
0x0: {  	(tag) =	ssettag $0x1  }
0x1: {  	s5 =	rddreg [dreg:$0x0]  }
0x2: {  	s6 =	rddreg [dreg:$0x1]  }
0x3: {  	s8 =	rddreg [dreg:$0x2]  }
0x4: {  	s2 =	rddreg [dreg:$0x3]  }
0x5: {  	s3 =	rddreg [dreg:$0x4]  }
0x6: {  	s0 =	rddreg [dreg:$0x5]  }
0x7: {  	s1 =	stileid.u32;
	s9 =	srdreg.scid;
	s4 =	simm.s32 $0x0  }
0x8: {  	s18 =	simm.s32 $0x15080;
	s19 =	simm.s32 $0x1;
	s20 =	simm.s32 $0x14000  }
0x9: {  	s21 =	simm.s32 $0x2;
	s22 =	simm.s32 $0x0;
	s7 =	smul.u32 $0x1400, s1  }
0xa: {  	s10 =	smul.u32 $0x4F00, s1;
	s9 =	sand.u32 $0x1, s9;
	[smem:$0x7FF] =	sst s4  }
0xb: {  	s31 =	sshll.u32 s1, $0x6;
	s11 =	smul.u32 $0x4F000, s9;
	_ =	strace $0x8000004A  }
0xc: {  	s9 =	ssub.s32 $0x2, s9;
	s12 =	sadd.s32 s7, s6;
	s13 =	sshrl.u32 s10, $0x3  }
0xd: {  	s14 =	sshrl.u32 s9, $0x1;
	s5 =	sadd.s32 s5, s7;
	s16 =	sadd.s32 s10, s2  }
0xe: {  	s17 =	sadd.s32 s10, s3;
	s11 =	sadd.s32 s10, s11;
	s13 =	sadd.s32 s13, s6  }
0xf: {  	s14 =	ssub.s32 s9, s14;
	s11 =	sshrl.u32 s11, $0x3;
	s7 =	sadd.s32 $0x8D800, s13  }
0x10: {  	s10 =	smax.u32 s14, $0x1;
	s13 =	sor.u32 $0x1C03, s31;
	s14 =	sshrl.u32 s16, $0x3  }
0x11: {  	s16 =	simm.s32 $0x80;
	s15 =	sadd.s32 s11, s6;
	s6 =	sadd.s32 $0x3000, s12  }
0x12: {  	s8 =	sadd.s32 s8, s11;
	s11 =	simm.s32 $0x3;
	s12 =	simm.s32 $0xA000  }
0x13: {  	s9 =	sadd.s32 $0x97600, s15;
	s15 =	sshrl.u32 s17, $0x3;
	s17 =	simm.s32 $0x14080  }
.LBB2_1:
0x14: {  	[tilespmem:s4], [sflag:$0x3] =	stream.linear.gather [hbm4b:s5+s4], $0xA000, $0x38;
	[tilespmem:$0x1FE80] =	vst v63  }
0x15: {  	_ =	swait.ge [sflag:s11], $0xA000  }
0x16: {  	[sflag:s11] =	ssyncset.done $0x0  }
0x17: {  	[sflag:s11] =	ssyncadd.s32 $0xFFFF6000  }
0x18: {  	[tilespmem:s12], [sflag:$0x3] =	stream.linear.gather [hbm4b:s6+s4], $0xA000, $0x38;
	[tilespmem:$0x1FE80] =	vst v63  }
0x19: {  	_ =	swait.ge [sflag:s11], $0xA000  }
0x1a: {  	[sflag:s11] =	ssyncset.done $0x0  }
0x1b: {  	[sflag:s11] =	ssyncadd.s32 $0xFFFF6000  }
0x1c: {  	[spmem:s14], [sflag:s13] =	dma.local [hbm:s7], $0x9E0  }
0x1d: {  	_ =	swait.ge [sflag:s11], $0x9E0  }
0x1e: {  	[sflag:s11] =	ssyncset.done $0x0  }
0x1f: {  	[sflag:s11] =	ssyncadd.s32 $0xFFFFF620  }
0x20: {  	[spmem:s15], [sflag:s13] =	dma.local [hbm:s8], $0x9E0  }
0x21: {  	_ =	swait.ge [sflag:s11], $0x9E0  }
0x22: {  	[sflag:s11] =	ssyncset.done $0x0  }
0x23: {  	[sflag:s11] =	ssyncadd.s32 $0xFFFFF620  }
0x24: {  	[bflag:$0x0] =	sbarrier.arrive $0xFFFF  }
0x25: {  	[tilespmem:s17], [sflag:$0x1] =	stream.indirect.gather [spmem:s3], $0x20, s4, s16, $0xb8;
	[tilespmem:$0x1FE80] =	vst v63  }
0x26: {  	s23 =	simm.s32 $0x80  }
0x27: {  	[tilespmem:s18], [sflag:$0x2] =	stream.indirect.gather [spmem:s3], $0x20, s23, s16, $0xb8;
	[tilespmem:$0x1FE80] =	vst v63  }
0x28: {  	_ =	swait.ge [sflag:s19], $0x1000  }
0x29: {  	[sflag:s19] =	ssyncset.done $0x0  }
0x2a: {  	s31 =	simm.s32 $0x0;
	[sflag:s19] =	ssyncadd.s32 $0xFFFFF000  }
0x2b: {  	v0 =	vld [tilespmem:s31+$0xA000];
	_ =	sdelay $0x4  }
0x2c: {  	[tilespmem:$0x14000] =	vst v0  }
0x2d: {  	v0 =	vld [tilespmem:s31+$0xA010];
	_ =	sdelay $0x4  }
0x2e: {  	[tilespmem:$0x14010] =	vst v0  }
0x2f: {  	v0 =	vld [tilespmem:s31+$0xA020];
	_ =	sdelay $0x4  }
0x30: {  	[tilespmem:$0x14020] =	vst v0  }
0x31: {  	v0 =	vld [tilespmem:s31+$0xA030];
	_ =	sdelay $0x4  }
0x32: {  	[tilespmem:$0x14030] =	vst v0  }
0x33: {  	v0 =	vld [tilespmem:s31+$0xA040];
	_ =	sdelay $0x4  }
0x34: {  	[tilespmem:$0x14040] =	vst v0  }
0x35: {  	v0 =	vld [tilespmem:s31+$0xA050];
	_ =	sdelay $0x4  }
0x36: {  	[tilespmem:$0x14050] =	vst v0  }
0x37: {  	v0 =	vld [tilespmem:s31+$0xA060];
	_ =	sdelay $0x4  }
0x38: {  	[tilespmem:$0x14060] =	vst v0  }
0x39: {  	v0 =	vld [tilespmem:s31+$0xA070];
	_ =	sdelay $0x4  }
0x3a: {  	[tilespmem:$0x14070] =	vst v0  }
0x3b: {  	[spmem:s2] =	stream.indirect.scatter.add.f32 [tilespmem:s17], [sflag:$0x3], $0x20, s20, s16, $0xb8;
	[tilespmem:$0x1FE80] =	vst v63  }
0x3c: {  	_ =	swait.ge [sflag:s11], $0x1000  }
0x3d: {  	[sflag:s11] =	ssyncset.done $0x0  }
0x3e: {  	s24 =	simm.s32 $0x100;
	[sflag:s11] =	ssyncadd.s32 $0xFFFFF000  }
0x3f: {  	[tilespmem:s17], [sflag:$0x1] =	stream.indirect.gather [spmem:s3], $0x20, s24, s16, $0xb8;
	[tilespmem:$0x1FE80] =	vst v63  }
0x40: {  	_ =	swait.ge [sflag:s21], $0x1000  }
0x41: {  	[sflag:s21] =	ssyncset.done $0x0  }
0x42: {  	[sflag:s21] =	ssyncadd.s32 $0xFFFFF000  }
0x43: {  	v63 =	vld [tilespmem:s31+$0xA080];
	_ =	sdelay $0x4  }
0x44: {  	[tilespmem:$0x14000] =	vst v63  }
0x45: {  	v0 =	vld [tilespmem:s31+$0xA090];
	_ =	sdelay $0x4  }
0x46: {  	[tilespmem:$0x14010] =	vst v0  }
0x47: {  	v0 =	vld [tilespmem:s31+$0xA0A0];
	_ =	sdelay $0x4  }
0x48: {  	[tilespmem:$0x14020] =	vst v0  }
0x49: {  	v0 =	vld [tilespmem:s31+$0xA0B0];
	_ =	sdelay $0x4  }
0x4a: {  	[tilespmem:$0x14030] =	vst v0  }
0x4b: {  	v0 =	vld [tilespmem:s31+$0xA0C0];
	_ =	sdelay $0x4  }
0x4c: {  	[tilespmem:$0x14040] =	vst v0  }
0x4d: {  	v0 =	vld [tilespmem:s31+$0xA0D0];
	_ =	sdelay $0x4  }
0x4e: {  	[tilespmem:$0x14050] =	vst v0  }
0x4f: {  	v0 =	vld [tilespmem:s31+$0xA0E0];
	_ =	sdelay $0x4  }
0x50: {  	[tilespmem:$0x14060] =	vst v0  }
0x51: {  	v0 =	vld [tilespmem:s31+$0xA0F0];
	_ =	sdelay $0x4  }
0x52: {  	[tilespmem:$0x14070] =	vst v0  }
0x53: {  	[spmem:s2] =	stream.indirect.scatter.add.f32 [tilespmem:s18], [sflag:$0x3], $0x20, s20, s16, $0xb8;
	[tilespmem:$0x1FE80] =	vst v63  }
0x54: {  	_ =	swait.ge [sflag:s11], $0x1000  }
0x55: {  	s26 =	simm.s32 $0x800;
	s23 =	simm.s32 $0x100;
	[sflag:s11] =	ssyncset.done $0x0  }
.LBB2_2:
0x56: {  	s28 =	sadd.s32 $0x80, s23  }
0x57: {  	[sflag:s11] =	ssyncadd.s32 $0xFFFFF000;
	s25 =	smov.u32 s26;
	s24 =	sadd.s32 $0x400, s26  }
0x58: {  	[tilespmem:s18], [sflag:$0x2] =	stream.indirect.gather [spmem:s3], $0x20, s28, s16, $0xb8;
	[tilespmem:$0x1FE80] =	vst v63  }
0x59: {  	p0 =	sne.s32 s26, $0x27400;
	_ =	swait.ge [sflag:s19], $0x1000  }
0x5a: {  	[sflag:s19] =	ssyncset.done $0x0  }
0x5b: {  	[sflag:s19] =	ssyncadd.s32 $0xFFFFF000  }
0x5c: {  	v0 =	vld [tilespmem:s23+$0xA000];
	_ =	sdelay $0x4  }
0x5d: {  	[tilespmem:$0x14000] =	vst v0  }
0x5e: {  	v0 =	vld [tilespmem:s23+$0xA010];
	_ =	sdelay $0x4  }
0x5f: {  	[tilespmem:$0x14010] =	vst v0  }
0x60: {  	v0 =	vld [tilespmem:s23+$0xA020];
	_ =	sdelay $0x4  }
0x61: {  	[tilespmem:$0x14020] =	vst v0  }
0x62: {  	v0 =	vld [tilespmem:s23+$0xA030];
	_ =	sdelay $0x4  }
0x63: {  	[tilespmem:$0x14030] =	vst v0  }
0x64: {  	v0 =	vld [tilespmem:s23+$0xA040];
	_ =	sdelay $0x4  }
0x65: {  	[tilespmem:$0x14040] =	vst v0  }
0x66: {  	v0 =	vld [tilespmem:s23+$0xA050];
	_ =	sdelay $0x4  }
0x67: {  	[tilespmem:$0x14050] =	vst v0  }
0x68: {  	v0 =	vld [tilespmem:s23+$0xA060];
	_ =	sdelay $0x4  }
0x69: {  	[tilespmem:$0x14060] =	vst v0  }
0x6a: {  	v0 =	vld [tilespmem:s23+$0xA070];
	_ =	sdelay $0x4  }
0x6b: {  	[tilespmem:$0x14070] =	vst v0  }
0x6c: {  	[spmem:s2] =	stream.indirect.scatter.add.f32 [tilespmem:s17], [sflag:$0x3], $0x20, s20, s16, $0xb8;
	[tilespmem:$0x1FE80] =	vst v63  }
0x6d: {  	_ =	swait.ge [sflag:s11], $0x1000  }
0x6e: {  	[sflag:s11] =	ssyncset.done $0x0  }
0x6f: {  	s26 =	sadd.s32 $0x100, s23;
	[sflag:s11] =	ssyncadd.s32 $0xFFFFF000  }
0x70: {  	[tilespmem:s17], [sflag:$0x1] =	stream.indirect.gather [spmem:s3], $0x20, s26, s16, $0xb8;
	[tilespmem:$0x1FE80] =	vst v63  }
0x71: {  	_ =	swait.ge [sflag:s21], $0x1000  }
0x72: {  	[sflag:s21] =	ssyncset.done $0x0  }
0x73: {  	[sflag:s21] =	ssyncadd.s32 $0xFFFFF000  }
0x74: {  	v0 =	vld [tilespmem:s23+$0xA080];
	_ =	sdelay $0x4  }
0x75: {  	[tilespmem:$0x14000] =	vst v0  }
0x76: {  	v0 =	vld [tilespmem:s23+$0xA090];
	_ =	sdelay $0x4  }
0x77: {  	[tilespmem:$0x14010] =	vst v0  }
0x78: {  	v0 =	vld [tilespmem:s23+$0xA0A0];
	_ =	sdelay $0x4  }
0x79: {  	[tilespmem:$0x14020] =	vst v0  }
0x7a: {  	v0 =	vld [tilespmem:s23+$0xA0B0];
	_ =	sdelay $0x4  }
0x7b: {  	[tilespmem:$0x14030] =	vst v0  }
0x7c: {  	v0 =	vld [tilespmem:s23+$0xA0C0];
	_ =	sdelay $0x4  }
0x7d: {  	[tilespmem:$0x14040] =	vst v0  }
0x7e: {  	v0 =	vld [tilespmem:s23+$0xA0D0];
	_ =	sdelay $0x4  }
0x7f: {  	[tilespmem:$0x14050] =	vst v0  }
0x80: {  	v0 =	vld [tilespmem:s23+$0xA0E0];
	_ =	sdelay $0x4  }
0x81: {  	[tilespmem:$0x14060] =	vst v0  }
0x82: {  	v0 =	vld [tilespmem:s23+$0xA0F0];
	_ =	sdelay $0x3  }
.Ltmp0:
0x83: {  	(pc) =	sbr.rel @p0 .LBB2_2-.Ltmp0, $4  }
0x84: {  	[tilespmem:$0x14070] =	vst v0  }
0x85: {  	[spmem:s2] =	stream.indirect.scatter.add.f32 [tilespmem:s18], [sflag:$0x3], $0x20, s20, s16, $0xb8;
	[tilespmem:$0x1FE80] =	vst v63  }
0x86: {  	_ =	swait.ge [sflag:s11], $0x1000  }
0x87: {  	s26 =	smov.u32 s24;
	s23 =	sshra.s32 s25, $0x2;
	[sflag:s11] =	ssyncset.done $0x0  }
0x88: {  	s24 =	sadd.s32 $0x80, s23;
	[sflag:s11] =	ssyncadd.s32 $0xFFFFF000  }
0x89: {  	[tilespmem:s18], [sflag:$0x2] =	stream.indirect.gather [spmem:s3], $0x20, s24, s16, $0xb8;
	[tilespmem:$0x1FE80] =	vst v63  }
0x8a: {  	_ =	swait.ge [sflag:s19], $0x1000  }
0x8b: {  	[sflag:s19] =	ssyncset.done $0x0  }
0x8c: {  	[sflag:s19] =	ssyncadd.s32 $0xFFFFF000  }
0x8d: {  	v0 =	vld [tilespmem:s23+$0xA000];
	_ =	sdelay $0x4  }
0x8e: {  	[tilespmem:$0x14000] =	vst v0  }
0x8f: {  	v0 =	vld [tilespmem:s23+$0xA010];
	_ =	sdelay $0x4  }
0x90: {  	[tilespmem:$0x14010] =	vst v0  }
0x91: {  	v0 =	vld [tilespmem:s23+$0xA020];
	_ =	sdelay $0x4  }
0x92: {  	[tilespmem:$0x14020] =	vst v0  }
0x93: {  	v0 =	vld [tilespmem:s23+$0xA030];
	_ =	sdelay $0x4  }
0x94: {  	[tilespmem:$0x14030] =	vst v0  }
0x95: {  	v0 =	vld [tilespmem:s23+$0xA040];
	_ =	sdelay $0x4  }
0x96: {  	[tilespmem:$0x14040] =	vst v0  }
0x97: {  	v0 =	vld [tilespmem:s23+$0xA050];
	_ =	sdelay $0x4  }
0x98: {  	[tilespmem:$0x14050] =	vst v0  }
0x99: {  	v0 =	vld [tilespmem:s23+$0xA060];
	_ =	sdelay $0x4  }
0x9a: {  	[tilespmem:$0x14060] =	vst v0  }
0x9b: {  	v0 =	vld [tilespmem:s23+$0xA070];
	_ =	sdelay $0x4  }
0x9c: {  	[tilespmem:$0x14070] =	vst v0  }
0x9d: {  	[spmem:s2] =	stream.indirect.scatter.add.f32 [tilespmem:s17], [sflag:$0x3], $0x20, s20, s16, $0xb8;
	[tilespmem:$0x1FE80] =	vst v63  }
0x9e: {  	_ =	swait.ge [sflag:s11], $0x1000  }
0x9f: {  	[sflag:s11] =	ssyncset.done $0x0  }
0xa0: {  	s31 =	sadd.s32 $0x100, s23;
	[sflag:s11] =	ssyncadd.s32 $0xFFFFF000  }
0xa1: {  	[tilespmem:s17], [sflag:$0x1] =	stream.indirect.gather [spmem:s3], $0x20, s31, s16, $0xb8;
	[tilespmem:$0x1FE80] =	vst v63  }
0xa2: {  	_ =	swait.ge [sflag:s21], $0x1000  }
0xa3: {  	[sflag:s21] =	ssyncset.done $0x0  }
0xa4: {  	[sflag:s21] =	ssyncadd.s32 $0xFFFFF000  }
0xa5: {  	v63 =	vld [tilespmem:s23+$0xA080];
	_ =	sdelay $0x4  }
0xa6: {  	[tilespmem:$0x14000] =	vst v63  }
0xa7: {  	v0 =	vld [tilespmem:s23+$0xA090];
	_ =	sdelay $0x4  }
0xa8: {  	[tilespmem:$0x14010] =	vst v0  }
0xa9: {  	v0 =	vld [tilespmem:s23+$0xA0A0];
	_ =	sdelay $0x4  }
0xaa: {  	[tilespmem:$0x14020] =	vst v0  }
0xab: {  	v0 =	vld [tilespmem:s23+$0xA0B0];
	_ =	sdelay $0x4  }
0xac: {  	[tilespmem:$0x14030] =	vst v0  }
0xad: {  	v0 =	vld [tilespmem:s23+$0xA0C0];
	_ =	sdelay $0x4  }
0xae: {  	[tilespmem:$0x14040] =	vst v0  }
0xaf: {  	v0 =	vld [tilespmem:s23+$0xA0D0];
	_ =	sdelay $0x4  }
0xb0: {  	[tilespmem:$0x14050] =	vst v0  }
0xb1: {  	v0 =	vld [tilespmem:s23+$0xA0E0];
	_ =	sdelay $0x4  }
0xb2: {  	[tilespmem:$0x14060] =	vst v0  }
0xb3: {  	v0 =	vld [tilespmem:s23+$0xA0F0];
	_ =	sdelay $0x4  }
0xb4: {  	[tilespmem:$0x14070] =	vst v0  }
0xb5: {  	[spmem:s2] =	stream.indirect.scatter.add.f32 [tilespmem:s18], [sflag:$0x3], $0x20, s20, s16, $0xb8;
	[tilespmem:$0x1FE80] =	vst v63  }
0xb6: {  	_ =	swait.ge [sflag:s11], $0x1000  }
0xb7: {  	[sflag:s11] =	ssyncset.done $0x0  }
0xb8: {  	[sflag:s11] =	ssyncadd.s32 $0xFFFFF000  }
0xb9: {  	_ =	swait.ge [sflag:s19], $0x1000  }
0xba: {  	s22 =	sadd.s32 $0x1, s22;
	[sflag:s19] =	ssyncset.done $0x0  }
0xbb: {  	p0 =	sne.s32 s22, s10;
	[sflag:s19] =	ssyncadd.s32 $0xFFFFF000  }
.Ltmp1:
0xbc: {  	[bflag:$0x0] =	sbarrier.arrive $0xFFFF;
	(pc) =	sbr.rel @p0 .LBB2_1-.Ltmp1, $4  }
0xbd: {  	[hbm:s9], [sflag:s13] =	dma.local [spmem:s14], $0x9E0  }
0xbe: {  	_ =	swait.ge [sflag:s11], $0x9E0  }
0xbf: {  	[sflag:s11] =	ssyncset.done $0x0  }
0xc0: {  	[sflag:s11] =	ssyncadd.s32 $0xFFFFF620  }
0xc1: {  	_ =	sfence.sel $0x180000  }
0xc2: {  	[bflag:$0x0] =	sbarrier.arrive $0xFFFF  }
0xc3: {  	p0 =	sne.s32 s1, $0x0;
	_ =	strace $0x9000004A  }
0xc4: {  	s0 =	sadd.s32 @!p0 $0x100000, s0;
	[bflag:$0x2] =	sbarrier.arrive $0xFFFF  }
0xc5: {  	[sflag:s0] =	ssyncadd.tile.s32 @!p0 $0x1;
	_ =	shalt  }
.Lfunc_end2:
_tile_overlayer_lowered:
.L_overlay_start_2:
0xc6: {  	(tag) =	ssettag $0x2  }
0xc7: {  	s0 =	rddreg [dreg:$0x0];
	s2 =	stileid.u32  }
0xc8: {  	s1 =	rddreg [dreg:$0x1];
	p0 =	sne.s32 s2, $0x0  }
0xc9: {  	s3 =	rddreg [dreg:$0x2];
	[bflag:$0x3] =	sbarrier.arrive $0xFFFF;
	s2 =	simm.s32 @!p0 $0x1C03  }
0xca: {  	[timem:s3], [sflag:s2] =	dma.local @!p0 [hbm:s0], s1  }
0xcb: {  	s0 =	simm.s32 @!p0 $0x3  }
0xcc: {  	_ =	swait.ge @!p0 [sflag:s0], s1  }
0xcd: {  	s1 =	ssub.s32 @!p0 $0x0, s1;
	[sflag:s0] =	ssyncset.done @!p0 $0x0  }
0xce: {  	[sflag:s0] =	ssyncadd.s32 @!p0 s1  }
0xcf: {  	[bflag:$0x3] =	sbarrier.arrive $0xFFFF  }
0xd0: {  	_ =	shalt  }

// kernel: kernel.16.cloned.1.call-start
scs
__scs_entry_jumppad:
0x0: {  	(pc) =	sbr.rel $0x88, $3  }
0x1: {  	(tag) =	ssettag $0x0;
	lr =	simm.s32 $0x1  }
0x2: {  	[smem:$0x3F92] =	sst lr;
	_ =	strace $0xD0000000  }
0x3: {  	_ = 	snop  }
0x4: {  	_ = 	snop  }
0x5: {  	_ = 	snop  }
0x6: {  	_ = 	snop  }
0x7: {  	_ = 	snop  }
__scs_overlays_trampoline_lowered:
0x8: {  	[smem:$0x3FA1] =	sst s0  }
0x9: {  	[smem:$0x3FA2] =	sst s1  }
0xa: {  	[smem:$0x3FA3] =	sst s2  }
0xb: {  	[smem:$0x3FA4] =	sst s3  }
0xc: {  	[smem:$0x3FA5] =	sst s4  }
0xd: {  	[smem:$0x3FA6] =	sst s5  }
0xe: {  	[smem:$0x3FA7] =	sst s6  }
0xf: {  	[smem:$0x3FA8] =	sst s7  }
0x10: {  	[smem:$0x3FA9] =	sst s8  }
0x11: {  	[smem:$0x3FAA] =	sst s9;
	s0 =	simm.s32 @!p0 $0x0  }
0x12: {  	s1 =	sld [smem:$0x3F90];
	s0 =	simm.s32 @p0 $0x1  }
0x13: {  	[smem:$0x3FAB] =	sst s0;
	s0 =	simm.s32 @!p1 $0x0  }
0x14: {  	s2 =	sld [smem:$0x3F8F];
	s0 =	simm.s32 @p1 $0x1  }
0x15: {  	[smem:$0x3FAC] =	sst s0;
	s0 =	simm.s32 @!p2 $0x0  }
0x16: {  	s3 =	sld [smem:$0x3FDB];
	s0 =	simm.s32 @p2 $0x1  }
0x17: {  	s4 =	simm.s32 $0x1BF5;
	[smem:$0x3FAE] =	sst s0  }
0x18: {  	s0 =	sld [smem:$0x3F91];
	_ =	swait.ge [sflag:s4], $0x0  }
0x19: {  	s7 =	sld [smem:$0x3F92]  }
0x1a: {  	s8 =	sadd.s32 $0xFFFFE003, lr  }
0x1b: {  	s9 =	sadd.s32 $0xFFFFFEF7, lr;
	s5 =	simm.s32 $0xFFFFFFFF;
	p2 =	slt.u32 s8, $0xFFFFF086  }
0x1c: {  	p1 =	slt.u32 s9, $0xF7A;
	s5 =	simm.s32 @!p2 $0x0  }
0x1d: {  	s5 =	simm.s32 @p1 $0x1;
	p0 =	seq.s32 s7, s2  }
0x1e: {  	s7 =	smul.u32 @!p0 $0xF7A, s2;
	p2 =	seq.s32 @!p0 s5, $0x0  }
0x1f: {  	s9 =	smul.u32 $0xF7A, s1;
	s8 =	simm.s32 @!p0 $0x1BF5;
	p2 =	por !p2, p0  }
0x20: {  	[sflag:s8] =	ssyncset.s32 @!p0 $0xFFFFF086;
	s6 =	sadd.s32 @!p0 s3, s7;
	s7 =	simm.s32 @!p0 $0x108  }
0x21: {  	s3 =	sadd.s32 s3, s9;
	s6 =	sadd.s32 @!p0 $0x88, s6;
	s7 =	simm.s32 @p2 $0x1082  }
0x22: {  	[simem:s7], [sflag:s8] =	dma.local @!p0 [hbm:s6], $0xF7A  }
0x23: {  	s9 =	sor.u32 $0xD0000000, s2;
	s6 =	simm.s32 $0x108;
	_ =	swait.ge @!p0 [sflag:s8], $0x0  }
0x24: {  	s3 =	sadd.s32 $0x88, s3;
	s6 =	simm.s32 @!p1 $0x1082;
	[sflag:s4] =	ssyncset.s32 $0xFFFFF086  }
0x25: {  	[simem:s6], [sflag:s4] =	dma.local [hbm:s3], $0xF7A  }
0x26: {  	[smem:$0x3F92] =	sst s1;
	(tag) =	ssettag s2;
	_ =	strace s9  }
0x27: {  	s1 =	sld [smem:$0x3FA2]  }
0x28: {  	s2 =	sld [smem:$0x3FA3]  }
0x29: {  	s4 =	sld [smem:$0x3FA5]  }
0x2a: {  	p0 =	seq.s32 s5, $0x0;
	s5 =	sld [smem:$0x3FA6]  }
0x2b: {  	s6 =	sld [smem:$0x3FA7]  }
0x2c: {  	s7 =	sld [smem:$0x3FA8]  }
0x2d: {  	s3 =	simm.s32 $0x108;
	s8 =	sld [smem:$0x3FA9]  }
0x2e: {  	s3 =	simm.s32 @!p0 $0x1082;
	s9 =	sld [smem:$0x3FAA]  }
0x2f: {  	lr =	sadd.s32 s0, s3;
	s0 =	sld [smem:$0x3FA1]  }
0x30: {  	s3 =	sld [smem:$0x3FA4]  }
0x31: {  	[smem:$0x3FAD] =	sst s10  }
0x32: {  	s10 =	sld [smem:$0x3FAB];
	_ =	sdelay $0x3  }
0x33: {  	p0 =	seq.s32 s10, $0x1;
	s10 =	sld [smem:$0x3FAD];
	_ =	sdelay $0x3  }
0x34: {  	[smem:$0x3FAD] =	sst s10  }
0x35: {  	s10 =	sld [smem:$0x3FAC];
	_ =	sdelay $0x3  }
0x36: {  	p1 =	seq.s32 s10, $0x1;
	s10 =	sld [smem:$0x3FAD];
	_ =	sdelay $0x3  }
0x37: {  	[smem:$0x3FAD] =	sst s10  }
0x38: {  	s10 =	sld [smem:$0x3FAE]  }
0x39: {  	_ = 	snop;
	(pc) =	sbr.ind lr, $3  }
0x3a: {  	_ = 	snop  }
0x3b: {  	_ = 	snop  }
0x3c: {  	p2 =	seq.s32 s10, $0x1;
	s10 =	sld [smem:$0x3FAD]  }
0x3d: {  	_ =	shalt  }
0x3e: {  	_ =	shalt  }
0x3f: {  	_ =	shalt  }
0x40: {  	_ =	shalt  }
0x41: {  	_ =	shalt  }
0x42: {  	_ =	shalt  }
0x43: {  	_ =	shalt  }
0x44: {  	_ =	shalt  }
0x45: {  	_ =	shalt  }
0x46: {  	_ =	shalt  }
0x47: {  	_ =	shalt  }
0x48: {  	_ =	shalt  }
0x49: {  	_ =	shalt  }
0x4a: {  	_ =	shalt  }
0x4b: {  	_ =	shalt  }
0x4c: {  	_ =	shalt  }
0x4d: {  	_ =	shalt  }
0x4e: {  	_ =	shalt  }
0x4f: {  	_ =	shalt  }
0x50: {  	_ =	shalt  }
0x51: {  	_ =	shalt  }
0x52: {  	_ =	shalt  }
0x53: {  	_ =	shalt  }
0x54: {  	_ =	shalt  }
0x55: {  	_ =	shalt  }
0x56: {  	_ =	shalt  }
0x57: {  	_ =	shalt  }
0x58: {  	_ =	shalt  }
0x59: {  	_ =	shalt  }
0x5a: {  	_ =	shalt  }
0x5b: {  	_ =	shalt  }
0x5c: {  	_ =	shalt  }
0x5d: {  	_ =	shalt  }
0x5e: {  	_ =	shalt  }
0x5f: {  	_ =	shalt  }
0x60: {  	_ =	shalt  }
0x61: {  	_ =	shalt  }
0x62: {  	_ =	shalt  }
0x63: {  	_ =	shalt  }
0x64: {  	_ =	shalt  }
0x65: {  	_ =	shalt  }
0x66: {  	_ =	shalt  }
0x67: {  	_ =	shalt  }
0x68: {  	_ =	shalt  }
0x69: {  	_ =	shalt  }
0x6a: {  	_ =	shalt  }
0x6b: {  	_ =	shalt  }
0x6c: {  	_ =	shalt  }
0x6d: {  	_ =	shalt  }
0x6e: {  	_ =	shalt  }
0x6f: {  	_ =	shalt  }
0x70: {  	_ =	shalt  }
0x71: {  	_ =	shalt  }
0x72: {  	_ =	shalt  }
0x73: {  	_ =	shalt  }
0x74: {  	_ =	shalt  }
0x75: {  	_ =	shalt  }
0x76: {  	_ =	shalt  }
0x77: {  	_ =	shalt  }
0x78: {  	_ =	shalt  }
0x79: {  	_ =	shalt  }
0x7a: {  	_ =	shalt  }
0x7b: {  	_ =	shalt  }
0x7c: {  	_ =	shalt  }
0x7d: {  	_ =	shalt  }
0x7e: {  	_ =	shalt  }
0x7f: {  	_ =	shalt  }
0x80: {  	_ =	shalt  }
0x81: {  	_ =	shalt  }
0x82: {  	_ =	shalt  }
0x83: {  	_ =	shalt  }
0x84: {  	_ =	shalt  }
0x85: {  	_ =	shalt  }
0x86: {  	_ =	shalt  }
0x87: {  	_ =	shalt  }
.Lfunc_end0:
.L_simem_size_0:
called_computation.2_lowered:
.L_overlay_start_0:
0x88: {  	s2 =	sld [smem:$0x3FD9]  }
0x89: {  	s3 =	sld [smem:$0x3FFE];
	_ =	sdelay $0x1  }
0x8a: {  	s1 =	srdreg.scid  }
0x8b: {  	s0 =	sand.u32 $0x1, s1  }
0x8c: {  	s14 =	sshll.u32 s0, $0xA;
	s2 =	sadd.s32 s3, s2  }
0x8d: {  	s2 =	sadd.s32 s2, s14  }
0x8e: {  	[smem:$0x3FB9] =	sst s2  }
0x8f: {  	_ = 	snop  }
0x90: {  	s2 =	sld [smem:$0x3FD0];
	_ =	sdelay $0x2  }
0x91: {  	s15 =	simm.s32 $0xA;
	s4 =	simm.s32 $0x10  }
0x92: {  	[smem:s4], [sflag:s15] =	dma.local [hbm:s2], $0x1  }
0x93: {  	_ =	swait.eq [sflag:s15], $0x1  }
0x94: {  	[sflag:s15] =	ssyncset.done $0x0  }
0x95: {  	s16 =	sld [smem:$0x12];
	[sflag:s15] =	ssyncadd.s32 $0xFFFFFFFF  }
0x96: {  	s17 =	sld [smem:$0x13];
	(tm) =	ssettm $0x1  }
0x97: {  	s18 =	sld [smem:$0x3FFB];
	_ =	sdelay $0x3  }
0x98: {  	_ =	strace s18  }
0x99: {  	s4 =	sld [smem:$0x3FFC];
	_ =	sdelay $0x3  }
0x9a: {  	_ =	strace s4  }
0x9b: {  	s4 =	sld [smem:$0x3FFD];
	_ =	sdelay $0x3  }
0x9c: {  	_ =	strace s4  }
0x9d: {  	_ =	strace $0x8FFFFFFF  }
0x9e: {  	s19 =	sld [smem:$0x3FDB];
	_ =	sdelay $0x1  }
0x9f: {  	s5 =	simm.s32 $_scs_section_size  }
0xa0: {  	s6 =	simm.s32 $_size__tile_overlayer_lowered;
	s7 =	simm.s32 $_tile_overlayer_lowered  }
0xa1: {  	s22 =	simm.s32 $0x1BFF;
	s21 =	sshll.u32 s7, $0x1;
	s4 =	sadd.s32 s5, s19  }
0xa2: {  	s8 =	simm.s32 $0x0;
	s20 =	sshll.u32 s6, $0x1;
	s6 =	sadd.s32 s21, s4  }
0xa3: {  	[timem:s8], [sflag:s22] =	dma.local [hbm:s6], s20  }
0xa4: {  	_ =	swait.ge [sflag:s22], s20  }
0xa5: {  	s5 =	ssub.s32 $0x0, s20;
	[sflag:s22] =	ssyncset.done $0x0  }
0xa6: {  	[sflag:s22] =	ssyncadd.s32 s5;
	_ =	sdelay $0x1  }
0xa7: {  	s23 =	simm.s32 $0x1B8B  }
0xa8: {  	_ =	swait.ge [sflag:s23], $0x1  }
0xa9: {  	[sflag:s23] =	ssyncset.done $0x0  }
0xaa: {  	s25 =	simm.s32 $0x1B8E;
	s24 =	sld [smem:$0x3FFE];
	[sflag:s23] =	ssyncadd.s32 $0xFFFFFFFF  }
0xab: {  	s26 =	simm.s32 $execute0_lowered;
	[smem:$0x3FD2] =	sst s25  }
0xac: {  	s6 =	sshll.u32 s26, $0x1;
	_ =	strace $0x8000004C;
	[dreg:$0x1] =	wrdreg $0xFFFFFFFF  }
0xad: {  	s28 =	simm.s32 $_size_execute0_lowered;
	s4 =	sadd.s32 s4, s6;
	[dreg:$0x0] =	wrdreg $0x0  }
0xae: {  	s6 =	sshll.u32 s28, $0x1;
	[dreg:$0x2] =	wrdreg s4  }
0xaf: {  	[dreg:$0x3] =	wrdreg s6  }
0xb0: {  	[dreg:$0x4] =	wrdreg $0xC0  }
0xb1: {  	_ =	task [dreg:s8], $0x5FFFF  }
0xb2: {  	[dreg:$0x1] =	wrdreg $0xFFFFFFFF  }
0xb3: {  	[dreg:$0x0] =	wrdreg $0x60  }
0xb4: {  	[dreg:$0x2] =	wrdreg s16  }
0xb5: {  	[dreg:$0x3] =	wrdreg s24  }
0xb6: {  	[dreg:$0x4] =	wrdreg s17  }
0xb7: {  	[dreg:$0x5] =	wrdreg $0x160800  }
0xb8: {  	[dreg:$0x6] =	wrdreg $0x1AF800  }
0xb9: {  	[dreg:$0x7] =	wrdreg $0x9  }
0xba: {  	_ =	task.clear_ibuf [dreg:s8], $0x8FFFF;
	_ =	strace $0x9000004C  }
0xbb: {  	s29 =	simm.s32 $0x9;
	_ =	strace $0x8000004E  }
0xbc: {  	_ =	swait.ge [sflag:s29], $0x1  }
0xbd: {  	[sflag:s29] =	ssyncadd.s32 $0xFFFFFFFF  }
0xbe: {  	_ =	strace $0x9000004E  }
0xbf: {  	_ =	sfence  }
0xc0: {  	s30 =	sld [smem:$0x0];
	_ =	sdelay $0x2  }
0xc1: {  	s31 =	sshll.u32 s1, $0xD;
	s1 =	sshrl.u32 s1, $0x2  }
0xc2: {  	s3 =	sand.u32 $0x4000, s31;
	s1 =	sadd.s32 s1, s30  }
0xc3: {  	s0 =	sor.u32 s3, s0;
	s1 =	sshll.u32 s1, $0x11  }
0xc4: {  	s0 =	sor.u32 s1, s0  }
0xc5: {  	s0 =	sadd.s32 $0x8F2B, s0  }
0xc6: {  	[sflag:s0] =	ssyncadd.remote.s32 $0x1  }
0xc7: {  	_ =	sfence.sel $0xFFFF  }
0xc8: {  	[dreg:$0x0] =	wrdreg $0xFFFFFFFF;
	(pc) =	sbr.abs _section_cstart, $3  }
0xc9: {  	[dreg:$0x1] =	wrdreg $0xFFFFFFFF  }
0xca: {  	_ =	task.clear_ibuf [dreg:s8], $0x2FFFF;
	_ =	strace $0x9FFFFFFF  }
0xcb: {  	(tm) =	ssettm $0x7FFFFFFF  }
tec
execute0_lowered:
.L_overlay_start_1:
0x0: {  	(tag) =	ssettag $0x1  }
0x1: {  	s5 =	rddreg [dreg:$0x0]  }
0x2: {  	s6 =	rddreg [dreg:$0x1]  }
0x3: {  	s8 =	rddreg [dreg:$0x2]  }
0x4: {  	s2 =	rddreg [dreg:$0x3]  }
0x5: {  	s3 =	rddreg [dreg:$0x4]  }
0x6: {  	s0 =	rddreg [dreg:$0x5]  }
0x7: {  	s1 =	stileid.u32;
	s9 =	srdreg.scid;
	s4 =	simm.s32 $0x0  }
0x8: {  	s18 =	simm.s32 $0x15080;
	s19 =	simm.s32 $0x1;
	s20 =	simm.s32 $0x14000  }
0x9: {  	s21 =	simm.s32 $0x2;
	s22 =	simm.s32 $0x0;
	s7 =	smul.u32 $0x1400, s1  }
0xa: {  	s10 =	smul.u32 $0x4F00, s1;
	s9 =	sand.u32 $0x1, s9;
	[smem:$0x7FF] =	sst s4  }
0xb: {  	s31 =	sshll.u32 s1, $0x6;
	s11 =	smul.u32 $0x4F000, s9;
	_ =	strace $0x8000004D  }
0xc: {  	s9 =	ssub.s32 $0x2, s9;
	s12 =	sadd.s32 s7, s6;
	s13 =	sshrl.u32 s10, $0x3  }
0xd: {  	s14 =	sshrl.u32 s9, $0x1;
	s5 =	sadd.s32 s5, s7;
	s16 =	sadd.s32 s10, s2  }
0xe: {  	s17 =	sadd.s32 s10, s3;
	s11 =	sadd.s32 s10, s11;
	s13 =	sadd.s32 s13, s6  }
0xf: {  	s14 =	ssub.s32 s9, s14;
	s11 =	sshrl.u32 s11, $0x3;
	s7 =	sadd.s32 $0x8D800, s13  }
0x10: {  	s10 =	smax.u32 s14, $0x1;
	s13 =	sor.u32 $0x1C03, s31;
	s14 =	sshrl.u32 s16, $0x3  }
0x11: {  	s16 =	simm.s32 $0x80;
	s15 =	sadd.s32 s11, s6;
	s6 =	sadd.s32 $0x3000, s12  }
0x12: {  	s8 =	sadd.s32 s8, s11;
	s11 =	simm.s32 $0x3;
	s12 =	simm.s32 $0xA000  }
0x13: {  	s9 =	sadd.s32 $0x66000, s15;
	s15 =	sshrl.u32 s17, $0x3;
	s17 =	simm.s32 $0x14080  }
.LBB2_1:
0x14: {  	[tilespmem:s4], [sflag:$0x3] =	stream.linear.gather [hbm4b:s5+s4], $0xA000, $0x38;
	[tilespmem:$0x1FE80] =	vst v63  }
0x15: {  	_ =	swait.ge [sflag:s11], $0xA000  }
0x16: {  	[sflag:s11] =	ssyncset.done $0x0  }
0x17: {  	[sflag:s11] =	ssyncadd.s32 $0xFFFF6000  }
0x18: {  	[tilespmem:s12], [sflag:$0x3] =	stream.linear.gather [hbm4b:s6+s4], $0xA000, $0x38;
	[tilespmem:$0x1FE80] =	vst v63  }
0x19: {  	_ =	swait.ge [sflag:s11], $0xA000  }
0x1a: {  	[sflag:s11] =	ssyncset.done $0x0  }
0x1b: {  	[sflag:s11] =	ssyncadd.s32 $0xFFFF6000  }
0x1c: {  	[spmem:s14], [sflag:s13] =	dma.local [hbm:s7], $0x9E0  }
0x1d: {  	_ =	swait.ge [sflag:s11], $0x9E0  }
0x1e: {  	[sflag:s11] =	ssyncset.done $0x0  }
0x1f: {  	[sflag:s11] =	ssyncadd.s32 $0xFFFFF620  }
0x20: {  	[spmem:s15], [sflag:s13] =	dma.local [hbm:s8], $0x9E0  }
0x21: {  	_ =	swait.ge [sflag:s11], $0x9E0  }
0x22: {  	[sflag:s11] =	ssyncset.done $0x0  }
0x23: {  	[sflag:s11] =	ssyncadd.s32 $0xFFFFF620  }
0x24: {  	[bflag:$0x0] =	sbarrier.arrive $0xFFFF  }
0x25: {  	[tilespmem:s17], [sflag:$0x1] =	stream.indirect.gather [spmem:s3], $0x20, s4, s16, $0xb8;
	[tilespmem:$0x1FE80] =	vst v63  }
0x26: {  	s23 =	simm.s32 $0x80  }
0x27: {  	[tilespmem:s18], [sflag:$0x2] =	stream.indirect.gather [spmem:s3], $0x20, s23, s16, $0xb8;
	[tilespmem:$0x1FE80] =	vst v63  }
0x28: {  	_ =	swait.ge [sflag:s19], $0x1000  }
0x29: {  	[sflag:s19] =	ssyncset.done $0x0  }
0x2a: {  	s31 =	simm.s32 $0x0;
	[sflag:s19] =	ssyncadd.s32 $0xFFFFF000  }
0x2b: {  	v0 =	vld [tilespmem:s31+$0xA000];
	_ =	sdelay $0x4  }
0x2c: {  	[tilespmem:$0x14000] =	vst v0  }
0x2d: {  	v0 =	vld [tilespmem:s31+$0xA010];
	_ =	sdelay $0x4  }
0x2e: {  	[tilespmem:$0x14010] =	vst v0  }
0x2f: {  	v0 =	vld [tilespmem:s31+$0xA020];
	_ =	sdelay $0x4  }
0x30: {  	[tilespmem:$0x14020] =	vst v0  }
0x31: {  	v0 =	vld [tilespmem:s31+$0xA030];
	_ =	sdelay $0x4  }
0x32: {  	[tilespmem:$0x14030] =	vst v0  }
0x33: {  	v0 =	vld [tilespmem:s31+$0xA040];
	_ =	sdelay $0x4  }
0x34: {  	[tilespmem:$0x14040] =	vst v0  }
0x35: {  	v0 =	vld [tilespmem:s31+$0xA050];
	_ =	sdelay $0x4  }
0x36: {  	[tilespmem:$0x14050] =	vst v0  }
0x37: {  	v0 =	vld [tilespmem:s31+$0xA060];
	_ =	sdelay $0x4  }
0x38: {  	[tilespmem:$0x14060] =	vst v0  }
0x39: {  	v0 =	vld [tilespmem:s31+$0xA070];
	_ =	sdelay $0x4  }
0x3a: {  	[tilespmem:$0x14070] =	vst v0  }
0x3b: {  	[spmem:s2] =	stream.indirect.scatter.add.f32 [tilespmem:s17], [sflag:$0x3], $0x20, s20, s16, $0xb8;
	[tilespmem:$0x1FE80] =	vst v63  }
0x3c: {  	_ =	swait.ge [sflag:s11], $0x1000  }
0x3d: {  	[sflag:s11] =	ssyncset.done $0x0  }
0x3e: {  	s24 =	simm.s32 $0x100;
	[sflag:s11] =	ssyncadd.s32 $0xFFFFF000  }
0x3f: {  	[tilespmem:s17], [sflag:$0x1] =	stream.indirect.gather [spmem:s3], $0x20, s24, s16, $0xb8;
	[tilespmem:$0x1FE80] =	vst v63  }
0x40: {  	_ =	swait.ge [sflag:s21], $0x1000  }
0x41: {  	[sflag:s21] =	ssyncset.done $0x0  }
0x42: {  	[sflag:s21] =	ssyncadd.s32 $0xFFFFF000  }
0x43: {  	v63 =	vld [tilespmem:s31+$0xA080];
	_ =	sdelay $0x4  }
0x44: {  	[tilespmem:$0x14000] =	vst v63  }
0x45: {  	v0 =	vld [tilespmem:s31+$0xA090];
	_ =	sdelay $0x4  }
0x46: {  	[tilespmem:$0x14010] =	vst v0  }
0x47: {  	v0 =	vld [tilespmem:s31+$0xA0A0];
	_ =	sdelay $0x4  }
0x48: {  	[tilespmem:$0x14020] =	vst v0  }
0x49: {  	v0 =	vld [tilespmem:s31+$0xA0B0];
	_ =	sdelay $0x4  }
0x4a: {  	[tilespmem:$0x14030] =	vst v0  }
0x4b: {  	v0 =	vld [tilespmem:s31+$0xA0C0];
	_ =	sdelay $0x4  }
0x4c: {  	[tilespmem:$0x14040] =	vst v0  }
0x4d: {  	v0 =	vld [tilespmem:s31+$0xA0D0];
	_ =	sdelay $0x4  }
0x4e: {  	[tilespmem:$0x14050] =	vst v0  }
0x4f: {  	v0 =	vld [tilespmem:s31+$0xA0E0];
	_ =	sdelay $0x4  }
0x50: {  	[tilespmem:$0x14060] =	vst v0  }
0x51: {  	v0 =	vld [tilespmem:s31+$0xA0F0];
	_ =	sdelay $0x4  }
0x52: {  	[tilespmem:$0x14070] =	vst v0  }
0x53: {  	[spmem:s2] =	stream.indirect.scatter.add.f32 [tilespmem:s18], [sflag:$0x3], $0x20, s20, s16, $0xb8;
	[tilespmem:$0x1FE80] =	vst v63  }
0x54: {  	_ =	swait.ge [sflag:s11], $0x1000  }
0x55: {  	s26 =	simm.s32 $0x800;
	s23 =	simm.s32 $0x100;
	[sflag:s11] =	ssyncset.done $0x0  }
.LBB2_2:
0x56: {  	s28 =	sadd.s32 $0x80, s23  }
0x57: {  	[sflag:s11] =	ssyncadd.s32 $0xFFFFF000;
	s25 =	smov.u32 s26;
	s24 =	sadd.s32 $0x400, s26  }
0x58: {  	[tilespmem:s18], [sflag:$0x2] =	stream.indirect.gather [spmem:s3], $0x20, s28, s16, $0xb8;
	[tilespmem:$0x1FE80] =	vst v63  }
0x59: {  	p0 =	sne.s32 s26, $0x27400;
	_ =	swait.ge [sflag:s19], $0x1000  }
0x5a: {  	[sflag:s19] =	ssyncset.done $0x0  }
0x5b: {  	[sflag:s19] =	ssyncadd.s32 $0xFFFFF000  }
0x5c: {  	v0 =	vld [tilespmem:s23+$0xA000];
	_ =	sdelay $0x4  }
0x5d: {  	[tilespmem:$0x14000] =	vst v0  }
0x5e: {  	v0 =	vld [tilespmem:s23+$0xA010];
	_ =	sdelay $0x4  }
0x5f: {  	[tilespmem:$0x14010] =	vst v0  }
0x60: {  	v0 =	vld [tilespmem:s23+$0xA020];
	_ =	sdelay $0x4  }
0x61: {  	[tilespmem:$0x14020] =	vst v0  }
0x62: {  	v0 =	vld [tilespmem:s23+$0xA030];
	_ =	sdelay $0x4  }
0x63: {  	[tilespmem:$0x14030] =	vst v0  }
0x64: {  	v0 =	vld [tilespmem:s23+$0xA040];
	_ =	sdelay $0x4  }
0x65: {  	[tilespmem:$0x14040] =	vst v0  }
0x66: {  	v0 =	vld [tilespmem:s23+$0xA050];
	_ =	sdelay $0x4  }
0x67: {  	[tilespmem:$0x14050] =	vst v0  }
0x68: {  	v0 =	vld [tilespmem:s23+$0xA060];
	_ =	sdelay $0x4  }
0x69: {  	[tilespmem:$0x14060] =	vst v0  }
0x6a: {  	v0 =	vld [tilespmem:s23+$0xA070];
	_ =	sdelay $0x4  }
0x6b: {  	[tilespmem:$0x14070] =	vst v0  }
0x6c: {  	[spmem:s2] =	stream.indirect.scatter.add.f32 [tilespmem:s17], [sflag:$0x3], $0x20, s20, s16, $0xb8;
	[tilespmem:$0x1FE80] =	vst v63  }
0x6d: {  	_ =	swait.ge [sflag:s11], $0x1000  }
0x6e: {  	[sflag:s11] =	ssyncset.done $0x0  }
0x6f: {  	s26 =	sadd.s32 $0x100, s23;
	[sflag:s11] =	ssyncadd.s32 $0xFFFFF000  }
0x70: {  	[tilespmem:s17], [sflag:$0x1] =	stream.indirect.gather [spmem:s3], $0x20, s26, s16, $0xb8;
	[tilespmem:$0x1FE80] =	vst v63  }
0x71: {  	_ =	swait.ge [sflag:s21], $0x1000  }
0x72: {  	[sflag:s21] =	ssyncset.done $0x0  }
0x73: {  	[sflag:s21] =	ssyncadd.s32 $0xFFFFF000  }
0x74: {  	v0 =	vld [tilespmem:s23+$0xA080];
	_ =	sdelay $0x4  }
0x75: {  	[tilespmem:$0x14000] =	vst v0  }
0x76: {  	v0 =	vld [tilespmem:s23+$0xA090];
	_ =	sdelay $0x4  }
0x77: {  	[tilespmem:$0x14010] =	vst v0  }
0x78: {  	v0 =	vld [tilespmem:s23+$0xA0A0];
	_ =	sdelay $0x4  }
0x79: {  	[tilespmem:$0x14020] =	vst v0  }
0x7a: {  	v0 =	vld [tilespmem:s23+$0xA0B0];
	_ =	sdelay $0x4  }
0x7b: {  	[tilespmem:$0x14030] =	vst v0  }
0x7c: {  	v0 =	vld [tilespmem:s23+$0xA0C0];
	_ =	sdelay $0x4  }
0x7d: {  	[tilespmem:$0x14040] =	vst v0  }
0x7e: {  	v0 =	vld [tilespmem:s23+$0xA0D0];
	_ =	sdelay $0x4  }
0x7f: {  	[tilespmem:$0x14050] =	vst v0  }
0x80: {  	v0 =	vld [tilespmem:s23+$0xA0E0];
	_ =	sdelay $0x4  }
0x81: {  	[tilespmem:$0x14060] =	vst v0  }
0x82: {  	v0 =	vld [tilespmem:s23+$0xA0F0];
	_ =	sdelay $0x3  }
.Ltmp0:
0x83: {  	(pc) =	sbr.rel @p0 .LBB2_2-.Ltmp0, $4  }
0x84: {  	[tilespmem:$0x14070] =	vst v0  }
0x85: {  	[spmem:s2] =	stream.indirect.scatter.add.f32 [tilespmem:s18], [sflag:$0x3], $0x20, s20, s16, $0xb8;
	[tilespmem:$0x1FE80] =	vst v63  }
0x86: {  	_ =	swait.ge [sflag:s11], $0x1000  }
0x87: {  	s26 =	smov.u32 s24;
	s23 =	sshra.s32 s25, $0x2;
	[sflag:s11] =	ssyncset.done $0x0  }
0x88: {  	s24 =	sadd.s32 $0x80, s23;
	[sflag:s11] =	ssyncadd.s32 $0xFFFFF000  }
0x89: {  	[tilespmem:s18], [sflag:$0x2] =	stream.indirect.gather [spmem:s3], $0x20, s24, s16, $0xb8;
	[tilespmem:$0x1FE80] =	vst v63  }
0x8a: {  	_ =	swait.ge [sflag:s19], $0x1000  }
0x8b: {  	[sflag:s19] =	ssyncset.done $0x0  }
0x8c: {  	[sflag:s19] =	ssyncadd.s32 $0xFFFFF000  }
0x8d: {  	v0 =	vld [tilespmem:s23+$0xA000];
	_ =	sdelay $0x4  }
0x8e: {  	[tilespmem:$0x14000] =	vst v0  }
0x8f: {  	v0 =	vld [tilespmem:s23+$0xA010];
	_ =	sdelay $0x4  }
0x90: {  	[tilespmem:$0x14010] =	vst v0  }
0x91: {  	v0 =	vld [tilespmem:s23+$0xA020];
	_ =	sdelay $0x4  }
0x92: {  	[tilespmem:$0x14020] =	vst v0  }
0x93: {  	v0 =	vld [tilespmem:s23+$0xA030];
	_ =	sdelay $0x4  }
0x94: {  	[tilespmem:$0x14030] =	vst v0  }
0x95: {  	v0 =	vld [tilespmem:s23+$0xA040];
	_ =	sdelay $0x4  }
0x96: {  	[tilespmem:$0x14040] =	vst v0  }
0x97: {  	v0 =	vld [tilespmem:s23+$0xA050];
	_ =	sdelay $0x4  }
0x98: {  	[tilespmem:$0x14050] =	vst v0  }
0x99: {  	v0 =	vld [tilespmem:s23+$0xA060];
	_ =	sdelay $0x4  }
0x9a: {  	[tilespmem:$0x14060] =	vst v0  }
0x9b: {  	v0 =	vld [tilespmem:s23+$0xA070];
	_ =	sdelay $0x4  }
0x9c: {  	[tilespmem:$0x14070] =	vst v0  }
0x9d: {  	[spmem:s2] =	stream.indirect.scatter.add.f32 [tilespmem:s17], [sflag:$0x3], $0x20, s20, s16, $0xb8;
	[tilespmem:$0x1FE80] =	vst v63  }
0x9e: {  	_ =	swait.ge [sflag:s11], $0x1000  }
0x9f: {  	[sflag:s11] =	ssyncset.done $0x0  }
0xa0: {  	s31 =	sadd.s32 $0x100, s23;
	[sflag:s11] =	ssyncadd.s32 $0xFFFFF000  }
0xa1: {  	[tilespmem:s17], [sflag:$0x1] =	stream.indirect.gather [spmem:s3], $0x20, s31, s16, $0xb8;
	[tilespmem:$0x1FE80] =	vst v63  }
0xa2: {  	_ =	swait.ge [sflag:s21], $0x1000  }
0xa3: {  	[sflag:s21] =	ssyncset.done $0x0  }
0xa4: {  	[sflag:s21] =	ssyncadd.s32 $0xFFFFF000  }
0xa5: {  	v63 =	vld [tilespmem:s23+$0xA080];
	_ =	sdelay $0x4  }
0xa6: {  	[tilespmem:$0x14000] =	vst v63  }
0xa7: {  	v0 =	vld [tilespmem:s23+$0xA090];
	_ =	sdelay $0x4  }
0xa8: {  	[tilespmem:$0x14010] =	vst v0  }
0xa9: {  	v0 =	vld [tilespmem:s23+$0xA0A0];
	_ =	sdelay $0x4  }
0xaa: {  	[tilespmem:$0x14020] =	vst v0  }
0xab: {  	v0 =	vld [tilespmem:s23+$0xA0B0];
	_ =	sdelay $0x4  }
0xac: {  	[tilespmem:$0x14030] =	vst v0  }
0xad: {  	v0 =	vld [tilespmem:s23+$0xA0C0];
	_ =	sdelay $0x4  }
0xae: {  	[tilespmem:$0x14040] =	vst v0  }
0xaf: {  	v0 =	vld [tilespmem:s23+$0xA0D0];
	_ =	sdelay $0x4  }
0xb0: {  	[tilespmem:$0x14050] =	vst v0  }
0xb1: {  	v0 =	vld [tilespmem:s23+$0xA0E0];
	_ =	sdelay $0x4  }
0xb2: {  	[tilespmem:$0x14060] =	vst v0  }
0xb3: {  	v0 =	vld [tilespmem:s23+$0xA0F0];
	_ =	sdelay $0x4  }
0xb4: {  	[tilespmem:$0x14070] =	vst v0  }
0xb5: {  	[spmem:s2] =	stream.indirect.scatter.add.f32 [tilespmem:s18], [sflag:$0x3], $0x20, s20, s16, $0xb8;
	[tilespmem:$0x1FE80] =	vst v63  }
0xb6: {  	_ =	swait.ge [sflag:s11], $0x1000  }
0xb7: {  	[sflag:s11] =	ssyncset.done $0x0  }
0xb8: {  	[sflag:s11] =	ssyncadd.s32 $0xFFFFF000  }
0xb9: {  	_ =	swait.ge [sflag:s19], $0x1000  }
0xba: {  	s22 =	sadd.s32 $0x1, s22;
	[sflag:s19] =	ssyncset.done $0x0  }
0xbb: {  	p0 =	sne.s32 s22, s10;
	[sflag:s19] =	ssyncadd.s32 $0xFFFFF000  }
.Ltmp1:
0xbc: {  	[bflag:$0x0] =	sbarrier.arrive $0xFFFF;
	(pc) =	sbr.rel @p0 .LBB2_1-.Ltmp1, $4  }
0xbd: {  	[hbm:s9], [sflag:s13] =	dma.local [spmem:s14], $0x9E0  }
0xbe: {  	_ =	swait.ge [sflag:s11], $0x9E0  }
0xbf: {  	[sflag:s11] =	ssyncset.done $0x0  }
0xc0: {  	[sflag:s11] =	ssyncadd.s32 $0xFFFFF620  }
0xc1: {  	_ =	sfence.sel $0x180000  }
0xc2: {  	[bflag:$0x0] =	sbarrier.arrive $0xFFFF  }
0xc3: {  	p0 =	sne.s32 s1, $0x0;
	_ =	strace $0x9000004D  }
0xc4: {  	s0 =	sadd.s32 @!p0 $0x100000, s0;
	[bflag:$0x2] =	sbarrier.arrive $0xFFFF  }
0xc5: {  	[sflag:s0] =	ssyncadd.tile.s32 @!p0 $0x1;
	_ =	shalt  }
.Lfunc_end2:
_tile_overlayer_lowered:
.L_overlay_start_2:
0xc6: {  	(tag) =	ssettag $0x2  }
0xc7: {  	s0 =	rddreg [dreg:$0x0];
	s2 =	stileid.u32  }
0xc8: {  	s1 =	rddreg [dreg:$0x1];
	p0 =	sne.s32 s2, $0x0  }
0xc9: {  	s3 =	rddreg [dreg:$0x2];
	[bflag:$0x3] =	sbarrier.arrive $0xFFFF;
	s2 =	simm.s32 @!p0 $0x1C03  }
0xca: {  	[timem:s3], [sflag:s2] =	dma.local @!p0 [hbm:s0], s1  }
0xcb: {  	s0 =	simm.s32 @!p0 $0x3  }
0xcc: {  	_ =	swait.ge @!p0 [sflag:s0], s1  }
0xcd: {  	s1 =	ssub.s32 @!p0 $0x0, s1;
	[sflag:s0] =	ssyncset.done @!p0 $0x0  }
0xce: {  	[sflag:s0] =	ssyncadd.s32 @!p0 s1  }
0xcf: {  	[bflag:$0x3] =	sbarrier.arrive $0xFFFF  }
0xd0: {  	_ =	shalt  }

// kernel: kernel.19.cloned.1.call-start
scs
__scs_entry_jumppad:
0x0: {  	(pc) =	sbr.rel $0x88, $3  }
0x1: {  	(tag) =	ssettag $0x0;
	lr =	simm.s32 $0x1  }
0x2: {  	[smem:$0x3F92] =	sst lr;
	_ =	strace $0xD0000000  }
0x3: {  	_ = 	snop  }
0x4: {  	_ = 	snop  }
0x5: {  	_ = 	snop  }
0x6: {  	_ = 	snop  }
0x7: {  	_ = 	snop  }
__scs_overlays_trampoline_lowered:
0x8: {  	[smem:$0x3FA1] =	sst s0  }
0x9: {  	[smem:$0x3FA2] =	sst s1  }
0xa: {  	[smem:$0x3FA3] =	sst s2  }
0xb: {  	[smem:$0x3FA4] =	sst s3  }
0xc: {  	[smem:$0x3FA5] =	sst s4  }
0xd: {  	[smem:$0x3FA6] =	sst s5  }
0xe: {  	[smem:$0x3FA7] =	sst s6  }
0xf: {  	[smem:$0x3FA8] =	sst s7  }
0x10: {  	[smem:$0x3FA9] =	sst s8  }
0x11: {  	[smem:$0x3FAA] =	sst s9;
	s0 =	simm.s32 @!p0 $0x0  }
0x12: {  	s1 =	sld [smem:$0x3F90];
	s0 =	simm.s32 @p0 $0x1  }
0x13: {  	[smem:$0x3FAB] =	sst s0;
	s0 =	simm.s32 @!p1 $0x0  }
0x14: {  	s2 =	sld [smem:$0x3F8F];
	s0 =	simm.s32 @p1 $0x1  }
0x15: {  	[smem:$0x3FAC] =	sst s0;
	s0 =	simm.s32 @!p2 $0x0  }
0x16: {  	s3 =	sld [smem:$0x3FDB];
	s0 =	simm.s32 @p2 $0x1  }
0x17: {  	s4 =	simm.s32 $0x1BF5;
	[smem:$0x3FAE] =	sst s0  }
0x18: {  	s0 =	sld [smem:$0x3F91];
	_ =	swait.ge [sflag:s4], $0x0  }
0x19: {  	s7 =	sld [smem:$0x3F92]  }
0x1a: {  	s8 =	sadd.s32 $0xFFFFE003, lr  }
0x1b: {  	s9 =	sadd.s32 $0xFFFFFEF7, lr;
	s5 =	simm.s32 $0xFFFFFFFF;
	p2 =	slt.u32 s8, $0xFFFFF086  }
0x1c: {  	p1 =	slt.u32 s9, $0xF7A;
	s5 =	simm.s32 @!p2 $0x0  }
0x1d: {  	s5 =	simm.s32 @p1 $0x1;
	p0 =	seq.s32 s7, s2  }
0x1e: {  	s7 =	smul.u32 @!p0 $0xF7A, s2;
	p2 =	seq.s32 @!p0 s5, $0x0  }
0x1f: {  	s9 =	smul.u32 $0xF7A, s1;
	s8 =	simm.s32 @!p0 $0x1BF5;
	p2 =	por !p2, p0  }
0x20: {  	[sflag:s8] =	ssyncset.s32 @!p0 $0xFFFFF086;
	s6 =	sadd.s32 @!p0 s3, s7;
	s7 =	simm.s32 @!p0 $0x108  }
0x21: {  	s3 =	sadd.s32 s3, s9;
	s6 =	sadd.s32 @!p0 $0x88, s6;
	s7 =	simm.s32 @p2 $0x1082  }
0x22: {  	[simem:s7], [sflag:s8] =	dma.local @!p0 [hbm:s6], $0xF7A  }
0x23: {  	s9 =	sor.u32 $0xD0000000, s2;
	s6 =	simm.s32 $0x108;
	_ =	swait.ge @!p0 [sflag:s8], $0x0  }
0x24: {  	s3 =	sadd.s32 $0x88, s3;
	s6 =	simm.s32 @!p1 $0x1082;
	[sflag:s4] =	ssyncset.s32 $0xFFFFF086  }
0x25: {  	[simem:s6], [sflag:s4] =	dma.local [hbm:s3], $0xF7A  }
0x26: {  	[smem:$0x3F92] =	sst s1;
	(tag) =	ssettag s2;
	_ =	strace s9  }
0x27: {  	s1 =	sld [smem:$0x3FA2]  }
0x28: {  	s2 =	sld [smem:$0x3FA3]  }
0x29: {  	s4 =	sld [smem:$0x3FA5]  }
0x2a: {  	p0 =	seq.s32 s5, $0x0;
	s5 =	sld [smem:$0x3FA6]  }
0x2b: {  	s6 =	sld [smem:$0x3FA7]  }
0x2c: {  	s7 =	sld [smem:$0x3FA8]  }
0x2d: {  	s3 =	simm.s32 $0x108;
	s8 =	sld [smem:$0x3FA9]  }
0x2e: {  	s3 =	simm.s32 @!p0 $0x1082;
	s9 =	sld [smem:$0x3FAA]  }
0x2f: {  	lr =	sadd.s32 s0, s3;
	s0 =	sld [smem:$0x3FA1]  }
0x30: {  	s3 =	sld [smem:$0x3FA4]  }
0x31: {  	[smem:$0x3FAD] =	sst s10  }
0x32: {  	s10 =	sld [smem:$0x3FAB];
	_ =	sdelay $0x3  }
0x33: {  	p0 =	seq.s32 s10, $0x1;
	s10 =	sld [smem:$0x3FAD];
	_ =	sdelay $0x3  }
0x34: {  	[smem:$0x3FAD] =	sst s10  }
0x35: {  	s10 =	sld [smem:$0x3FAC];
	_ =	sdelay $0x3  }
0x36: {  	p1 =	seq.s32 s10, $0x1;
	s10 =	sld [smem:$0x3FAD];
	_ =	sdelay $0x3  }
0x37: {  	[smem:$0x3FAD] =	sst s10  }
0x38: {  	s10 =	sld [smem:$0x3FAE]  }
0x39: {  	_ = 	snop;
	(pc) =	sbr.ind lr, $3  }
0x3a: {  	_ = 	snop  }
0x3b: {  	_ = 	snop  }
0x3c: {  	p2 =	seq.s32 s10, $0x1;
	s10 =	sld [smem:$0x3FAD]  }
0x3d: {  	_ =	shalt  }
0x3e: {  	_ =	shalt  }
0x3f: {  	_ =	shalt  }
0x40: {  	_ =	shalt  }
0x41: {  	_ =	shalt  }
0x42: {  	_ =	shalt  }
0x43: {  	_ =	shalt  }
0x44: {  	_ =	shalt  }
0x45: {  	_ =	shalt  }
0x46: {  	_ =	shalt  }
0x47: {  	_ =	shalt  }
0x48: {  	_ =	shalt  }
0x49: {  	_ =	shalt  }
0x4a: {  	_ =	shalt  }
0x4b: {  	_ =	shalt  }
0x4c: {  	_ =	shalt  }
0x4d: {  	_ =	shalt  }
0x4e: {  	_ =	shalt  }
0x4f: {  	_ =	shalt  }
0x50: {  	_ =	shalt  }
0x51: {  	_ =	shalt  }
0x52: {  	_ =	shalt  }
0x53: {  	_ =	shalt  }
0x54: {  	_ =	shalt  }
0x55: {  	_ =	shalt  }
0x56: {  	_ =	shalt  }
0x57: {  	_ =	shalt  }
0x58: {  	_ =	shalt  }
0x59: {  	_ =	shalt  }
0x5a: {  	_ =	shalt  }
0x5b: {  	_ =	shalt  }
0x5c: {  	_ =	shalt  }
0x5d: {  	_ =	shalt  }
0x5e: {  	_ =	shalt  }
0x5f: {  	_ =	shalt  }
0x60: {  	_ =	shalt  }
0x61: {  	_ =	shalt  }
0x62: {  	_ =	shalt  }
0x63: {  	_ =	shalt  }
0x64: {  	_ =	shalt  }
0x65: {  	_ =	shalt  }
0x66: {  	_ =	shalt  }
0x67: {  	_ =	shalt  }
0x68: {  	_ =	shalt  }
0x69: {  	_ =	shalt  }
0x6a: {  	_ =	shalt  }
0x6b: {  	_ =	shalt  }
0x6c: {  	_ =	shalt  }
0x6d: {  	_ =	shalt  }
0x6e: {  	_ =	shalt  }
0x6f: {  	_ =	shalt  }
0x70: {  	_ =	shalt  }
0x71: {  	_ =	shalt  }
0x72: {  	_ =	shalt  }
0x73: {  	_ =	shalt  }
0x74: {  	_ =	shalt  }
0x75: {  	_ =	shalt  }
0x76: {  	_ =	shalt  }
0x77: {  	_ =	shalt  }
0x78: {  	_ =	shalt  }
0x79: {  	_ =	shalt  }
0x7a: {  	_ =	shalt  }
0x7b: {  	_ =	shalt  }
0x7c: {  	_ =	shalt  }
0x7d: {  	_ =	shalt  }
0x7e: {  	_ =	shalt  }
0x7f: {  	_ =	shalt  }
0x80: {  	_ =	shalt  }
0x81: {  	_ =	shalt  }
0x82: {  	_ =	shalt  }
0x83: {  	_ =	shalt  }
0x84: {  	_ =	shalt  }
0x85: {  	_ =	shalt  }
0x86: {  	_ =	shalt  }
0x87: {  	_ =	shalt  }
.Lfunc_end0:
.L_simem_size_0:
called_computation.3_lowered:
.L_overlay_start_0:
0x88: {  	s2 =	sld [smem:$0x3FD9]  }
0x89: {  	s3 =	sld [smem:$0x3FFE];
	_ =	sdelay $0x1  }
0x8a: {  	s1 =	srdreg.scid  }
0x8b: {  	s0 =	sand.u32 $0x1, s1  }
0x8c: {  	s14 =	sshll.u32 s0, $0xA;
	s2 =	sadd.s32 s3, s2  }
0x8d: {  	s2 =	sadd.s32 s2, s14  }
0x8e: {  	[smem:$0x3FB9] =	sst s2  }
0x8f: {  	_ = 	snop  }
0x90: {  	s2 =	sld [smem:$0x3FD0];
	_ =	sdelay $0x2  }
0x91: {  	s4 =	simm.s32 $0xA;
	s5 =	simm.s32 $0x10;
	s15 =	sld [smem:$0x3FC7]  }
0x92: {  	[smem:s5], [sflag:s4] =	dma.local [hbm:s2], $0x1  }
0x93: {  	_ =	swait.eq [sflag:s4], $0x1  }
0x94: {  	[sflag:s4] =	ssyncset.done $0x0  }
0x95: {  	[sflag:s4] =	ssyncadd.s32 $0xFFFFFFFF  }
0x96: {  	s16 =	sld [smem:$0x12];
	(tm) =	ssettm $0x1  }
0x97: {  	s17 =	sld [smem:$0x3FFB];
	_ =	sdelay $0x3  }
0x98: {  	_ =	strace s17  }
0x99: {  	s4 =	sld [smem:$0x3FFC];
	_ =	sdelay $0x3  }
0x9a: {  	_ =	strace s4  }
0x9b: {  	s4 =	sld [smem:$0x3FFD];
	_ =	sdelay $0x3  }
0x9c: {  	_ =	strace s4  }
0x9d: {  	_ =	strace $0x8FFFFFFF  }
0x9e: {  	s18 =	sld [smem:$0x3FDB];
	_ =	sdelay $0x1  }
0x9f: {  	s19 =	simm.s32 $_scs_section_size  }
0xa0: {  	s6 =	simm.s32 $_size__tile_overlayer_lowered;
	s7 =	simm.s32 $_tile_overlayer_lowered  }
0xa1: {  	s22 =	simm.s32 $0x1BFF;
	s21 =	sshll.u32 s7, $0x1;
	s4 =	sadd.s32 s19, s18  }
0xa2: {  	s8 =	simm.s32 $0x0;
	s20 =	sshll.u32 s6, $0x1;
	s6 =	sadd.s32 s21, s4  }
0xa3: {  	[timem:s8], [sflag:s22] =	dma.local [hbm:s6], s20  }
0xa4: {  	_ =	swait.ge [sflag:s22], s20  }
0xa5: {  	s5 =	ssub.s32 $0x0, s20;
	[sflag:s22] =	ssyncset.done $0x0  }
0xa6: {  	[sflag:s22] =	ssyncadd.s32 s5;
	_ =	sdelay $0x1  }
0xa7: {  	s23 =	simm.s32 $0x1B8B  }
0xa8: {  	_ =	swait.ge [sflag:s23], $0x1  }
0xa9: {  	[sflag:s23] =	ssyncset.done $0x0  }
0xaa: {  	s25 =	simm.s32 $0x1B8E;
	s24 =	sld [smem:$0x3FFE];
	[sflag:s23] =	ssyncadd.s32 $0xFFFFFFFF  }
0xab: {  	s26 =	simm.s32 $execute0_lowered;
	[smem:$0x3FD2] =	sst s25  }
0xac: {  	s6 =	sshll.u32 s26, $0x1;
	_ =	strace $0x8000004F;
	[dreg:$0x1] =	wrdreg $0xFFFFFFFF  }
0xad: {  	s28 =	simm.s32 $_size_execute0_lowered;
	s4 =	sadd.s32 s4, s6;
	[dreg:$0x0] =	wrdreg $0x0  }
0xae: {  	s6 =	sshll.u32 s28, $0x1;
	[dreg:$0x2] =	wrdreg s4  }
0xaf: {  	[dreg:$0x3] =	wrdreg s6  }
0xb0: {  	[dreg:$0x4] =	wrdreg $0xC0  }
0xb1: {  	_ =	task [dreg:s8], $0x5FFFF  }
0xb2: {  	[dreg:$0x1] =	wrdreg $0xFFFFFFFF  }
0xb3: {  	[dreg:$0x0] =	wrdreg $0x60  }
0xb4: {  	[dreg:$0x2] =	wrdreg s15  }
0xb5: {  	[dreg:$0x3] =	wrdreg s16  }
0xb6: {  	[dreg:$0x4] =	wrdreg s24  }
0xb7: {  	[dreg:$0x5] =	wrdreg $0x9  }
0xb8: {  	_ =	task.clear_ibuf [dreg:s8], $0x6FFFF;
	_ =	strace $0x9000004F  }
0xb9: {  	s29 =	simm.s32 $0x9;
	_ =	strace $0x80000051  }
0xba: {  	_ =	swait.ge [sflag:s29], $0x1  }
0xbb: {  	[sflag:s29] =	ssyncadd.s32 $0xFFFFFFFF  }
0xbc: {  	_ =	strace $0x90000051  }
0xbd: {  	_ =	sfence  }
0xbe: {  	s30 =	sld [smem:$0x0];
	_ =	sdelay $0x2  }
0xbf: {  	s31 =	sshll.u32 s1, $0xD;
	s1 =	sshrl.u32 s1, $0x2  }
0xc0: {  	s3 =	sand.u32 $0x4000, s31;
	s1 =	sadd.s32 s1, s30  }
0xc1: {  	s0 =	sor.u32 s3, s0;
	s1 =	sshll.u32 s1, $0x11  }
0xc2: {  	s0 =	sor.u32 s1, s0  }
0xc3: {  	s0 =	sadd.s32 $0x8F2B, s0  }
0xc4: {  	[sflag:s0] =	ssyncadd.remote.s32 $0x1  }
0xc5: {  	_ =	sfence.sel $0xFFFF  }
0xc6: {  	[dreg:$0x0] =	wrdreg $0xFFFFFFFF;
	(pc) =	sbr.abs _section_cstart, $3  }
0xc7: {  	[dreg:$0x1] =	wrdreg $0xFFFFFFFF  }
0xc8: {  	_ =	task.clear_ibuf [dreg:s8], $0x2FFFF;
	_ =	strace $0x9FFFFFFF  }
0xc9: {  	(tm) =	ssettm $0x7FFFFFFF  }
tec
execute0_lowered:
.L_overlay_start_1:
0x0: {  	(tag) =	ssettag $0x1  }
0x1: {  	s4 =	rddreg [dreg:$0x0];
	s1 =	srdreg.scid  }
0x2: {  	s2 =	rddreg [dreg:$0x1];
	s0 =	stileid.u32  }
0x3: {  	s8 =	rddreg [dreg:$0x2];
	s3 =	simm.s32 $0x0;
	s6 =	sand.u32 $0x1, s1  }
0x4: {  	s7 =	sshll.u32 s0, $0x7;
	s1 =	rddreg [dreg:$0x3];
	s5 =	sshll.u32 s6, $0xB  }
0x5: {  	[smem:$0x7FF] =	sst s3;
	s9 =	sor.u32 s7, s5  }
0x6: {  	_ =	strace $0x80000050;
	s10 =	ssub.s32 $0x2, s6;
	s5 =	sshrl.u32 s9, $0x3  }
0x7: {  	s6 =	simm.s32 $0x80;
	s5 =	sadd.s32 s4, s5;
	s4 =	simm.s32 $0x2  }
0x8: {  	[tilespmem:s3], [sflag:$0x2] =	stream.linear.gather [hbm4b:s5+s3], $0x80, $0x38;
	[tilespmem:$0x2080] =	vst v63  }
0x9: {  	s7 =	simm.s32 $0x1;
	s11 =	sshrl.u32 s10, $0x1;
	_ =	swait.ge [sflag:s4], $0x80  }
0xa: {  	s9 =	sshll.u32 s9, $0x3;
	s31 =	ssub.s32 s10, s11;
	[sflag:s4] =	ssyncset.done $0x0  }
0xb: {  	s8 =	sadd.s32 s9, s8;
	s9 =	smax.u32 s31, $0x1;
	[sflag:s4] =	ssyncadd.s32 $0xFFFFFF80  }
0xc: {  	[tilespmem:s6], [sflag:$0x1] =	stream.indirect.gather [hbm4b:s2+s6], $0x40, s3, s6, $0xb8;
	[tilespmem:$0x2080] =	vst v63  }
0xd: {  	p0 =	sne.s32 s9, $0x1;
	_ =	swait.ge [sflag:s7], $0x2000  }
.Ltmp0:
0xe: {  	[sflag:s7] =	ssyncset.done $0x0;
	(pc) =	sbr.rel @!p0 .LBB2_2-.Ltmp0, $4  }
0xf: {  	s8 =	sadd.s32 $0x3000, s8;
	[sflag:s7] =	ssyncadd.s32 $0xFFFFE000  }
0x10: {  	[hbm4b:s8+s3] =	stream.linear.scatter [tilespmem:s6], [sflag:$0x2], $0x2000, $0x38;
	[tilespmem:$0x2080] =	vst v63  }
0x11: {  	_ =	swait.ge [sflag:s4], $0x2000  }
0x12: {  	s9 =	sadd.s32 $0xFFFFFFFF, s9;
	[sflag:s4] =	ssyncset.done $0x0  }
.LBB2_1:
0x13: {  	p0 =	sne.s32 s9, $0x1;
	s9 =	sadd.s32 $0xFFFFFFFF, s9;
	[sflag:s4] =	ssyncadd.s32 $0xFFFFE000  }
0x14: {  	[tilespmem:s3], [sflag:$0x2] =	stream.linear.gather [hbm4b:s5+s3], $0x80, $0x38;
	[tilespmem:$0x2080] =	vst v63  }
0x15: {  	_ =	swait.ge [sflag:s4], $0x80  }
0x16: {  	[sflag:s4] =	ssyncset.done $0x0  }
0x17: {  	[sflag:s4] =	ssyncadd.s32 $0xFFFFFF80  }
0x18: {  	[tilespmem:s6], [sflag:$0x1] =	stream.indirect.gather [hbm4b:s2+s6], $0x40, s3, s6, $0xb8;
	[tilespmem:$0x2080] =	vst v63  }
0x19: {  	_ =	swait.ge [sflag:s7], $0x2000  }
.Ltmp1:
0x1a: {  	[sflag:s7] =	ssyncset.done $0x0;
	(pc) =	sbr.rel @p0 .LBB2_1-.Ltmp1, $4  }
0x1b: {  	[sflag:s7] =	ssyncadd.s32 $0xFFFFE000  }
0x1c: {  	[hbm4b:s8+s3] =	stream.linear.scatter [tilespmem:s6], [sflag:$0x2], $0x2000, $0x38;
	[tilespmem:$0x2080] =	vst v63  }
0x1d: {  	_ =	swait.ge [sflag:s4], $0x2000  }
0x1e: {  	[sflag:s4] =	ssyncset.done $0x0  }
.LBB2_2:
0x1f: {  	[sflag:s4] =	ssyncadd.s32 $0xFFFFE000  }
0x20: {  	_ =	sfence.sel $0x180000  }
0x21: {  	[bflag:$0x0] =	sbarrier.arrive $0xFFFF  }
0x22: {  	p0 =	sne.s32 s0, $0x0;
	_ =	strace $0x90000050  }
0x23: {  	s0 =	sadd.s32 @!p0 $0x100000, s1;
	[bflag:$0x2] =	sbarrier.arrive $0xFFFF  }
0x24: {  	[sflag:s0] =	ssyncadd.tile.s32 @!p0 $0x1;
	_ =	shalt  }
.Lfunc_end2:
_tile_overlayer_lowered:
.L_overlay_start_2:
0x25: {  	(tag) =	ssettag $0x2  }
0x26: {  	s0 =	rddreg [dreg:$0x0];
	s2 =	stileid.u32  }
0x27: {  	s1 =	rddreg [dreg:$0x1];
	p0 =	sne.s32 s2, $0x0  }
0x28: {  	s3 =	rddreg [dreg:$0x2];
	[bflag:$0x3] =	sbarrier.arrive $0xFFFF;
	s2 =	simm.s32 @!p0 $0x1C02  }
0x29: {  	[timem:s3], [sflag:s2] =	dma.local @!p0 [hbm:s0], s1  }
0x2a: {  	s0 =	simm.s32 @!p0 $0x2  }
0x2b: {  	_ =	swait.ge @!p0 [sflag:s0], s1  }
0x2c: {  	s1 =	ssub.s32 @!p0 $0x0, s1;
	[sflag:s0] =	ssyncset.done @!p0 $0x0  }
0x2d: {  	[sflag:s0] =	ssyncadd.s32 @!p0 s1  }
0x2e: {  	[bflag:$0x3] =	sbarrier.arrive $0xFFFF  }
0x2f: {  	_ =	shalt  }

</sc_bundles>
